<compile_context>
chip_gen: v7x
topology: tpu7x:2x2x1
jax: 0.10.2.dev20260603
libtpu: 0.0.44.dev20260713+nightly
codegen_flags: <defaults>
</compile_context>

<pallas_src>
import functools
import math

import jax
import jax.numpy as jnp
import numpy as np
from jax import lax
from jax.experimental import pallas as pl
from jax.experimental.pallas import tpu as pltpu
from jax.experimental.pallas import tpu_sc as plsc

_D_MODEL = 1024
_MAX_LEN = 2048
_BATCH = 4
_SEQ = 2048


def _pe_table(max_len, d_model):
    pe = np.zeros((max_len, d_model), dtype=np.float32)
    pos = np.arange(max_len, dtype=np.float32)[:, None]
    div = np.exp(
        np.arange(0, d_model, 2, dtype=np.float32) * (-math.log(10000.0) / d_model)
    )
    pe[:, 0::2] = np.sin(pos * div)
    pe[:, 1::2] = np.cos(pos * div[: d_model // 2])
    return pe


_PE = _pe_table(_MAX_LEN, _D_MODEL)

_NC = 2
_NS = 16
_NW = _NC * _NS
_LANES = 16
_S_SC = 256
_ROWS_W = _S_SC // _NW
_ND = _D_MODEL // _LANES
_DC = 16

_mesh = plsc.VectorSubcoreMesh(core_axis_name="c", subcore_axis_name="s")


@functools.partial(
    pl.kernel,
    mesh=_mesh,
    out_type=jax.ShapeDtypeStruct((_BATCH, _SEQ, _D_MODEL), jnp.float32),
    scratch_types=[
        pltpu.VMEM((2, _D_MODEL), jnp.float32),
        pltpu.VMEM((_BATCH, _ROWS_W + _LANES), jnp.int32),
        pltpu.VMEM((_ROWS_W, _D_MODEL), jnp.float32),
        pltpu.VMEM((2, _ROWS_W, _D_MODEL), jnp.float32),
        pltpu.SemaphoreType.DMA,
        pltpu.SemaphoreType.DMA,
    ],
)
def _sc_embed(x_hbm, tab_hbm, pe_hbm, out_hbm, tb_v, x_v, pe_v, o_v, o_sem, i_sem):
    wid = lax.axis_index("s") * _NC + lax.axis_index("c")
    l0 = wid * _ROWS_W
    c_tab = pltpu.async_copy(tab_hbm, tb_v, i_sem)
    c_x = pltpu.async_copy(
        x_hbm.at[:, pl.ds(l0, _ROWS_W)], x_v.at[:, pl.ds(0, _ROWS_W)], i_sem
    )
    c_pe = pltpu.async_copy(pe_hbm.at[pl.ds(l0, _ROWS_W)], pe_v, i_sem)
    c_tab.wait()
    c_x.wait()
    c_pe.wait()

    def batch_body(b, carry2):
        par = b % 2

        @pl.when(b >= 2)
        def _wait_older_store():
            pltpu.make_async_copy(
                o_v.at[par], out_hbm.at[b, pl.ds(l0, _ROWS_W)], o_sem
            ).wait()

        w16 = x_v[b, pl.ds(0, _LANES)].astype(jnp.float32)
        for dc in range(0, _ND, _DC):
            diffs = [
                tb_v[1, pl.ds((dc + j) * _LANES, _LANES)]
                - tb_v[0, pl.ds((dc + j) * _LANES, _LANES)]
                for j in range(_DC)
            ]

            def row_body(r, carry3, dc=dc, diffs=diffs, w16=w16):
                wv = lax.gather(
                    w16,
                    jnp.full((_LANES, 1), r, jnp.int32),
                    dimension_numbers=lax.GatherDimensionNumbers(
                        offset_dims=(),
                        collapsed_slice_dims=(0,),
                        start_index_map=(0,),
                    ),
                    slice_sizes=(1,),
                    mode=lax.GatherScatterMode.PROMISE_IN_BOUNDS,
                )
                pes = [
                    pe_v[r, pl.ds((dc + j) * _LANES, _LANES)] for j in range(_DC)
                ]
                outs = [pes[j] + wv * diffs[j] for j in range(_DC)]
                for j in range(_DC):
                    o_v[par, r, pl.ds((dc + j) * _LANES, _LANES)] = outs[j]
                return carry3

            lax.fori_loop(0, _ROWS_W, row_body, 0)
        pltpu.async_copy(o_v.at[par], out_hbm.at[b, pl.ds(l0, _ROWS_W)], o_sem)
        return carry2

    lax.fori_loop(0, _BATCH, batch_body, 0)
    for _ in range(2):
        pltpu.make_async_copy(
            o_v.at[0], out_hbm.at[0, pl.ds(l0, _ROWS_W)], o_sem
        ).wait()


_LB = 256
_TC_OFF = _S_SC // _LB


def _tc_body(x_ref, tab_ref, pe_ref, alias_ref, out_ref):
    row0 = tab_ref[0, :]
    diff = tab_ref[1, :] - row0
    base = pe_ref[:, :] + row0[None, :]
    w = x_ref[:, :].astype(jnp.float32)[:, :, None]
    out_ref[:, :, :] = base[None, :, :] + w * diff[None, None, :]


def kernel(x, embed_table):
    pe0_sc = jnp.asarray(_PE[:_S_SC]) + embed_table[0][None, :]
    sc_out = _sc_embed(x, embed_table, pe0_sc)
    n_tc = (_SEQ - _S_SC) // _LB
    return pl.pallas_call(
        _tc_body,
        grid=(n_tc,),
        in_specs=[
            pl.BlockSpec((_BATCH, _LB), lambda i: (0, i + _TC_OFF)),
            pl.BlockSpec((2, _D_MODEL), lambda i: (0, 0)),
            pl.BlockSpec((_LB, _D_MODEL), lambda i: (i + _TC_OFF, 0)),
            pl.BlockSpec(memory_space=pl.ANY),
        ],
        out_specs=pl.BlockSpec(
            (_BATCH, _LB, _D_MODEL), lambda i: (0, i + _TC_OFF, 0)
        ),
        out_shape=jax.ShapeDtypeStruct((_BATCH, _SEQ, _D_MODEL), jnp.float32),
        input_output_aliases={3: 0},
    )(x, embed_table, _PE, sc_out)

# --- scband reference (transcript-rebuilt; emitter-appended) ---
"""Pipeline reference for scband-bit-embedding-80917183856750 (READ-ONLY COPY).

The authoritative reference and input builder live on the scoring server;
editing this copy changes nothing except your own understanding.
"""

import jax, jax.numpy as jnp
import numpy as np
import math

D_MODEL = 1024
MAX_LEN = 2048
BATCH = 4
SEQ_LEN = 2048

def _make_pe(max_len, d_model):
    pe = np.zeros((max_len, d_model), dtype=np.float32)
    pos = np.arange(max_len, dtype=np.float32)[:, None]
    div = np.exp(np.arange(0, d_model, 2, dtype=np.float32) * (-math.log(10000.0) / d_model))
    pe[:, 0::2] = np.sin(pos * div)
    pe[:, 1::2] = np.cos(pos * div[: d_model // 2])
    return jnp.asarray(pe)

PE = _make_pe(MAX_LEN, D_MODEL)

def setup_inputs(seed: int = 0) -> dict:
    key = jax.random.key(seed)
    k_x, k_w = jax.random.split(key)
    x = jax.random.randint(k_x, (BATCH, SEQ_LEN), 0, 2, dtype=jnp.int64 if jax.config.read('jax_enable_x64') else jnp.int32)
    embed_table = jax.random.normal(k_w, (2, D_MODEL), dtype=jnp.float32)
    return {"x": x, "embed_table": embed_table}

def reference(x, embed_table):
    # nn.Embedding lookup: gather rows of the 2-row table
    emb = jnp.take(embed_table, x, axis=0)            # [B, L, d_model]
    # add positional encoding for first L positions (broadcast over batch)
    out = emb + PE[: x.shape[1]][None, :, :]
    return out

if __name__ == "__main__":
    import jax
    _d = setup_inputs()
    print(jax.jit(kernel)(*tuple(_d.values())))

</pallas_src>

<mosaic_0001>
#map = affine_map<(d0, d1) -> (0, 0)>
#map1 = affine_map<(d0, d1) -> (0, 0, 0)>
module attributes {stable_mosaic.version = 14 : i64} {
  func.func @_sc_embed(%arg0: i32, %arg1: i32, %arg2: memref<4x2048xi32, #tpu.memory_space<hbm>>, %arg3: memref<2x1024xf32, #tpu.memory_space<hbm>>, %arg4: memref<256x1024xf32, #tpu.memory_space<hbm>>, %arg5: memref<4x2048x1024xf32, #tpu.memory_space<hbm>>, %arg6: memref<2x1024xf32, #tpu.memory_space<vmem>>, %arg7: memref<4x24xi32, #tpu.memory_space<vmem>>, %arg8: memref<8x1024xf32, #tpu.memory_space<vmem>>, %arg9: memref<2x8x1024xf32, #tpu.memory_space<vmem>>, %arg10: memref<!tpu.dma_semaphore, #tpu.memory_space<semaphore_mem>>, %arg11: memref<!tpu.dma_semaphore, #tpu.memory_space<semaphore_mem>>) attributes {dimension_semantics = [#tpu.dimension_semantics<core_parallel>, #tpu.dimension_semantics<subcore_parallel>], iteration_bounds = array<i64: 2, 16>, scalar_prefetch = 0 : i64, scratch_operands = 6 : i64, tpu.core_type = #tpu.core_type<sc_vector_subcore>, window_params = [{transform_indices = #map}, {transform_indices = #map}, {transform_indices = #map}, {transform_indices = #map1}]} {
    %mul3A = arith.constant 2 : i32
    %mul3A_0 = arith.muli %arg1, %mul3A : i32
    %add3A = arith.addi %mul3A_0, %arg0 : i32
    %mul3A_1 = arith.constant 8 : i32
    %mul3A_2 = arith.muli %add3A, %mul3A_1 : i32
    tpu.enqueue_dma source(%arg3 : memref<2x1024xf32, #tpu.memory_space<hbm>>) target(%arg6 : memref<2x1024xf32, #tpu.memory_space<vmem>>) target_semaphore(%arg11 : memref<!tpu.dma_semaphore, #tpu.memory_space<semaphore_mem>>)
    %dma_start3A = arith.constant 0 : i32
    %dma_start3A_3 = arith.constant 0 : i32
    %dma_start3A_4 = tpu.memref_slice %arg7[%dma_start3A, %dma_start3A_3] : memref<4x24xi32, #tpu.memory_space<vmem>> -> memref<4x8xi32, #tpu.memory_space<vmem>>
    %dma_start3A_5 = arith.constant 0 : i32
    %dma_start3A_6 = tpu.memref_slice %arg2[%dma_start3A_5, %mul3A_2] : memref<4x2048xi32, #tpu.memory_space<hbm>> -> memref<4x8xi32, #tpu.memory_space<hbm>>
    %dma_start3A_7 = arith.constant 0 : i32
    %dma_start3A_8 = arith.constant 0 : i32
    %dma_start3A_9 = tpu.memref_slice %arg7[%dma_start3A_7, %dma_start3A_8] : memref<4x24xi32, #tpu.memory_space<vmem>> -> memref<4x8xi32, #tpu.memory_space<vmem>>
    %dma_start3A_10 = arith.constant 0 : i32
    %dma_start3A_11 = tpu.memref_slice %arg2[%dma_start3A_10, %mul3A_2] : memref<4x2048xi32, #tpu.memory_space<hbm>> -> memref<4x8xi32, #tpu.memory_space<hbm>>
    tpu.enqueue_dma source(%dma_start3A_11 : memref<4x8xi32, #tpu.memory_space<hbm>>) target(%dma_start3A_9 : memref<4x8xi32, #tpu.memory_space<vmem>>) target_semaphore(%arg11 : memref<!tpu.dma_semaphore, #tpu.memory_space<semaphore_mem>>)
    %dma_start3A_12 = arith.constant 0 : i32
    %dma_start3A_13 = tpu.memref_slice %arg4[%mul3A_2, %dma_start3A_12] : memref<256x1024xf32, #tpu.memory_space<hbm>> -> memref<8x1024xf32, #tpu.memory_space<hbm>>
    %dma_start3A_14 = arith.constant 0 : i32
    %dma_start3A_15 = tpu.memref_slice %arg4[%mul3A_2, %dma_start3A_14] : memref<256x1024xf32, #tpu.memory_space<hbm>> -> memref<8x1024xf32, #tpu.memory_space<hbm>>
    tpu.enqueue_dma source(%dma_start3A_15 : memref<8x1024xf32, #tpu.memory_space<hbm>>) target(%arg8 : memref<8x1024xf32, #tpu.memory_space<vmem>>) target_semaphore(%arg11 : memref<!tpu.dma_semaphore, #tpu.memory_space<semaphore_mem>>)
    tpu.wait_dma2 semaphore(%arg11 : memref<!tpu.dma_semaphore, #tpu.memory_space<semaphore_mem>>) src(%arg3 : memref<2x1024xf32, #tpu.memory_space<hbm>>) dst(%arg6 : memref<2x1024xf32, #tpu.memory_space<vmem>>)
    %dma_wait3A = arith.constant 0 : i32
    %dma_wait3A_16 = arith.constant 0 : i32
    %dma_wait3A_17 = tpu.memref_slice %arg7[%dma_wait3A, %dma_wait3A_16] : memref<4x24xi32, #tpu.memory_space<vmem>> -> memref<4x8xi32, #tpu.memory_space<vmem>>
    %dma_wait3A_18 = arith.constant 0 : i32
    %dma_wait3A_19 = tpu.memref_slice %arg2[%dma_wait3A_18, %mul3A_2] : memref<4x2048xi32, #tpu.memory_space<hbm>> -> memref<4x8xi32, #tpu.memory_space<hbm>>
    %dma_wait3A_20 = arith.constant 0 : i32
    %dma_wait3A_21 = arith.constant 0 : i32
    %dma_wait3A_22 = tpu.memref_slice %arg7[%dma_wait3A_20, %dma_wait3A_21] : memref<4x24xi32, #tpu.memory_space<vmem>> -> memref<4x8xi32, #tpu.memory_space<vmem>>
    %dma_wait3A_23 = arith.constant 0 : i32
    %dma_wait3A_24 = tpu.memref_slice %arg2[%dma_wait3A_23, %mul3A_2] : memref<4x2048xi32, #tpu.memory_space<hbm>> -> memref<4x8xi32, #tpu.memory_space<hbm>>
    tpu.wait_dma2 semaphore(%arg11 : memref<!tpu.dma_semaphore, #tpu.memory_space<semaphore_mem>>) src(%dma_wait3A_24 : memref<4x8xi32, #tpu.memory_space<hbm>>) dst(%dma_wait3A_22 : memref<4x8xi32, #tpu.memory_space<vmem>>)
    %dma_wait3A_25 = arith.constant 0 : i32
    %dma_wait3A_26 = tpu.memref_slice %arg4[%mul3A_2, %dma_wait3A_25] : memref<256x1024xf32, #tpu.memory_space<hbm>> -> memref<8x1024xf32, #tpu.memory_space<hbm>>
    %dma_wait3A_27 = arith.constant 0 : i32
    %dma_wait3A_28 = tpu.memref_slice %arg4[%mul3A_2, %dma_wait3A_27] : memref<256x1024xf32, #tpu.memory_space<hbm>> -> memref<8x1024xf32, #tpu.memory_space<hbm>>
    tpu.wait_dma2 semaphore(%arg11 : memref<!tpu.dma_semaphore, #tpu.memory_space<semaphore_mem>>) src(%dma_wait3A_28 : memref<8x1024xf32, #tpu.memory_space<hbm>>) dst(%arg8 : memref<8x1024xf32, #tpu.memory_space<vmem>>)
    %scan3A = arith.constant 0 : i32
    %scan3A_29 = arith.constant 0 : i32
    %scan3A_30 = arith.constant 4 : i32
    %scan3A_31 = arith.addi %scan3A_29, %scan3A_30 : i32
    %scan3A_32 = arith.constant 1 : i32
    scf.for %scan3A_66 = %scan3A_29 to %scan3A_31 step %scan3A_32  : i32 {
      %jit3A = arith.constant 2 : i32
      %eq3A = arith.constant 0 : i32
      %eq3A_67 = arith.cmpi eq, %jit3A, %eq3A : i32
      %jit3A_68 = arith.constant 1 : i32
      %select_n3A = arith.select %eq3A_67, %jit3A_68, %jit3A : i32
      %rem3A = arith.remsi %scan3A_66, %select_n3A : i32
      %ne3A = arith.constant 0 : i32
      %ne3A_69 = arith.cmpi ne, %rem3A, %ne3A : i32
      %lt3A = arith.constant 0 : i32
      %lt3A_70 = arith.cmpi slt, %rem3A, %lt3A : i32
      %lt3A_71 = arith.constant 0 : i32
      %lt3A_72 = arith.cmpi slt, %select_n3A, %lt3A_71 : i32
      %ne3A_73 = arith.xori %lt3A_70, %lt3A_72 : i1
      %and3A = arith.andi %ne3A_73, %ne3A_69 : i1
      %add3A_74 = arith.addi %rem3A, %select_n3A : i32
      %select_n3A_75 = arith.select %and3A, %add3A_74, %rem3A : i32
      %ge3A = arith.constant 2 : i32
      %ge3A_76 = arith.cmpi sge, %scan3A_66, %ge3A : i32
      %convert_element_type3A = arith.extui %ge3A_76 : i1 to i32
      %cond3A = arith.constant 0 : i32
      %cond3A_77 = arith.cmpi ne, %convert_element_type3A, %cond3A : i32
      scf.if %cond3A_77 {
        %dma_wait3A_823 = arith.constant 0 : i32
        %dma_wait3A_824 = arith.constant 0 : i32
        %dma_wait3A_825 = tpu.memref_slice %arg9[%select_n3A_75, %dma_wait3A_823, %dma_wait3A_824] : memref<2x8x1024xf32, #tpu.memory_space<vmem>> -> memref<1x8x1024xf32, #tpu.memory_space<vmem>>
        %dma_wait3A_826 = tpu.memref_squeeze %dma_wait3A_825 : memref<1x8x1024xf32, #tpu.memory_space<vmem>> -> memref<8x1024xf32, #tpu.memory_space<vmem>>
        %dma_wait3A_827 = arith.constant 0 : i32
        %dma_wait3A_828 = tpu.memref_slice %arg5[%scan3A_66, %mul3A_2, %dma_wait3A_827] : memref<4x2048x1024xf32, #tpu.memory_space<hbm>> -> memref<1x8x1024xf32, #tpu.memory_space<hbm>>
        %dma_wait3A_829 = tpu.memref_squeeze %dma_wait3A_828 : memref<1x8x1024xf32, #tpu.memory_space<hbm>> -> memref<8x1024xf32, #tpu.memory_space<hbm>>
        %dma_wait3A_830 = arith.constant 0 : i32
        %dma_wait3A_831 = tpu.memref_slice %arg5[%scan3A_66, %mul3A_2, %dma_wait3A_830] : memref<4x2048x1024xf32, #tpu.memory_space<hbm>> -> memref<1x8x1024xf32, #tpu.memory_space<hbm>>
        %dma_wait3A_832 = tpu.memref_squeeze %dma_wait3A_831 : memref<1x8x1024xf32, #tpu.memory_space<hbm>> -> memref<8x1024xf32, #tpu.memory_space<hbm>>
        %dma_wait3A_833 = arith.constant 0 : i32
        %dma_wait3A_834 = arith.constant 0 : i32
        %dma_wait3A_835 = tpu.memref_slice %arg9[%select_n3A_75, %dma_wait3A_833, %dma_wait3A_834] : memref<2x8x1024xf32, #tpu.memory_space<vmem>> -> memref<1x8x1024xf32, #tpu.memory_space<vmem>>
        %dma_wait3A_836 = tpu.memref_squeeze %dma_wait3A_835 : memref<1x8x1024xf32, #tpu.memory_space<vmem>> -> memref<8x1024xf32, #tpu.memory_space<vmem>>
        tpu.wait_dma2 semaphore(%arg10 : memref<!tpu.dma_semaphore, #tpu.memory_space<semaphore_mem>>) src(%dma_wait3A_836 : memref<8x1024xf32, #tpu.memory_space<vmem>>) dst(%dma_wait3A_832 : memref<8x1024xf32, #tpu.memory_space<hbm>>)
      } else {
      }
      %get3A = arith.index_cast %scan3A_66 : i32 to index
      %get3A_78 = arith.constant 0 : index
      %get3A_79 = tpu.vector_load %arg7[%get3A, %get3A_78] {strides = array<i32>} : memref<4x24xi32, #tpu.memory_space<vmem>>, vector<1x16xi32>,
      %get3A_80 = vector.shape_cast %get3A_79 : vector<1x16xi32> to vector<16xi32>
      %convert_element_type3A_81 = arith.sitofp %get3A_80 : vector<16xi32> to vector<16xf32>
      %get3A_82 = arith.constant 1 : i32
      %get3A_83 = arith.index_cast %get3A_82 : i32 to index
      %get3A_84 = arith.constant 0 : index
      %get3A_85 = tpu.vector_load %arg6[%get3A_83, %get3A_84] {strides = array<i32>} : memref<2x1024xf32, #tpu.memory_space<vmem>>, vector<1x16xf32>,
      %get3A_86 = vector.shape_cast %get3A_85 : vector<1x16xf32> to vector<16xf32>
      %get3A_87 = arith.constant 0 : i32
      %get3A_88 = arith.index_cast %get3A_87 : i32 to index
      %get3A_89 = arith.constant 0 : index
      %get3A_90 = tpu.vector_load %arg6[%get3A_88, %get3A_89] {strides = array<i32>} : memref<2x1024xf32, #tpu.memory_space<vmem>>, vector<1x16xf32>,
      %get3A_91 = vector.shape_cast %get3A_90 : vector<1x16xf32> to vector<16xf32>
      %sub3A = arith.subf %get3A_86, %get3A_91 : vector<16xf32>
      %get3A_92 = arith.constant 1 : i32
      %get3A_93 = arith.index_cast %get3A_92 : i32 to index
      %get3A_94 = arith.constant 16 : index
      %get3A_95 = tpu.vector_load %arg6[%get3A_93, %get3A_94] {strides = array<i32>} : memref<2x1024xf32, #tpu.memory_space<vmem>>, vector<1x16xf32>,
      %get3A_96 = vector.shape_cast %get3A_95 : vector<1x16xf32> to vector<16xf32>
      %get3A_97 = arith.constant 0 : i32
      %get3A_98 = arith.index_cast %get3A_97 : i32 to index
      %get3A_99 = arith.constant 16 : index
      %get3A_100 = tpu.vector_load %arg6[%get3A_98, %get3A_99] {strides = array<i32>} : memref<2x1024xf32, #tpu.memory_space<vmem>>, vector<1x16xf32>,
      %get3A_101 = vector.shape_cast %get3A_100 : vector<1x16xf32> to vector<16xf32>
      %sub3A_102 = arith.subf %get3A_96, %get3A_101 : vector<16xf32>
      %get3A_103 = arith.constant 1 : i32
      %get3A_104 = arith.index_cast %get3A_103 : i32 to index
      %get3A_105 = arith.constant 32 : index
      %get3A_106 = tpu.vector_load %arg6[%get3A_104, %get3A_105] {strides = array<i32>} : memref<2x1024xf32, #tpu.memory_space<vmem>>, vector<1x16xf32>,
      %get3A_107 = vector.shape_cast %get3A_106 : vector<1x16xf32> to vector<16xf32>
      %get3A_108 = arith.constant 0 : i32
      %get3A_109 = arith.index_cast %get3A_108 : i32 to index
      %get3A_110 = arith.constant 32 : index
      %get3A_111 = tpu.vector_load %arg6[%get3A_109, %get3A_110] {strides = array<i32>} : memref<2x1024xf32, #tpu.memory_space<vmem>>, vector<1x16xf32>,
      %get3A_112 = vector.shape_cast %get3A_111 : vector<1x16xf32> to vector<16xf32>
      %sub3A_113 = arith.subf %get3A_107, %get3A_112 : vector<16xf32>
      %get3A_114 = arith.constant 1 : i32
      %get3A_115 = arith.index_cast %get3A_114 : i32 to index
      %get3A_116 = arith.constant 48 : index
      %get3A_117 = tpu.vector_load %arg6[%get3A_115, %get3A_116] {strides = array<i32>} : memref<2x1024xf32, #tpu.memory_space<vmem>>, vector<1x16xf32>,
      %get3A_118 = vector.shape_cast %get3A_117 : vector<1x16xf32> to vector<16xf32>
      %get3A_119 = arith.constant 0 : i32
      %get3A_120 = arith.index_cast %get3A_119 : i32 to index
      %get3A_121 = arith.constant 48 : index
      %get3A_122 = tpu.vector_load %arg6[%get3A_120, %get3A_121] {strides = array<i32>} : memref<2x1024xf32, #tpu.memory_space<vmem>>, vector<1x16xf32>,
      %get3A_123 = vector.shape_cast %get3A_122 : vector<1x16xf32> to vector<16xf32>
      %sub3A_124 = arith.subf %get3A_118, %get3A_123 : vector<16xf32>
      %get3A_125 = arith.constant 1 : i32
      %get3A_126 = arith.index_cast %get3A_125 : i32 to index
      %get3A_127 = arith.constant 64 : index
      %get3A_128 = tpu.vector_load %arg6[%get3A_126, %get3A_127] {strides = array<i32>} : memref<2x1024xf32, #tpu.memory_space<vmem>>, vector<1x16xf32>,
      %get3A_129 = vector.shape_cast %get3A_128 : vector<1x16xf32> to vector<16xf32>
      %get3A_130 = arith.constant 0 : i32
      %get3A_131 = arith.index_cast %get3A_130 : i32 to index
      %get3A_132 = arith.constant 64 : index
      %get3A_133 = tpu.vector_load %arg6[%get3A_131, %get3A_132] {strides = array<i32>} : memref<2x1024xf32, #tpu.memory_space<vmem>>, vector<1x16xf32>,
      %get3A_134 = vector.shape_cast %get3A_133 : vector<1x16xf32> to vector<16xf32>
      %sub3A_135 = arith.subf %get3A_129, %get3A_134 : vector<16xf32>
      %get3A_136 = arith.constant 1 : i32
      %get3A_137 = arith.index_cast %get3A_136 : i32 to index
      %get3A_138 = arith.constant 80 : index
      %get3A_139 = tpu.vector_load %arg6[%get3A_137, %get3A_138] {strides = array<i32>} : memref<2x1024xf32, #tpu.memory_space<vmem>>, vector<1x16xf32>,
      %get3A_140 = vector.shape_cast %get3A_139 : vector<1x16xf32> to vector<16xf32>
      %get3A_141 = arith.constant 0 : i32
      %get3A_142 = arith.index_cast %get3A_141 : i32 to index
      %get3A_143 = arith.constant 80 : index
      %get3A_144 = tpu.vector_load %arg6[%get3A_142, %get3A_143] {strides = array<i32>} : memref<2x1024xf32, #tpu.memory_space<vmem>>, vector<1x16xf32>,
      %get3A_145 = vector.shape_cast %get3A_144 : vector<1x16xf32> to vector<16xf32>
      %sub3A_146 = arith.subf %get3A_140, %get3A_145 : vector<16xf32>
      %get3A_147 = arith.constant 1 : i32
      %get3A_148 = arith.index_cast %get3A_147 : i32 to index
      %get3A_149 = arith.constant 96 : index
      %get3A_150 = tpu.vector_load %arg6[%get3A_148, %get3A_149] {strides = array<i32>} : memref<2x1024xf32, #tpu.memory_space<vmem>>, vector<1x16xf32>,
      %get3A_151 = vector.shape_cast %get3A_150 : vector<1x16xf32> to vector<16xf32>
      %get3A_152 = arith.constant 0 : i32
      %get3A_153 = arith.index_cast %get3A_152 : i32 to index
      %get3A_154 = arith.constant 96 : index
      %get3A_155 = tpu.vector_load %arg6[%get3A_153, %get3A_154] {strides = array<i32>} : memref<2x1024xf32, #tpu.memory_space<vmem>>, vector<1x16xf32>,
      %get3A_156 = vector.shape_cast %get3A_155 : vector<1x16xf32> to vector<16xf32>
      %sub3A_157 = arith.subf %get3A_151, %get3A_156 : vector<16xf32>
      %get3A_158 = arith.constant 1 : i32
      %get3A_159 = arith.index_cast %get3A_158 : i32 to index
      %get3A_160 = arith.constant 112 : index
      %get3A_161 = tpu.vector_load %arg6[%get3A_159, %get3A_160] {strides = array<i32>} : memref<2x1024xf32, #tpu.memory_space<vmem>>, vector<1x16xf32>,
      %get3A_162 = vector.shape_cast %get3A_161 : vector<1x16xf32> to vector<16xf32>
      %get3A_163 = arith.constant 0 : i32
      %get3A_164 = arith.index_cast %get3A_163 : i32 to index
      %get3A_165 = arith.constant 112 : index
      %get3A_166 = tpu.vector_load %arg6[%get3A_164, %get3A_165] {strides = array<i32>} : memref<2x1024xf32, #tpu.memory_space<vmem>>, vector<1x16xf32>,
      %get3A_167 = vector.shape_cast %get3A_166 : vector<1x16xf32> to vector<16xf32>
      %sub3A_168 = arith.subf %get3A_162, %get3A_167 : vector<16xf32>
      %get3A_169 = arith.constant 1 : i32
      %get3A_170 = arith.index_cast %get3A_169 : i32 to index
      %get3A_171 = arith.constant 128 : index
      %get3A_172 = tpu.vector_load %arg6[%get3A_170, %get3A_171] {strides = array<i32>} : memref<2x1024xf32, #tpu.memory_space<vmem>>, vector<1x16xf32>,
      %get3A_173 = vector.shape_cast %get3A_172 : vector<1x16xf32> to vector<16xf32>
      %get3A_174 = arith.constant 0 : i32
      %get3A_175 = arith.index_cast %get3A_174 : i32 to index
      %get3A_176 = arith.constant 128 : index
      %get3A_177 = tpu.vector_load %arg6[%get3A_175, %get3A_176] {strides = array<i32>} : memref<2x1024xf32, #tpu.memory_space<vmem>>, vector<1x16xf32>,
      %get3A_178 = vector.shape_cast %get3A_177 : vector<1x16xf32> to vector<16xf32>
      %sub3A_179 = arith.subf %get3A_173, %get3A_178 : vector<16xf32>
      %get3A_180 = arith.constant 1 : i32
      %get3A_181 = arith.index_cast %get3A_180 : i32 to index
      %get3A_182 = arith.constant 144 : index
      %get3A_183 = tpu.vector_load %arg6[%get3A_181, %get3A_182] {strides = array<i32>} : memref<2x1024xf32, #tpu.memory_space<vmem>>, vector<1x16xf32>,
      %get3A_184 = vector.shape_cast %get3A_183 : vector<1x16xf32> to vector<16xf32>
      %get3A_185 = arith.constant 0 : i32
      %get3A_186 = arith.index_cast %get3A_185 : i32 to index
      %get3A_187 = arith.constant 144 : index
      %get3A_188 = tpu.vector_load %arg6[%get3A_186, %get3A_187] {strides = array<i32>} : memref<2x1024xf32, #tpu.memory_space<vmem>>, vector<1x16xf32>,
      %get3A_189 = vector.shape_cast %get3A_188 : vector<1x16xf32> to vector<16xf32>
      %sub3A_190 = arith.subf %get3A_184, %get3A_189 : vector<16xf32>
      %get3A_191 = arith.constant 1 : i32
      %get3A_192 = arith.index_cast %get3A_191 : i32 to index
      %get3A_193 = arith.constant 160 : index
      %get3A_194 = tpu.vector_load %arg6[%get3A_192, %get3A_193] {strides = array<i32>} : memref<2x1024xf32, #tpu.memory_space<vmem>>, vector<1x16xf32>,
      %get3A_195 = vector.shape_cast %get3A_194 : vector<1x16xf32> to vector<16xf32>
      %get3A_196 = arith.constant 0 : i32
      %get3A_197 = arith.index_cast %get3A_196 : i32 to index
      %get3A_198 = arith.constant 160 : index
      %get3A_199 = tpu.vector_load %arg6[%get3A_197, %get3A_198] {strides = array<i32>} : memref<2x1024xf32, #tpu.memory_space<vmem>>, vector<1x16xf32>,
      %get3A_200 = vector.shape_cast %get3A_199 : vector<1x16xf32> to vector<16xf32>
      %sub3A_201 = arith.subf %get3A_195, %get3A_200 : vector<16xf32>
      %get3A_202 = arith.constant 1 : i32
      %get3A_203 = arith.index_cast %get3A_202 : i32 to index
      %get3A_204 = arith.constant 176 : index
      %get3A_205 = tpu.vector_load %arg6[%get3A_203, %get3A_204] {strides = array<i32>} : memref<2x1024xf32, #tpu.memory_space<vmem>>, vector<1x16xf32>,
      %get3A_206 = vector.shape_cast %get3A_205 : vector<1x16xf32> to vector<16xf32>
      %get3A_207 = arith.constant 0 : i32
      %get3A_208 = arith.index_cast %get3A_207 : i32 to index
      %get3A_209 = arith.constant 176 : index
      %get3A_210 = tpu.vector_load %arg6[%get3A_208, %get3A_209] {strides = array<i32>} : memref<2x1024xf32, #tpu.memory_space<vmem>>, vector<1x16xf32>,
      %get3A_211 = vector.shape_cast %get3A_210 : vector<1x16xf32> to vector<16xf32>
      %sub3A_212 = arith.subf %get3A_206, %get3A_211 : vector<16xf32>
      %get3A_213 = arith.constant 1 : i32
      %get3A_214 = arith.index_cast %get3A_213 : i32 to index
      %get3A_215 = arith.constant 192 : index
      %get3A_216 = tpu.vector_load %arg6[%get3A_214, %get3A_215] {strides = array<i32>} : memref<2x1024xf32, #tpu.memory_space<vmem>>, vector<1x16xf32>,
      %get3A_217 = vector.shape_cast %get3A_216 : vector<1x16xf32> to vector<16xf32>
      %get3A_218 = arith.constant 0 : i32
      %get3A_219 = arith.index_cast %get3A_218 : i32 to index
      %get3A_220 = arith.constant 192 : index
      %get3A_221 = tpu.vector_load %arg6[%get3A_219, %get3A_220] {strides = array<i32>} : memref<2x1024xf32, #tpu.memory_space<vmem>>, vector<1x16xf32>,
      %get3A_222 = vector.shape_cast %get3A_221 : vector<1x16xf32> to vector<16xf32>
      %sub3A_223 = arith.subf %get3A_217, %get3A_222 : vector<16xf32>
      %get3A_224 = arith.constant 1 : i32
      %get3A_225 = arith.index_cast %get3A_224 : i32 to index
      %get3A_226 = arith.constant 208 : index
      %get3A_227 = tpu.vector_load %arg6[%get3A_225, %get3A_226] {strides = array<i32>} : memref<2x1024xf32, #tpu.memory_space<vmem>>, vector<1x16xf32>,
      %get3A_228 = vector.shape_cast %get3A_227 : vector<1x16xf32> to vector<16xf32>
      %get3A_229 = arith.constant 0 : i32
      %get3A_230 = arith.index_cast %get3A_229 : i32 to index
      %get3A_231 = arith.constant 208 : index
      %get3A_232 = tpu.vector_load %arg6[%get3A_230, %get3A_231] {strides = array<i32>} : memref<2x1024xf32, #tpu.memory_space<vmem>>, vector<1x16xf32>,
      %get3A_233 = vector.shape_cast %get3A_232 : vector<1x16xf32> to vector<16xf32>
      %sub3A_234 = arith.subf %get3A_228, %get3A_233 : vector<16xf32>
      %get3A_235 = arith.constant 1 : i32
      %get3A_236 = arith.index_cast %get3A_235 : i32 to index
      %get3A_237 = arith.constant 224 : index
      %get3A_238 = tpu.vector_load %arg6[%get3A_236, %get3A_237] {strides = array<i32>} : memref<2x1024xf32, #tpu.memory_space<vmem>>, vector<1x16xf32>,
      %get3A_239 = vector.shape_cast %get3A_238 : vector<1x16xf32> to vector<16xf32>
      %get3A_240 = arith.constant 0 : i32
      %get3A_241 = arith.index_cast %get3A_240 : i32 to index
      %get3A_242 = arith.constant 224 : index
      %get3A_243 = tpu.vector_load %arg6[%get3A_241, %get3A_242] {strides = array<i32>} : memref<2x1024xf32, #tpu.memory_space<vmem>>, vector<1x16xf32>,
      %get3A_244 = vector.shape_cast %get3A_243 : vector<1x16xf32> to vector<16xf32>
      %sub3A_245 = arith.subf %get3A_239, %get3A_244 : vector<16xf32>
      %get3A_246 = arith.constant 1 : i32
      %get3A_247 = arith.index_cast %get3A_246 : i32 to index
      %get3A_248 = arith.constant 240 : index
      %get3A_249 = tpu.vector_load %arg6[%get3A_247, %get3A_248] {strides = array<i32>} : memref<2x1024xf32, #tpu.memory_space<vmem>>, vector<1x16xf32>,
      %get3A_250 = vector.shape_cast %get3A_249 : vector<1x16xf32> to vector<16xf32>
      %get3A_251 = arith.constant 0 : i32
      %get3A_252 = arith.index_cast %get3A_251 : i32 to index
      %get3A_253 = arith.constant 240 : index
      %get3A_254 = tpu.vector_load %arg6[%get3A_252, %get3A_253] {strides = array<i32>} : memref<2x1024xf32, #tpu.memory_space<vmem>>, vector<1x16xf32>,
      %get3A_255 = vector.shape_cast %get3A_254 : vector<1x16xf32> to vector<16xf32>
      %sub3A_256 = arith.subf %get3A_250, %get3A_255 : vector<16xf32>
      %scan3A_257 = arith.constant 0 : i32
      %scan3A_258 = arith.constant 0 : i32
      %scan3A_259 = arith.constant 8 : i32
      %scan3A_260 = arith.addi %scan3A_258, %scan3A_259 : i32
      %scan3A_261 = arith.constant 1 : i32
      scf.for %scan3A_823 = %scan3A_258 to %scan3A_260 step %scan3A_261  : i32 {
        %broadcast_in_dim3A = vector.broadcast %scan3A_823 : i32 to vector<16x1xi32>
        %gather3A = vector.shape_cast %broadcast_in_dim3A : vector<16x1xi32> to vector<16xi32>
        %gather3A_824 = tpu.dynamic_gather %convert_element_type3A_81[%gather3A] in [0] : vector<16xf32>, vector<16xi32> -> vector<16xf32>
        %get3A_825 = arith.index_cast %scan3A_823 : i32 to index
        %get3A_826 = arith.constant 0 : index
        %get3A_827 = tpu.vector_load %arg8[%get3A_825, %get3A_826] {strides = array<i32>} : memref<8x1024xf32, #tpu.memory_space<vmem>>, vector<1x16xf32>,
        %get3A_828 = vector.shape_cast %get3A_827 : vector<1x16xf32> to vector<16xf32>
        %get3A_829 = arith.index_cast %scan3A_823 : i32 to index
        %get3A_830 = arith.constant 16 : index
        %get3A_831 = tpu.vector_load %arg8[%get3A_829, %get3A_830] {strides = array<i32>} : memref<8x1024xf32, #tpu.memory_space<vmem>>, vector<1x16xf32>,
        %get3A_832 = vector.shape_cast %get3A_831 : vector<1x16xf32> to vector<16xf32>
        %get3A_833 = arith.index_cast %scan3A_823 : i32 to index
        %get3A_834 = arith.constant 32 : index
        %get3A_835 = tpu.vector_load %arg8[%get3A_833, %get3A_834] {strides = array<i32>} : memref<8x1024xf32, #tpu.memory_space<vmem>>, vector<1x16xf32>,
        %get3A_836 = vector.shape_cast %get3A_835 : vector<1x16xf32> to vector<16xf32>
        %get3A_837 = arith.index_cast %scan3A_823 : i32 to index
        %get3A_838 = arith.constant 48 : index
        %get3A_839 = tpu.vector_load %arg8[%get3A_837, %get3A_838] {strides = array<i32>} : memref<8x1024xf32, #tpu.memory_space<vmem>>, vector<1x16xf32>,
        %get3A_840 = vector.shape_cast %get3A_839 : vector<1x16xf32> to vector<16xf32>
        %get3A_841 = arith.index_cast %scan3A_823 : i32 to index
        %get3A_842 = arith.constant 64 : index
        %get3A_843 = tpu.vector_load %arg8[%get3A_841, %get3A_842] {strides = array<i32>} : memref<8x1024xf32, #tpu.memory_space<vmem>>, vector<1x16xf32>,
        %get3A_844 = vector.shape_cast %get3A_843 : vector<1x16xf32> to vector<16xf32>
        %get3A_845 = arith.index_cast %scan3A_823 : i32 to index
        %get3A_846 = arith.constant 80 : index
        %get3A_847 = tpu.vector_load %arg8[%get3A_845, %get3A_846] {strides = array<i32>} : memref<8x1024xf32, #tpu.memory_space<vmem>>, vector<1x16xf32>,
        %get3A_848 = vector.shape_cast %get3A_847 : vector<1x16xf32> to vector<16xf32>
        %get3A_849 = arith.index_cast %scan3A_823 : i32 to index
        %get3A_850 = arith.constant 96 : index
        %get3A_851 = tpu.vector_load %arg8[%get3A_849, %get3A_850] {strides = array<i32>} : memref<8x1024xf32, #tpu.memory_space<vmem>>, vector<1x16xf32>,
        %get3A_852 = vector.shape_cast %get3A_851 : vector<1x16xf32> to vector<16xf32>
        %get3A_853 = arith.index_cast %scan3A_823 : i32 to index
        %get3A_854 = arith.constant 112 : index
        %get3A_855 = tpu.vector_load %arg8[%get3A_853, %get3A_854] {strides = array<i32>} : memref<8x1024xf32, #tpu.memory_space<vmem>>, vector<1x16xf32>,
        %get3A_856 = vector.shape_cast %get3A_855 : vector<1x16xf32> to vector<16xf32>
        %get3A_857 = arith.index_cast %scan3A_823 : i32 to index
        %get3A_858 = arith.constant 128 : index
        %get3A_859 = tpu.vector_load %arg8[%get3A_857, %get3A_858] {strides = array<i32>} : memref<8x1024xf32, #tpu.memory_space<vmem>>, vector<1x16xf32>,
        %get3A_860 = vector.shape_cast %get3A_859 : vector<1x16xf32> to vector<16xf32>
        %get3A_861 = arith.index_cast %scan3A_823 : i32 to index
        %get3A_862 = arith.constant 144 : index
        %get3A_863 = tpu.vector_load %arg8[%get3A_861, %get3A_862] {strides = array<i32>} : memref<8x1024xf32, #tpu.memory_space<vmem>>, vector<1x16xf32>,
        %get3A_864 = vector.shape_cast %get3A_863 : vector<1x16xf32> to vector<16xf32>
        %get3A_865 = arith.index_cast %scan3A_823 : i32 to index
        %get3A_866 = arith.constant 160 : index
        %get3A_867 = tpu.vector_load %arg8[%get3A_865, %get3A_866] {strides = array<i32>} : memref<8x1024xf32, #tpu.memory_space<vmem>>, vector<1x16xf32>,
        %get3A_868 = vector.shape_cast %get3A_867 : vector<1x16xf32> to vector<16xf32>
        %get3A_869 = arith.index_cast %scan3A_823 : i32 to index
        %get3A_870 = arith.constant 176 : index
        %get3A_871 = tpu.vector_load %arg8[%get3A_869, %get3A_870] {strides = array<i32>} : memref<8x1024xf32, #tpu.memory_space<vmem>>, vector<1x16xf32>,
        %get3A_872 = vector.shape_cast %get3A_871 : vector<1x16xf32> to vector<16xf32>
        %get3A_873 = arith.index_cast %scan3A_823 : i32 to index
        %get3A_874 = arith.constant 192 : index
        %get3A_875 = tpu.vector_load %arg8[%get3A_873, %get3A_874] {strides = array<i32>} : memref<8x1024xf32, #tpu.memory_space<vmem>>, vector<1x16xf32>,
        %get3A_876 = vector.shape_cast %get3A_875 : vector<1x16xf32> to vector<16xf32>
        %get3A_877 = arith.index_cast %scan3A_823 : i32 to index
        %get3A_878 = arith.constant 208 : index
        %get3A_879 = tpu.vector_load %arg8[%get3A_877, %get3A_878] {strides = array<i32>} : memref<8x1024xf32, #tpu.memory_space<vmem>>, vector<1x16xf32>,
        %get3A_880 = vector.shape_cast %get3A_879 : vector<1x16xf32> to vector<16xf32>
        %get3A_881 = arith.index_cast %scan3A_823 : i32 to index
        %get3A_882 = arith.constant 224 : index
        %get3A_883 = tpu.vector_load %arg8[%get3A_881, %get3A_882] {strides = array<i32>} : memref<8x1024xf32, #tpu.memory_space<vmem>>, vector<1x16xf32>,
        %get3A_884 = vector.shape_cast %get3A_883 : vector<1x16xf32> to vector<16xf32>
        %get3A_885 = arith.index_cast %scan3A_823 : i32 to index
        %get3A_886 = arith.constant 240 : index
        %get3A_887 = tpu.vector_load %arg8[%get3A_885, %get3A_886] {strides = array<i32>} : memref<8x1024xf32, #tpu.memory_space<vmem>>, vector<1x16xf32>,
        %get3A_888 = vector.shape_cast %get3A_887 : vector<1x16xf32> to vector<16xf32>
        %mul3A_889 = arith.mulf %gather3A_824, %sub3A : vector<16xf32>
        %add3A_890 = arith.addf %get3A_828, %mul3A_889 : vector<16xf32>
        %mul3A_891 = arith.mulf %gather3A_824, %sub3A_102 : vector<16xf32>
        %add3A_892 = arith.addf %get3A_832, %mul3A_891 : vector<16xf32>
        %mul3A_893 = arith.mulf %gather3A_824, %sub3A_113 : vector<16xf32>
        %add3A_894 = arith.addf %get3A_836, %mul3A_893 : vector<16xf32>
        %mul3A_895 = arith.mulf %gather3A_824, %sub3A_124 : vector<16xf32>
        %add3A_896 = arith.addf %get3A_840, %mul3A_895 : vector<16xf32>
        %mul3A_897 = arith.mulf %gather3A_824, %sub3A_135 : vector<16xf32>
        %add3A_898 = arith.addf %get3A_844, %mul3A_897 : vector<16xf32>
        %mul3A_899 = arith.mulf %gather3A_824, %sub3A_146 : vector<16xf32>
        %add3A_900 = arith.addf %get3A_848, %mul3A_899 : vector<16xf32>
        %mul3A_901 = arith.mulf %gather3A_824, %sub3A_157 : vector<16xf32>
        %add3A_902 = arith.addf %get3A_852, %mul3A_901 : vector<16xf32>
        %mul3A_903 = arith.mulf %gather3A_824, %sub3A_168 : vector<16xf32>
        %add3A_904 = arith.addf %get3A_856, %mul3A_903 : vector<16xf32>
        %mul3A_905 = arith.mulf %gather3A_824, %sub3A_179 : vector<16xf32>
        %add3A_906 = arith.addf %get3A_860, %mul3A_905 : vector<16xf32>
        %mul3A_907 = arith.mulf %gather3A_824, %sub3A_190 : vector<16xf32>
        %add3A_908 = arith.addf %get3A_864, %mul3A_907 : vector<16xf32>
        %mul3A_909 = arith.mulf %gather3A_824, %sub3A_201 : vector<16xf32>
        %add3A_910 = arith.addf %get3A_868, %mul3A_909 : vector<16xf32>
        %mul3A_911 = arith.mulf %gather3A_824, %sub3A_212 : vector<16xf32>
        %add3A_912 = arith.addf %get3A_872, %mul3A_911 : vector<16xf32>
        %mul3A_913 = arith.mulf %gather3A_824, %sub3A_223 : vector<16xf32>
        %add3A_914 = arith.addf %get3A_876, %mul3A_913 : vector<16xf32>
        %mul3A_915 = arith.mulf %gather3A_824, %sub3A_234 : vector<16xf32>
        %add3A_916 = arith.addf %get3A_880, %mul3A_915 : vector<16xf32>
        %mul3A_917 = arith.mulf %gather3A_824, %sub3A_245 : vector<16xf32>
        %add3A_918 = arith.addf %get3A_884, %mul3A_917 : vector<16xf32>
        %mul3A_919 = arith.mulf %gather3A_824, %sub3A_256 : vector<16xf32>
        %add3A_920 = arith.addf %get3A_888, %mul3A_919 : vector<16xf32>
        %swap3A = arith.index_cast %select_n3A_75 : i32 to index
        %swap3A_921 = arith.index_cast %scan3A_823 : i32 to index
        %swap3A_922 = arith.constant 0 : index
        %swap3A_923 = tpu.vector_load %arg9[%swap3A, %swap3A_921, %swap3A_922] {strides = array<i32>} : memref<2x8x1024xf32, #tpu.memory_space<vmem>>, vector<1x1x16xf32>,
        %swap3A_924 = vector.shape_cast %swap3A_923 : vector<1x1x16xf32> to vector<16xf32>
        %swap3A_925 = vector.shape_cast %add3A_890 : vector<16xf32> to vector<1x1x16xf32>
        tpu.vector_store %arg9[%swap3A, %swap3A_921, %swap3A_922], %swap3A_925 {strides = array<i32>} : memref<2x8x1024xf32, #tpu.memory_space<vmem>>, vector<1x1x16xf32>,
        %swap3A_926 = arith.index_cast %select_n3A_75 : i32 to index
        %swap3A_927 = arith.index_cast %scan3A_823 : i32 to index
        %swap3A_928 = arith.constant 16 : index
        %swap3A_929 = tpu.vector_load %arg9[%swap3A_926, %swap3A_927, %swap3A_928] {strides = array<i32>} : memref<2x8x1024xf32, #tpu.memory_space<vmem>>, vector<1x1x16xf32>,
        %swap3A_930 = vector.shape_cast %swap3A_929 : vector<1x1x16xf32> to vector<16xf32>
        %swap3A_931 = vector.shape_cast %add3A_892 : vector<16xf32> to vector<1x1x16xf32>
        tpu.vector_store %arg9[%swap3A_926, %swap3A_927, %swap3A_928], %swap3A_931 {strides = array<i32>} : memref<2x8x1024xf32, #tpu.memory_space<vmem>>, vector<1x1x16xf32>,
        %swap3A_932 = arith.index_cast %select_n3A_75 : i32 to index
        %swap3A_933 = arith.index_cast %scan3A_823 : i32 to index
        %swap3A_934 = arith.constant 32 : index
        %swap3A_935 = tpu.vector_load %arg9[%swap3A_932, %swap3A_933, %swap3A_934] {strides = array<i32>} : memref<2x8x1024xf32, #tpu.memory_space<vmem>>, vector<1x1x16xf32>,
        %swap3A_936 = vector.shape_cast %swap3A_935 : vector<1x1x16xf32> to vector<16xf32>
        %swap3A_937 = vector.shape_cast %add3A_894 : vector<16xf32> to vector<1x1x16xf32>
        tpu.vector_store %arg9[%swap3A_932, %swap3A_933, %swap3A_934], %swap3A_937 {strides = array<i32>} : memref<2x8x1024xf32, #tpu.memory_space<vmem>>, vector<1x1x16xf32>,
        %swap3A_938 = arith.index_cast %select_n3A_75 : i32 to index
        %swap3A_939 = arith.index_cast %scan3A_823 : i32 to index
        %swap3A_940 = arith.constant 48 : index
        %swap3A_941 = tpu.vector_load %arg9[%swap3A_938, %swap3A_939, %swap3A_940] {strides = array<i32>} : memref<2x8x1024xf32, #tpu.memory_space<vmem>>, vector<1x1x16xf32>,
        %swap3A_942 = vector.shape_cast %swap3A_941 : vector<1x1x16xf32> to vector<16xf32>
        %swap3A_943 = vector.shape_cast %add3A_896 : vector<16xf32> to vector<1x1x16xf32>
        tpu.vector_store %arg9[%swap3A_938, %swap3A_939, %swap3A_940], %swap3A_943 {strides = array<i32>} : memref<2x8x1024xf32, #tpu.memory_space<vmem>>, vector<1x1x16xf32>,
        %swap3A_944 = arith.index_cast %select_n3A_75 : i32 to index
        %swap3A_945 = arith.index_cast %scan3A_823 : i32 to index
        %swap3A_946 = arith.constant 64 : index
        %swap3A_947 = tpu.vector_load %arg9[%swap3A_944, %swap3A_945, %swap3A_946] {strides = array<i32>} : memref<2x8x1024xf32, #tpu.memory_space<vmem>>, vector<1x1x16xf32>,
        %swap3A_948 = vector.shape_cast %swap3A_947 : vector<1x1x16xf32> to vector<16xf32>
        %swap3A_949 = vector.shape_cast %add3A_898 : vector<16xf32> to vector<1x1x16xf32>
        tpu.vector_store %arg9[%swap3A_944, %swap3A_945, %swap3A_946], %swap3A_949 {strides = array<i32>} : memref<2x8x1024xf32, #tpu.memory_space<vmem>>, vector<1x1x16xf32>,
        %swap3A_950 = arith.index_cast %select_n3A_75 : i32 to index
        %swap3A_951 = arith.index_cast %scan3A_823 : i32 to index
        %swap3A_952 = arith.constant 80 : index
        %swap3A_953 = tpu.vector_load %arg9[%swap3A_950, %swap3A_951, %swap3A_952] {strides = array<i32>} : memref<2x8x1024xf32, #tpu.memory_space<vmem>>, vector<1x1x16xf32>,
        %swap3A_954 = vector.shape_cast %swap3A_953 : vector<1x1x16xf32> to vector<16xf32>
        %swap3A_955 = vector.shape_cast %add3A_900 : vector<16xf32> to vector<1x1x16xf32>
        tpu.vector_store %arg9[%swap3A_950, %swap3A_951, %swap3A_952], %swap3A_955 {strides = array<i32>} : memref<2x8x1024xf32, #tpu.memory_space<vmem>>, vector<1x1x16xf32>,
        %swap3A_956 = arith.index_cast %select_n3A_75 : i32 to index
        %swap3A_957 = arith.index_cast %scan3A_823 : i32 to index
        %swap3A_958 = arith.constant 96 : index
        %swap3A_959 = tpu.vector_load %arg9[%swap3A_956, %swap3A_957, %swap3A_958] {strides = array<i32>} : memref<2x8x1024xf32, #tpu.memory_space<vmem>>, vector<1x1x16xf32>,
        %swap3A_960 = vector.shape_cast %swap3A_959 : vector<1x1x16xf32> to vector<16xf32>
        %swap3A_961 = vector.shape_cast %add3A_902 : vector<16xf32> to vector<1x1x16xf32>
        tpu.vector_store %arg9[%swap3A_956, %swap3A_957, %swap3A_958], %swap3A_961 {strides = array<i32>} : memref<2x8x1024xf32, #tpu.memory_space<vmem>>, vector<1x1x16xf32>,
        %swap3A_962 = arith.index_cast %select_n3A_75 : i32 to index
        %swap3A_963 = arith.index_cast %scan3A_823 : i32 to index
        %swap3A_964 = arith.constant 112 : index
        %swap3A_965 = tpu.vector_load %arg9[%swap3A_962, %swap3A_963, %swap3A_964] {strides = array<i32>} : memref<2x8x1024xf32, #tpu.memory_space<vmem>>, vector<1x1x16xf32>,
        %swap3A_966 = vector.shape_cast %swap3A_965 : vector<1x1x16xf32> to vector<16xf32>
        %swap3A_967 = vector.shape_cast %add3A_904 : vector<16xf32> to vector<1x1x16xf32>
        tpu.vector_store %arg9[%swap3A_962, %swap3A_963, %swap3A_964], %swap3A_967 {strides = array<i32>} : memref<2x8x1024xf32, #tpu.memory_space<vmem>>, vector<1x1x16xf32>,
        %swap3A_968 = arith.index_cast %select_n3A_75 : i32 to index
        %swap3A_969 = arith.index_cast %scan3A_823 : i32 to index
        %swap3A_970 = arith.constant 128 : index
        %swap3A_971 = tpu.vector_load %arg9[%swap3A_968, %swap3A_969, %swap3A_970] {strides = array<i32>} : memref<2x8x1024xf32, #tpu.memory_space<vmem>>, vector<1x1x16xf32>,
        %swap3A_972 = vector.shape_cast %swap3A_971 : vector<1x1x16xf32> to vector<16xf32>
        %swap3A_973 = vector.shape_cast %add3A_906 : vector<16xf32> to vector<1x1x16xf32>
        tpu.vector_store %arg9[%swap3A_968, %swap3A_969, %swap3A_970], %swap3A_973 {strides = array<i32>} : memref<2x8x1024xf32, #tpu.memory_space<vmem>>, vector<1x1x16xf32>,
        %swap3A_974 = arith.index_cast %select_n3A_75 : i32 to index
        %swap3A_975 = arith.index_cast %scan3A_823 : i32 to index
        %swap3A_976 = arith.constant 144 : index
        %swap3A_977 = tpu.vector_load %arg9[%swap3A_974, %swap3A_975, %swap3A_976] {strides = array<i32>} : memref<2x8x1024xf32, #tpu.memory_space<vmem>>, vector<1x1x16xf32>,
        %swap3A_978 = vector.shape_cast %swap3A_977 : vector<1x1x16xf32> to vector<16xf32>
        %swap3A_979 = vector.shape_cast %add3A_908 : vector<16xf32> to vector<1x1x16xf32>
        tpu.vector_store %arg9[%swap3A_974, %swap3A_975, %swap3A_976], %swap3A_979 {strides = array<i32>} : memref<2x8x1024xf32, #tpu.memory_space<vmem>>, vector<1x1x16xf32>,
        %swap3A_980 = arith.index_cast %select_n3A_75 : i32 to index
        %swap3A_981 = arith.index_cast %scan3A_823 : i32 to index
        %swap3A_982 = arith.constant 160 : index
        %swap3A_983 = tpu.vector_load %arg9[%swap3A_980, %swap3A_981, %swap3A_982] {strides = array<i32>} : memref<2x8x1024xf32, #tpu.memory_space<vmem>>, vector<1x1x16xf32>,
        %swap3A_984 = vector.shape_cast %swap3A_983 : vector<1x1x16xf32> to vector<16xf32>
        %swap3A_985 = vector.shape_cast %add3A_910 : vector<16xf32> to vector<1x1x16xf32>
        tpu.vector_store %arg9[%swap3A_980, %swap3A_981, %swap3A_982], %swap3A_985 {strides = array<i32>} : memref<2x8x1024xf32, #tpu.memory_space<vmem>>, vector<1x1x16xf32>,
        %swap3A_986 = arith.index_cast %select_n3A_75 : i32 to index
        %swap3A_987 = arith.index_cast %scan3A_823 : i32 to index
        %swap3A_988 = arith.constant 176 : index
        %swap3A_989 = tpu.vector_load %arg9[%swap3A_986, %swap3A_987, %swap3A_988] {strides = array<i32>} : memref<2x8x1024xf32, #tpu.memory_space<vmem>>, vector<1x1x16xf32>,
        %swap3A_990 = vector.shape_cast %swap3A_989 : vector<1x1x16xf32> to vector<16xf32>
        %swap3A_991 = vector.shape_cast %add3A_912 : vector<16xf32> to vector<1x1x16xf32>
        tpu.vector_store %arg9[%swap3A_986, %swap3A_987, %swap3A_988], %swap3A_991 {strides = array<i32>} : memref<2x8x1024xf32, #tpu.memory_space<vmem>>, vector<1x1x16xf32>,
        %swap3A_992 = arith.index_cast %select_n3A_75 : i32 to index
        %swap3A_993 = arith.index_cast %scan3A_823 : i32 to index
        %swap3A_994 = arith.constant 192 : index
        %swap3A_995 = tpu.vector_load %arg9[%swap3A_992, %swap3A_993, %swap3A_994] {strides = array<i32>} : memref<2x8x1024xf32, #tpu.memory_space<vmem>>, vector<1x1x16xf32>,
        %swap3A_996 = vector.shape_cast %swap3A_995 : vector<1x1x16xf32> to vector<16xf32>
        %swap3A_997 = vector.shape_cast %add3A_914 : vector<16xf32> to vector<1x1x16xf32>
        tpu.vector_store %arg9[%swap3A_992, %swap3A_993, %swap3A_994], %swap3A_997 {strides = array<i32>} : memref<2x8x1024xf32, #tpu.memory_space<vmem>>, vector<1x1x16xf32>,
        %swap3A_998 = arith.index_cast %select_n3A_75 : i32 to index
        %swap3A_999 = arith.index_cast %scan3A_823 : i32 to index
        %swap3A_1000 = arith.constant 208 : index
        %swap3A_1001 = tpu.vector_load %arg9[%swap3A_998, %swap3A_999, %swap3A_1000] {strides = array<i32>} : memref<2x8x1024xf32, #tpu.memory_space<vmem>>, vector<1x1x16xf32>,
        %swap3A_1002 = vector.shape_cast %swap3A_1001 : vector<1x1x16xf32> to vector<16xf32>
        %swap3A_1003 = vector.shape_cast %add3A_916 : vector<16xf32> to vector<1x1x16xf32>
        tpu.vector_store %arg9[%swap3A_998, %swap3A_999, %swap3A_1000], %swap3A_1003 {strides = array<i32>} : memref<2x8x1024xf32, #tpu.memory_space<vmem>>, vector<1x1x16xf32>,
        %swap3A_1004 = arith.index_cast %select_n3A_75 : i32 to index
        %swap3A_1005 = arith.index_cast %scan3A_823 : i32 to index
        %swap3A_1006 = arith.constant 224 : index
        %swap3A_1007 = tpu.vector_load %arg9[%swap3A_1004, %swap3A_1005, %swap3A_1006] {strides = array<i32>} : memref<2x8x1024xf32, #tpu.memory_space<vmem>>, vector<1x1x16xf32>,
        %swap3A_1008 = vector.shape_cast %swap3A_1007 : vector<1x1x16xf32> to vector<16xf32>
        %swap3A_1009 = vector.shape_cast %add3A_918 : vector<16xf32> to vector<1x1x16xf32>
        tpu.vector_store %arg9[%swap3A_1004, %swap3A_1005, %swap3A_1006], %swap3A_1009 {strides = array<i32>} : memref<2x8x1024xf32, #tpu.memory_space<vmem>>, vector<1x1x16xf32>,
        %swap3A_1010 = arith.index_cast %select_n3A_75 : i32 to index
        %swap3A_1011 = arith.index_cast %scan3A_823 : i32 to index
        %swap3A_1012 = arith.constant 240 : index
        %swap3A_1013 = tpu.vector_load %arg9[%swap3A_1010, %swap3A_1011, %swap3A_1012] {strides = array<i32>} : memref<2x8x1024xf32, #tpu.memory_space<vmem>>, vector<1x1x16xf32>,
        %swap3A_1014 = vector.shape_cast %swap3A_1013 : vector<1x1x16xf32> to vector<16xf32>
        %swap3A_1015 = vector.shape_cast %add3A_920 : vector<16xf32> to vector<1x1x16xf32>
        tpu.vector_store %arg9[%swap3A_1010, %swap3A_1011, %swap3A_1012], %swap3A_1015 {strides = array<i32>} : memref<2x8x1024xf32, #tpu.memory_space<vmem>>, vector<1x1x16xf32>,
      }
      %scan3A_262 = arith.constant 8 : i32
      %get3A_263 = arith.constant 1 : i32
      %get3A_264 = arith.index_cast %get3A_263 : i32 to index
      %get3A_265 = arith.constant 256 : index
      %get3A_266 = tpu.vector_load %arg6[%get3A_264, %get3A_265] {strides = array<i32>} : memref<2x1024xf32, #tpu.memory_space<vmem>>, vector<1x16xf32>,
      %get3A_267 = vector.shape_cast %get3A_266 : vector<1x16xf32> to vector<16xf32>
      %get3A_268 = arith.constant 0 : i32
      %get3A_269 = arith.index_cast %get3A_268 : i32 to index
      %get3A_270 = arith.constant 256 : index
      %get3A_271 = tpu.vector_load %arg6[%get3A_269, %get3A_270] {strides = array<i32>} : memref<2x1024xf32, #tpu.memory_space<vmem>>, vector<1x16xf32>,
      %get3A_272 = vector.shape_cast %get3A_271 : vector<1x16xf32> to vector<16xf32>
      %sub3A_273 = arith.subf %get3A_267, %get3A_272 : vector<16xf32>
      %get3A_274 = arith.constant 1 : i32
      %get3A_275 = arith.index_cast %get3A_274 : i32 to index
      %get3A_276 = arith.constant 272 : index
      %get3A_277 = tpu.vector_load %arg6[%get3A_275, %get3A_276] {strides = array<i32>} : memref<2x1024xf32, #tpu.memory_space<vmem>>, vector<1x16xf32>,
      %get3A_278 = vector.shape_cast %get3A_277 : vector<1x16xf32> to vector<16xf32>
      %get3A_279 = arith.constant 0 : i32
      %get3A_280 = arith.index_cast %get3A_279 : i32 to index
      %get3A_281 = arith.constant 272 : index
      %get3A_282 = tpu.vector_load %arg6[%get3A_280, %get3A_281] {strides = array<i32>} : memref<2x1024xf32, #tpu.memory_space<vmem>>, vector<1x16xf32>,
      %get3A_283 = vector.shape_cast %get3A_282 : vector<1x16xf32> to vector<16xf32>
      %sub3A_284 = arith.subf %get3A_278, %get3A_283 : vector<16xf32>
      %get3A_285 = arith.constant 1 : i32
      %get3A_286 = arith.index_cast %get3A_285 : i32 to index
      %get3A_287 = arith.constant 288 : index
      %get3A_288 = tpu.vector_load %arg6[%get3A_286, %get3A_287] {strides = array<i32>} : memref<2x1024xf32, #tpu.memory_space<vmem>>, vector<1x16xf32>,
      %get3A_289 = vector.shape_cast %get3A_288 : vector<1x16xf32> to vector<16xf32>
      %get3A_290 = arith.constant 0 : i32
      %get3A_291 = arith.index_cast %get3A_290 : i32 to index
      %get3A_292 = arith.constant 288 : index
      %get3A_293 = tpu.vector_load %arg6[%get3A_291, %get3A_292] {strides = array<i32>} : memref<2x1024xf32, #tpu.memory_space<vmem>>, vector<1x16xf32>,
      %get3A_294 = vector.shape_cast %get3A_293 : vector<1x16xf32> to vector<16xf32>
      %sub3A_295 = arith.subf %get3A_289, %get3A_294 : vector<16xf32>
      %get3A_296 = arith.constant 1 : i32
      %get3A_297 = arith.index_cast %get3A_296 : i32 to index
      %get3A_298 = arith.constant 304 : index
      %get3A_299 = tpu.vector_load %arg6[%get3A_297, %get3A_298] {strides = array<i32>} : memref<2x1024xf32, #tpu.memory_space<vmem>>, vector<1x16xf32>,
      %get3A_300 = vector.shape_cast %get3A_299 : vector<1x16xf32> to vector<16xf32>
      %get3A_301 = arith.constant 0 : i32
      %get3A_302 = arith.index_cast %get3A_301 : i32 to index
      %get3A_303 = arith.constant 304 : index
      %get3A_304 = tpu.vector_load %arg6[%get3A_302, %get3A_303] {strides = array<i32>} : memref<2x1024xf32, #tpu.memory_space<vmem>>, vector<1x16xf32>,
      %get3A_305 = vector.shape_cast %get3A_304 : vector<1x16xf32> to vector<16xf32>
      %sub3A_306 = arith.subf %get3A_300, %get3A_305 : vector<16xf32>
      %get3A_307 = arith.constant 1 : i32
      %get3A_308 = arith.index_cast %get3A_307 : i32 to index
      %get3A_309 = arith.constant 320 : index
      %get3A_310 = tpu.vector_load %arg6[%get3A_308, %get3A_309] {strides = array<i32>} : memref<2x1024xf32, #tpu.memory_space<vmem>>, vector<1x16xf32>,
      %get3A_311 = vector.shape_cast %get3A_310 : vector<1x16xf32> to vector<16xf32>
      %get3A_312 = arith.constant 0 : i32
      %get3A_313 = arith.index_cast %get3A_312 : i32 to index
      %get3A_314 = arith.constant 320 : index
      %get3A_315 = tpu.vector_load %arg6[%get3A_313, %get3A_314] {strides = array<i32>} : memref<2x1024xf32, #tpu.memory_space<vmem>>, vector<1x16xf32>,
      %get3A_316 = vector.shape_cast %get3A_315 : vector<1x16xf32> to vector<16xf32>
      %sub3A_317 = arith.subf %get3A_311, %get3A_316 : vector<16xf32>
      %get3A_318 = arith.constant 1 : i32
      %get3A_319 = arith.index_cast %get3A_318 : i32 to index
      %get3A_320 = arith.constant 336 : index
      %get3A_321 = tpu.vector_load %arg6[%get3A_319, %get3A_320] {strides = array<i32>} : memref<2x1024xf32, #tpu.memory_space<vmem>>, vector<1x16xf32>,
      %get3A_322 = vector.shape_cast %get3A_321 : vector<1x16xf32> to vector<16xf32>
      %get3A_323 = arith.constant 0 : i32
      %get3A_324 = arith.index_cast %get3A_323 : i32 to index
      %get3A_325 = arith.constant 336 : index
      %get3A_326 = tpu.vector_load %arg6[%get3A_324, %get3A_325] {strides = array<i32>} : memref<2x1024xf32, #tpu.memory_space<vmem>>, vector<1x16xf32>,
      %get3A_327 = vector.shape_cast %get3A_326 : vector<1x16xf32> to vector<16xf32>
      %sub3A_328 = arith.subf %get3A_322, %get3A_327 : vector<16xf32>
      %get3A_329 = arith.constant 1 : i32
      %get3A_330 = arith.index_cast %get3A_329 : i32 to index
      %get3A_331 = arith.constant 352 : index
      %get3A_332 = tpu.vector_load %arg6[%get3A_330, %get3A_331] {strides = array<i32>} : memref<2x1024xf32, #tpu.memory_space<vmem>>, vector<1x16xf32>,
      %get3A_333 = vector.shape_cast %get3A_332 : vector<1x16xf32> to vector<16xf32>
      %get3A_334 = arith.constant 0 : i32
      %get3A_335 = arith.index_cast %get3A_334 : i32 to index
      %get3A_336 = arith.constant 352 : index
      %get3A_337 = tpu.vector_load %arg6[%get3A_335, %get3A_336] {strides = array<i32>} : memref<2x1024xf32, #tpu.memory_space<vmem>>, vector<1x16xf32>,
      %get3A_338 = vector.shape_cast %get3A_337 : vector<1x16xf32> to vector<16xf32>
      %sub3A_339 = arith.subf %get3A_333, %get3A_338 : vector<16xf32>
      %get3A_340 = arith.constant 1 : i32
      %get3A_341 = arith.index_cast %get3A_340 : i32 to index
      %get3A_342 = arith.constant 368 : index
      %get3A_343 = tpu.vector_load %arg6[%get3A_341, %get3A_342] {strides = array<i32>} : memref<2x1024xf32, #tpu.memory_space<vmem>>, vector<1x16xf32>,
      %get3A_344 = vector.shape_cast %get3A_343 : vector<1x16xf32> to vector<16xf32>
      %get3A_345 = arith.constant 0 : i32
      %get3A_346 = arith.index_cast %get3A_345 : i32 to index
      %get3A_347 = arith.constant 368 : index
      %get3A_348 = tpu.vector_load %arg6[%get3A_346, %get3A_347] {strides = array<i32>} : memref<2x1024xf32, #tpu.memory_space<vmem>>, vector<1x16xf32>,
      %get3A_349 = vector.shape_cast %get3A_348 : vector<1x16xf32> to vector<16xf32>
      %sub3A_350 = arith.subf %get3A_344, %get3A_349 : vector<16xf32>
      %get3A_351 = arith.constant 1 : i32
      %get3A_352 = arith.index_cast %get3A_351 : i32 to index
      %get3A_353 = arith.constant 384 : index
      %get3A_354 = tpu.vector_load %arg6[%get3A_352, %get3A_353] {strides = array<i32>} : memref<2x1024xf32, #tpu.memory_space<vmem>>, vector<1x16xf32>,
      %get3A_355 = vector.shape_cast %get3A_354 : vector<1x16xf32> to vector<16xf32>
      %get3A_356 = arith.constant 0 : i32
      %get3A_357 = arith.index_cast %get3A_356 : i32 to index
      %get3A_358 = arith.constant 384 : index
      %get3A_359 = tpu.vector_load %arg6[%get3A_357, %get3A_358] {strides = array<i32>} : memref<2x1024xf32, #tpu.memory_space<vmem>>, vector<1x16xf32>,
      %get3A_360 = vector.shape_cast %get3A_359 : vector<1x16xf32> to vector<16xf32>
      %sub3A_361 = arith.subf %get3A_355, %get3A_360 : vector<16xf32>
      %get3A_362 = arith.constant 1 : i32
      %get3A_363 = arith.index_cast %get3A_362 : i32 to index
      %get3A_364 = arith.constant 400 : index
      %get3A_365 = tpu.vector_load %arg6[%get3A_363, %get3A_364] {strides = array<i32>} : memref<2x1024xf32, #tpu.memory_space<vmem>>, vector<1x16xf32>,
      %get3A_366 = vector.shape_cast %get3A_365 : vector<1x16xf32> to vector<16xf32>
      %get3A_367 = arith.constant 0 : i32
      %get3A_368 = arith.index_cast %get3A_367 : i32 to index
      %get3A_369 = arith.constant 400 : index
      %get3A_370 = tpu.vector_load %arg6[%get3A_368, %get3A_369] {strides = array<i32>} : memref<2x1024xf32, #tpu.memory_space<vmem>>, vector<1x16xf32>,
      %get3A_371 = vector.shape_cast %get3A_370 : vector<1x16xf32> to vector<16xf32>
      %sub3A_372 = arith.subf %get3A_366, %get3A_371 : vector<16xf32>
      %get3A_373 = arith.constant 1 : i32
      %get3A_374 = arith.index_cast %get3A_373 : i32 to index
      %get3A_375 = arith.constant 416 : index
      %get3A_376 = tpu.vector_load %arg6[%get3A_374, %get3A_375] {strides = array<i32>} : memref<2x1024xf32, #tpu.memory_space<vmem>>, vector<1x16xf32>,
      %get3A_377 = vector.shape_cast %get3A_376 : vector<1x16xf32> to vector<16xf32>
      %get3A_378 = arith.constant 0 : i32
      %get3A_379 = arith.index_cast %get3A_378 : i32 to index
      %get3A_380 = arith.constant 416 : index
      %get3A_381 = tpu.vector_load %arg6[%get3A_379, %get3A_380] {strides = array<i32>} : memref<2x1024xf32, #tpu.memory_space<vmem>>, vector<1x16xf32>,
      %get3A_382 = vector.shape_cast %get3A_381 : vector<1x16xf32> to vector<16xf32>
      %sub3A_383 = arith.subf %get3A_377, %get3A_382 : vector<16xf32>
      %get3A_384 = arith.constant 1 : i32
      %get3A_385 = arith.index_cast %get3A_384 : i32 to index
      %get3A_386 = arith.constant 432 : index
      %get3A_387 = tpu.vector_load %arg6[%get3A_385, %get3A_386] {strides = array<i32>} : memref<2x1024xf32, #tpu.memory_space<vmem>>, vector<1x16xf32>,
      %get3A_388 = vector.shape_cast %get3A_387 : vector<1x16xf32> to vector<16xf32>
      %get3A_389 = arith.constant 0 : i32
      %get3A_390 = arith.index_cast %get3A_389 : i32 to index
      %get3A_391 = arith.constant 432 : index
      %get3A_392 = tpu.vector_load %arg6[%get3A_390, %get3A_391] {strides = array<i32>} : memref<2x1024xf32, #tpu.memory_space<vmem>>, vector<1x16xf32>,
      %get3A_393 = vector.shape_cast %get3A_392 : vector<1x16xf32> to vector<16xf32>
      %sub3A_394 = arith.subf %get3A_388, %get3A_393 : vector<16xf32>
      %get3A_395 = arith.constant 1 : i32
      %get3A_396 = arith.index_cast %get3A_395 : i32 to index
      %get3A_397 = arith.constant 448 : index
      %get3A_398 = tpu.vector_load %arg6[%get3A_396, %get3A_397] {strides = array<i32>} : memref<2x1024xf32, #tpu.memory_space<vmem>>, vector<1x16xf32>,
      %get3A_399 = vector.shape_cast %get3A_398 : vector<1x16xf32> to vector<16xf32>
      %get3A_400 = arith.constant 0 : i32
      %get3A_401 = arith.index_cast %get3A_400 : i32 to index
      %get3A_402 = arith.constant 448 : index
      %get3A_403 = tpu.vector_load %arg6[%get3A_401, %get3A_402] {strides = array<i32>} : memref<2x1024xf32, #tpu.memory_space<vmem>>, vector<1x16xf32>,
      %get3A_404 = vector.shape_cast %get3A_403 : vector<1x16xf32> to vector<16xf32>
      %sub3A_405 = arith.subf %get3A_399, %get3A_404 : vector<16xf32>
      %get3A_406 = arith.constant 1 : i32
      %get3A_407 = arith.index_cast %get3A_406 : i32 to index
      %get3A_408 = arith.constant 464 : index
      %get3A_409 = tpu.vector_load %arg6[%get3A_407, %get3A_408] {strides = array<i32>} : memref<2x1024xf32, #tpu.memory_space<vmem>>, vector<1x16xf32>,
      %get3A_410 = vector.shape_cast %get3A_409 : vector<1x16xf32> to vector<16xf32>
      %get3A_411 = arith.constant 0 : i32
      %get3A_412 = arith.index_cast %get3A_411 : i32 to index
      %get3A_413 = arith.constant 464 : index
      %get3A_414 = tpu.vector_load %arg6[%get3A_412, %get3A_413] {strides = array<i32>} : memref<2x1024xf32, #tpu.memory_space<vmem>>, vector<1x16xf32>,
      %get3A_415 = vector.shape_cast %get3A_414 : vector<1x16xf32> to vector<16xf32>
      %sub3A_416 = arith.subf %get3A_410, %get3A_415 : vector<16xf32>
      %get3A_417 = arith.constant 1 : i32
      %get3A_418 = arith.index_cast %get3A_417 : i32 to index
      %get3A_419 = arith.constant 480 : index
      %get3A_420 = tpu.vector_load %arg6[%get3A_418, %get3A_419] {strides = array<i32>} : memref<2x1024xf32, #tpu.memory_space<vmem>>, vector<1x16xf32>,
      %get3A_421 = vector.shape_cast %get3A_420 : vector<1x16xf32> to vector<16xf32>
      %get3A_422 = arith.constant 0 : i32
      %get3A_423 = arith.index_cast %get3A_422 : i32 to index
      %get3A_424 = arith.constant 480 : index
      %get3A_425 = tpu.vector_load %arg6[%get3A_423, %get3A_424] {strides = array<i32>} : memref<2x1024xf32, #tpu.memory_space<vmem>>, vector<1x16xf32>,
      %get3A_426 = vector.shape_cast %get3A_425 : vector<1x16xf32> to vector<16xf32>
      %sub3A_427 = arith.subf %get3A_421, %get3A_426 : vector<16xf32>
      %get3A_428 = arith.constant 1 : i32
      %get3A_429 = arith.index_cast %get3A_428 : i32 to index
      %get3A_430 = arith.constant 496 : index
      %get3A_431 = tpu.vector_load %arg6[%get3A_429, %get3A_430] {strides = array<i32>} : memref<2x1024xf32, #tpu.memory_space<vmem>>, vector<1x16xf32>,
      %get3A_432 = vector.shape_cast %get3A_431 : vector<1x16xf32> to vector<16xf32>
      %get3A_433 = arith.constant 0 : i32
      %get3A_434 = arith.index_cast %get3A_433 : i32 to index
      %get3A_435 = arith.constant 496 : index
      %get3A_436 = tpu.vector_load %arg6[%get3A_434, %get3A_435] {strides = array<i32>} : memref<2x1024xf32, #tpu.memory_space<vmem>>, vector<1x16xf32>,
      %get3A_437 = vector.shape_cast %get3A_436 : vector<1x16xf32> to vector<16xf32>
      %sub3A_438 = arith.subf %get3A_432, %get3A_437 : vector<16xf32>
      %scan3A_439 = arith.constant 0 : i32
      %scan3A_440 = arith.constant 0 : i32
      %scan3A_441 = arith.constant 8 : i32
      %scan3A_442 = arith.addi %scan3A_440, %scan3A_441 : i32
      %scan3A_443 = arith.constant 1 : i32
      scf.for %scan3A_823 = %scan3A_440 to %scan3A_442 step %scan3A_443  : i32 {
        %broadcast_in_dim3A = vector.broadcast %scan3A_823 : i32 to vector<16x1xi32>
        %gather3A = vector.shape_cast %broadcast_in_dim3A : vector<16x1xi32> to vector<16xi32>
        %gather3A_824 = tpu.dynamic_gather %convert_element_type3A_81[%gather3A] in [0] : vector<16xf32>, vector<16xi32> -> vector<16xf32>
        %get3A_825 = arith.index_cast %scan3A_823 : i32 to index
        %get3A_826 = arith.constant 256 : index
        %get3A_827 = tpu.vector_load %arg8[%get3A_825, %get3A_826] {strides = array<i32>} : memref<8x1024xf32, #tpu.memory_space<vmem>>, vector<1x16xf32>,
        %get3A_828 = vector.shape_cast %get3A_827 : vector<1x16xf32> to vector<16xf32>
        %get3A_829 = arith.index_cast %scan3A_823 : i32 to index
        %get3A_830 = arith.constant 272 : index
        %get3A_831 = tpu.vector_load %arg8[%get3A_829, %get3A_830] {strides = array<i32>} : memref<8x1024xf32, #tpu.memory_space<vmem>>, vector<1x16xf32>,
        %get3A_832 = vector.shape_cast %get3A_831 : vector<1x16xf32> to vector<16xf32>
        %get3A_833 = arith.index_cast %scan3A_823 : i32 to index
        %get3A_834 = arith.constant 288 : index
        %get3A_835 = tpu.vector_load %arg8[%get3A_833, %get3A_834] {strides = array<i32>} : memref<8x1024xf32, #tpu.memory_space<vmem>>, vector<1x16xf32>,
        %get3A_836 = vector.shape_cast %get3A_835 : vector<1x16xf32> to vector<16xf32>
        %get3A_837 = arith.index_cast %scan3A_823 : i32 to index
        %get3A_838 = arith.constant 304 : index
        %get3A_839 = tpu.vector_load %arg8[%get3A_837, %get3A_838] {strides = array<i32>} : memref<8x1024xf32, #tpu.memory_space<vmem>>, vector<1x16xf32>,
        %get3A_840 = vector.shape_cast %get3A_839 : vector<1x16xf32> to vector<16xf32>
        %get3A_841 = arith.index_cast %scan3A_823 : i32 to index
        %get3A_842 = arith.constant 320 : index
        %get3A_843 = tpu.vector_load %arg8[%get3A_841, %get3A_842] {strides = array<i32>} : memref<8x1024xf32, #tpu.memory_space<vmem>>, vector<1x16xf32>,
        %get3A_844 = vector.shape_cast %get3A_843 : vector<1x16xf32> to vector<16xf32>
        %get3A_845 = arith.index_cast %scan3A_823 : i32 to index
        %get3A_846 = arith.constant 336 : index
        %get3A_847 = tpu.vector_load %arg8[%get3A_845, %get3A_846] {strides = array<i32>} : memref<8x1024xf32, #tpu.memory_space<vmem>>, vector<1x16xf32>,
        %get3A_848 = vector.shape_cast %get3A_847 : vector<1x16xf32> to vector<16xf32>
        %get3A_849 = arith.index_cast %scan3A_823 : i32 to index
        %get3A_850 = arith.constant 352 : index
        %get3A_851 = tpu.vector_load %arg8[%get3A_849, %get3A_850] {strides = array<i32>} : memref<8x1024xf32, #tpu.memory_space<vmem>>, vector<1x16xf32>,
        %get3A_852 = vector.shape_cast %get3A_851 : vector<1x16xf32> to vector<16xf32>
        %get3A_853 = arith.index_cast %scan3A_823 : i32 to index
        %get3A_854 = arith.constant 368 : index
        %get3A_855 = tpu.vector_load %arg8[%get3A_853, %get3A_854] {strides = array<i32>} : memref<8x1024xf32, #tpu.memory_space<vmem>>, vector<1x16xf32>,
        %get3A_856 = vector.shape_cast %get3A_855 : vector<1x16xf32> to vector<16xf32>
        %get3A_857 = arith.index_cast %scan3A_823 : i32 to index
        %get3A_858 = arith.constant 384 : index
        %get3A_859 = tpu.vector_load %arg8[%get3A_857, %get3A_858] {strides = array<i32>} : memref<8x1024xf32, #tpu.memory_space<vmem>>, vector<1x16xf32>,
        %get3A_860 = vector.shape_cast %get3A_859 : vector<1x16xf32> to vector<16xf32>
        %get3A_861 = arith.index_cast %scan3A_823 : i32 to index
        %get3A_862 = arith.constant 400 : index
        %get3A_863 = tpu.vector_load %arg8[%get3A_861, %get3A_862] {strides = array<i32>} : memref<8x1024xf32, #tpu.memory_space<vmem>>, vector<1x16xf32>,
        %get3A_864 = vector.shape_cast %get3A_863 : vector<1x16xf32> to vector<16xf32>
        %get3A_865 = arith.index_cast %scan3A_823 : i32 to index
        %get3A_866 = arith.constant 416 : index
        %get3A_867 = tpu.vector_load %arg8[%get3A_865, %get3A_866] {strides = array<i32>} : memref<8x1024xf32, #tpu.memory_space<vmem>>, vector<1x16xf32>,
        %get3A_868 = vector.shape_cast %get3A_867 : vector<1x16xf32> to vector<16xf32>
        %get3A_869 = arith.index_cast %scan3A_823 : i32 to index
        %get3A_870 = arith.constant 432 : index
        %get3A_871 = tpu.vector_load %arg8[%get3A_869, %get3A_870] {strides = array<i32>} : memref<8x1024xf32, #tpu.memory_space<vmem>>, vector<1x16xf32>,
        %get3A_872 = vector.shape_cast %get3A_871 : vector<1x16xf32> to vector<16xf32>
        %get3A_873 = arith.index_cast %scan3A_823 : i32 to index
        %get3A_874 = arith.constant 448 : index
        %get3A_875 = tpu.vector_load %arg8[%get3A_873, %get3A_874] {strides = array<i32>} : memref<8x1024xf32, #tpu.memory_space<vmem>>, vector<1x16xf32>,
        %get3A_876 = vector.shape_cast %get3A_875 : vector<1x16xf32> to vector<16xf32>
        %get3A_877 = arith.index_cast %scan3A_823 : i32 to index
        %get3A_878 = arith.constant 464 : index
        %get3A_879 = tpu.vector_load %arg8[%get3A_877, %get3A_878] {strides = array<i32>} : memref<8x1024xf32, #tpu.memory_space<vmem>>, vector<1x16xf32>,
        %get3A_880 = vector.shape_cast %get3A_879 : vector<1x16xf32> to vector<16xf32>
        %get3A_881 = arith.index_cast %scan3A_823 : i32 to index
        %get3A_882 = arith.constant 480 : index
        %get3A_883 = tpu.vector_load %arg8[%get3A_881, %get3A_882] {strides = array<i32>} : memref<8x1024xf32, #tpu.memory_space<vmem>>, vector<1x16xf32>,
        %get3A_884 = vector.shape_cast %get3A_883 : vector<1x16xf32> to vector<16xf32>
        %get3A_885 = arith.index_cast %scan3A_823 : i32 to index
        %get3A_886 = arith.constant 496 : index
        %get3A_887 = tpu.vector_load %arg8[%get3A_885, %get3A_886] {strides = array<i32>} : memref<8x1024xf32, #tpu.memory_space<vmem>>, vector<1x16xf32>,
        %get3A_888 = vector.shape_cast %get3A_887 : vector<1x16xf32> to vector<16xf32>
        %mul3A_889 = arith.mulf %gather3A_824, %sub3A_273 : vector<16xf32>
        %add3A_890 = arith.addf %get3A_828, %mul3A_889 : vector<16xf32>
        %mul3A_891 = arith.mulf %gather3A_824, %sub3A_284 : vector<16xf32>
        %add3A_892 = arith.addf %get3A_832, %mul3A_891 : vector<16xf32>
        %mul3A_893 = arith.mulf %gather3A_824, %sub3A_295 : vector<16xf32>
        %add3A_894 = arith.addf %get3A_836, %mul3A_893 : vector<16xf32>
        %mul3A_895 = arith.mulf %gather3A_824, %sub3A_306 : vector<16xf32>
        %add3A_896 = arith.addf %get3A_840, %mul3A_895 : vector<16xf32>
        %mul3A_897 = arith.mulf %gather3A_824, %sub3A_317 : vector<16xf32>
        %add3A_898 = arith.addf %get3A_844, %mul3A_897 : vector<16xf32>
        %mul3A_899 = arith.mulf %gather3A_824, %sub3A_328 : vector<16xf32>
        %add3A_900 = arith.addf %get3A_848, %mul3A_899 : vector<16xf32>
        %mul3A_901 = arith.mulf %gather3A_824, %sub3A_339 : vector<16xf32>
        %add3A_902 = arith.addf %get3A_852, %mul3A_901 : vector<16xf32>
        %mul3A_903 = arith.mulf %gather3A_824, %sub3A_350 : vector<16xf32>
        %add3A_904 = arith.addf %get3A_856, %mul3A_903 : vector<16xf32>
        %mul3A_905 = arith.mulf %gather3A_824, %sub3A_361 : vector<16xf32>
        %add3A_906 = arith.addf %get3A_860, %mul3A_905 : vector<16xf32>
        %mul3A_907 = arith.mulf %gather3A_824, %sub3A_372 : vector<16xf32>
        %add3A_908 = arith.addf %get3A_864, %mul3A_907 : vector<16xf32>
        %mul3A_909 = arith.mulf %gather3A_824, %sub3A_383 : vector<16xf32>
        %add3A_910 = arith.addf %get3A_868, %mul3A_909 : vector<16xf32>
        %mul3A_911 = arith.mulf %gather3A_824, %sub3A_394 : vector<16xf32>
        %add3A_912 = arith.addf %get3A_872, %mul3A_911 : vector<16xf32>
        %mul3A_913 = arith.mulf %gather3A_824, %sub3A_405 : vector<16xf32>
        %add3A_914 = arith.addf %get3A_876, %mul3A_913 : vector<16xf32>
        %mul3A_915 = arith.mulf %gather3A_824, %sub3A_416 : vector<16xf32>
        %add3A_916 = arith.addf %get3A_880, %mul3A_915 : vector<16xf32>
        %mul3A_917 = arith.mulf %gather3A_824, %sub3A_427 : vector<16xf32>
        %add3A_918 = arith.addf %get3A_884, %mul3A_917 : vector<16xf32>
        %mul3A_919 = arith.mulf %gather3A_824, %sub3A_438 : vector<16xf32>
        %add3A_920 = arith.addf %get3A_888, %mul3A_919 : vector<16xf32>
        %swap3A = arith.index_cast %select_n3A_75 : i32 to index
        %swap3A_921 = arith.index_cast %scan3A_823 : i32 to index
        %swap3A_922 = arith.constant 256 : index
        %swap3A_923 = tpu.vector_load %arg9[%swap3A, %swap3A_921, %swap3A_922] {strides = array<i32>} : memref<2x8x1024xf32, #tpu.memory_space<vmem>>, vector<1x1x16xf32>,
        %swap3A_924 = vector.shape_cast %swap3A_923 : vector<1x1x16xf32> to vector<16xf32>
        %swap3A_925 = vector.shape_cast %add3A_890 : vector<16xf32> to vector<1x1x16xf32>
        tpu.vector_store %arg9[%swap3A, %swap3A_921, %swap3A_922], %swap3A_925 {strides = array<i32>} : memref<2x8x1024xf32, #tpu.memory_space<vmem>>, vector<1x1x16xf32>,
        %swap3A_926 = arith.index_cast %select_n3A_75 : i32 to index
        %swap3A_927 = arith.index_cast %scan3A_823 : i32 to index
        %swap3A_928 = arith.constant 272 : index
        %swap3A_929 = tpu.vector_load %arg9[%swap3A_926, %swap3A_927, %swap3A_928] {strides = array<i32>} : memref<2x8x1024xf32, #tpu.memory_space<vmem>>, vector<1x1x16xf32>,
        %swap3A_930 = vector.shape_cast %swap3A_929 : vector<1x1x16xf32> to vector<16xf32>
        %swap3A_931 = vector.shape_cast %add3A_892 : vector<16xf32> to vector<1x1x16xf32>
        tpu.vector_store %arg9[%swap3A_926, %swap3A_927, %swap3A_928], %swap3A_931 {strides = array<i32>} : memref<2x8x1024xf32, #tpu.memory_space<vmem>>, vector<1x1x16xf32>,
        %swap3A_932 = arith.index_cast %select_n3A_75 : i32 to index
        %swap3A_933 = arith.index_cast %scan3A_823 : i32 to index
        %swap3A_934 = arith.constant 288 : index
        %swap3A_935 = tpu.vector_load %arg9[%swap3A_932, %swap3A_933, %swap3A_934] {strides = array<i32>} : memref<2x8x1024xf32, #tpu.memory_space<vmem>>, vector<1x1x16xf32>,
        %swap3A_936 = vector.shape_cast %swap3A_935 : vector<1x1x16xf32> to vector<16xf32>
        %swap3A_937 = vector.shape_cast %add3A_894 : vector<16xf32> to vector<1x1x16xf32>
        tpu.vector_store %arg9[%swap3A_932, %swap3A_933, %swap3A_934], %swap3A_937 {strides = array<i32>} : memref<2x8x1024xf32, #tpu.memory_space<vmem>>, vector<1x1x16xf32>,
        %swap3A_938 = arith.index_cast %select_n3A_75 : i32 to index
        %swap3A_939 = arith.index_cast %scan3A_823 : i32 to index
        %swap3A_940 = arith.constant 304 : index
        %swap3A_941 = tpu.vector_load %arg9[%swap3A_938, %swap3A_939, %swap3A_940] {strides = array<i32>} : memref<2x8x1024xf32, #tpu.memory_space<vmem>>, vector<1x1x16xf32>,
        %swap3A_942 = vector.shape_cast %swap3A_941 : vector<1x1x16xf32> to vector<16xf32>
        %swap3A_943 = vector.shape_cast %add3A_896 : vector<16xf32> to vector<1x1x16xf32>
        tpu.vector_store %arg9[%swap3A_938, %swap3A_939, %swap3A_940], %swap3A_943 {strides = array<i32>} : memref<2x8x1024xf32, #tpu.memory_space<vmem>>, vector<1x1x16xf32>,
        %swap3A_944 = arith.index_cast %select_n3A_75 : i32 to index
        %swap3A_945 = arith.index_cast %scan3A_823 : i32 to index
        %swap3A_946 = arith.constant 320 : index
        %swap3A_947 = tpu.vector_load %arg9[%swap3A_944, %swap3A_945, %swap3A_946] {strides = array<i32>} : memref<2x8x1024xf32, #tpu.memory_space<vmem>>, vector<1x1x16xf32>,
        %swap3A_948 = vector.shape_cast %swap3A_947 : vector<1x1x16xf32> to vector<16xf32>
        %swap3A_949 = vector.shape_cast %add3A_898 : vector<16xf32> to vector<1x1x16xf32>
        tpu.vector_store %arg9[%swap3A_944, %swap3A_945, %swap3A_946], %swap3A_949 {strides = array<i32>} : memref<2x8x1024xf32, #tpu.memory_space<vmem>>, vector<1x1x16xf32>,
        %swap3A_950 = arith.index_cast %select_n3A_75 : i32 to index
        %swap3A_951 = arith.index_cast %scan3A_823 : i32 to index
        %swap3A_952 = arith.constant 336 : index
        %swap3A_953 = tpu.vector_load %arg9[%swap3A_950, %swap3A_951, %swap3A_952] {strides = array<i32>} : memref<2x8x1024xf32, #tpu.memory_space<vmem>>, vector<1x1x16xf32>,
        %swap3A_954 = vector.shape_cast %swap3A_953 : vector<1x1x16xf32> to vector<16xf32>
        %swap3A_955 = vector.shape_cast %add3A_900 : vector<16xf32> to vector<1x1x16xf32>
        tpu.vector_store %arg9[%swap3A_950, %swap3A_951, %swap3A_952], %swap3A_955 {strides = array<i32>} : memref<2x8x1024xf32, #tpu.memory_space<vmem>>, vector<1x1x16xf32>,
        %swap3A_956 = arith.index_cast %select_n3A_75 : i32 to index
        %swap3A_957 = arith.index_cast %scan3A_823 : i32 to index
        %swap3A_958 = arith.constant 352 : index
        %swap3A_959 = tpu.vector_load %arg9[%swap3A_956, %swap3A_957, %swap3A_958] {strides = array<i32>} : memref<2x8x1024xf32, #tpu.memory_space<vmem>>, vector<1x1x16xf32>,
        %swap3A_960 = vector.shape_cast %swap3A_959 : vector<1x1x16xf32> to vector<16xf32>
        %swap3A_961 = vector.shape_cast %add3A_902 : vector<16xf32> to vector<1x1x16xf32>
        tpu.vector_store %arg9[%swap3A_956, %swap3A_957, %swap3A_958], %swap3A_961 {strides = array<i32>} : memref<2x8x1024xf32, #tpu.memory_space<vmem>>, vector<1x1x16xf32>,
        %swap3A_962 = arith.index_cast %select_n3A_75 : i32 to index
        %swap3A_963 = arith.index_cast %scan3A_823 : i32 to index
        %swap3A_964 = arith.constant 368 : index
        %swap3A_965 = tpu.vector_load %arg9[%swap3A_962, %swap3A_963, %swap3A_964] {strides = array<i32>} : memref<2x8x1024xf32, #tpu.memory_space<vmem>>, vector<1x1x16xf32>,
        %swap3A_966 = vector.shape_cast %swap3A_965 : vector<1x1x16xf32> to vector<16xf32>
        %swap3A_967 = vector.shape_cast %add3A_904 : vector<16xf32> to vector<1x1x16xf32>
        tpu.vector_store %arg9[%swap3A_962, %swap3A_963, %swap3A_964], %swap3A_967 {strides = array<i32>} : memref<2x8x1024xf32, #tpu.memory_space<vmem>>, vector<1x1x16xf32>,
        %swap3A_968 = arith.index_cast %select_n3A_75 : i32 to index
        %swap3A_969 = arith.index_cast %scan3A_823 : i32 to index
        %swap3A_970 = arith.constant 384 : index
        %swap3A_971 = tpu.vector_load %arg9[%swap3A_968, %swap3A_969, %swap3A_970] {strides = array<i32>} : memref<2x8x1024xf32, #tpu.memory_space<vmem>>, vector<1x1x16xf32>,
        %swap3A_972 = vector.shape_cast %swap3A_971 : vector<1x1x16xf32> to vector<16xf32>
        %swap3A_973 = vector.shape_cast %add3A_906 : vector<16xf32> to vector<1x1x16xf32>
        tpu.vector_store %arg9[%swap3A_968, %swap3A_969, %swap3A_970], %swap3A_973 {strides = array<i32>} : memref<2x8x1024xf32, #tpu.memory_space<vmem>>, vector<1x1x16xf32>,
        %swap3A_974 = arith.index_cast %select_n3A_75 : i32 to index
        %swap3A_975 = arith.index_cast %scan3A_823 : i32 to index
        %swap3A_976 = arith.constant 400 : index
        %swap3A_977 = tpu.vector_load %arg9[%swap3A_974, %swap3A_975, %swap3A_976] {strides = array<i32>} : memref<2x8x1024xf32, #tpu.memory_space<vmem>>, vector<1x1x16xf32>,
        %swap3A_978 = vector.shape_cast %swap3A_977 : vector<1x1x16xf32> to vector<16xf32>
        %swap3A_979 = vector.shape_cast %add3A_908 : vector<16xf32> to vector<1x1x16xf32>
        tpu.vector_store %arg9[%swap3A_974, %swap3A_975, %swap3A_976], %swap3A_979 {strides = array<i32>} : memref<2x8x1024xf32, #tpu.memory_space<vmem>>, vector<1x1x16xf32>,
        %swap3A_980 = arith.index_cast %select_n3A_75 : i32 to index
        %swap3A_981 = arith.index_cast %scan3A_823 : i32 to index
        %swap3A_982 = arith.constant 416 : index
        %swap3A_983 = tpu.vector_load %arg9[%swap3A_980, %swap3A_981, %swap3A_982] {strides = array<i32>} : memref<2x8x1024xf32, #tpu.memory_space<vmem>>, vector<1x1x16xf32>,
        %swap3A_984 = vector.shape_cast %swap3A_983 : vector<1x1x16xf32> to vector<16xf32>
        %swap3A_985 = vector.shape_cast %add3A_910 : vector<16xf32> to vector<1x1x16xf32>
        tpu.vector_store %arg9[%swap3A_980, %swap3A_981, %swap3A_982], %swap3A_985 {strides = array<i32>} : memref<2x8x1024xf32, #tpu.memory_space<vmem>>, vector<1x1x16xf32>,
        %swap3A_986 = arith.index_cast %select_n3A_75 : i32 to index
        %swap3A_987 = arith.index_cast %scan3A_823 : i32 to index
        %swap3A_988 = arith.constant 432 : index
        %swap3A_989 = tpu.vector_load %arg9[%swap3A_986, %swap3A_987, %swap3A_988] {strides = array<i32>} : memref<2x8x1024xf32, #tpu.memory_space<vmem>>, vector<1x1x16xf32>,
        %swap3A_990 = vector.shape_cast %swap3A_989 : vector<1x1x16xf32> to vector<16xf32>
        %swap3A_991 = vector.shape_cast %add3A_912 : vector<16xf32> to vector<1x1x16xf32>
        tpu.vector_store %arg9[%swap3A_986, %swap3A_987, %swap3A_988], %swap3A_991 {strides = array<i32>} : memref<2x8x1024xf32, #tpu.memory_space<vmem>>, vector<1x1x16xf32>,
        %swap3A_992 = arith.index_cast %select_n3A_75 : i32 to index
        %swap3A_993 = arith.index_cast %scan3A_823 : i32 to index
        %swap3A_994 = arith.constant 448 : index
        %swap3A_995 = tpu.vector_load %arg9[%swap3A_992, %swap3A_993, %swap3A_994] {strides = array<i32>} : memref<2x8x1024xf32, #tpu.memory_space<vmem>>, vector<1x1x16xf32>,
        %swap3A_996 = vector.shape_cast %swap3A_995 : vector<1x1x16xf32> to vector<16xf32>
        %swap3A_997 = vector.shape_cast %add3A_914 : vector<16xf32> to vector<1x1x16xf32>
        tpu.vector_store %arg9[%swap3A_992, %swap3A_993, %swap3A_994], %swap3A_997 {strides = array<i32>} : memref<2x8x1024xf32, #tpu.memory_space<vmem>>, vector<1x1x16xf32>,
        %swap3A_998 = arith.index_cast %select_n3A_75 : i32 to index
        %swap3A_999 = arith.index_cast %scan3A_823 : i32 to index
        %swap3A_1000 = arith.constant 464 : index
        %swap3A_1001 = tpu.vector_load %arg9[%swap3A_998, %swap3A_999, %swap3A_1000] {strides = array<i32>} : memref<2x8x1024xf32, #tpu.memory_space<vmem>>, vector<1x1x16xf32>,
        %swap3A_1002 = vector.shape_cast %swap3A_1001 : vector<1x1x16xf32> to vector<16xf32>
        %swap3A_1003 = vector.shape_cast %add3A_916 : vector<16xf32> to vector<1x1x16xf32>
        tpu.vector_store %arg9[%swap3A_998, %swap3A_999, %swap3A_1000], %swap3A_1003 {strides = array<i32>} : memref<2x8x1024xf32, #tpu.memory_space<vmem>>, vector<1x1x16xf32>,
        %swap3A_1004 = arith.index_cast %select_n3A_75 : i32 to index
        %swap3A_1005 = arith.index_cast %scan3A_823 : i32 to index
        %swap3A_1006 = arith.constant 480 : index
        %swap3A_1007 = tpu.vector_load %arg9[%swap3A_1004, %swap3A_1005, %swap3A_1006] {strides = array<i32>} : memref<2x8x1024xf32, #tpu.memory_space<vmem>>, vector<1x1x16xf32>,
        %swap3A_1008 = vector.shape_cast %swap3A_1007 : vector<1x1x16xf32> to vector<16xf32>
        %swap3A_1009 = vector.shape_cast %add3A_918 : vector<16xf32> to vector<1x1x16xf32>
        tpu.vector_store %arg9[%swap3A_1004, %swap3A_1005, %swap3A_1006], %swap3A_1009 {strides = array<i32>} : memref<2x8x1024xf32, #tpu.memory_space<vmem>>, vector<1x1x16xf32>,
        %swap3A_1010 = arith.index_cast %select_n3A_75 : i32 to index
        %swap3A_1011 = arith.index_cast %scan3A_823 : i32 to index
        %swap3A_1012 = arith.constant 496 : index
        %swap3A_1013 = tpu.vector_load %arg9[%swap3A_1010, %swap3A_1011, %swap3A_1012] {strides = array<i32>} : memref<2x8x1024xf32, #tpu.memory_space<vmem>>, vector<1x1x16xf32>,
        %swap3A_1014 = vector.shape_cast %swap3A_1013 : vector<1x1x16xf32> to vector<16xf32>
        %swap3A_1015 = vector.shape_cast %add3A_920 : vector<16xf32> to vector<1x1x16xf32>
        tpu.vector_store %arg9[%swap3A_1010, %swap3A_1011, %swap3A_1012], %swap3A_1015 {strides = array<i32>} : memref<2x8x1024xf32, #tpu.memory_space<vmem>>, vector<1x1x16xf32>,
      }
      %scan3A_444 = arith.constant 8 : i32
      %get3A_445 = arith.constant 1 : i32
      %get3A_446 = arith.index_cast %get3A_445 : i32 to index
      %get3A_447 = arith.constant 512 : index
      %get3A_448 = tpu.vector_load %arg6[%get3A_446, %get3A_447] {strides = array<i32>} : memref<2x1024xf32, #tpu.memory_space<vmem>>, vector<1x16xf32>,
      %get3A_449 = vector.shape_cast %get3A_448 : vector<1x16xf32> to vector<16xf32>
      %get3A_450 = arith.constant 0 : i32
      %get3A_451 = arith.index_cast %get3A_450 : i32 to index
      %get3A_452 = arith.constant 512 : index
      %get3A_453 = tpu.vector_load %arg6[%get3A_451, %get3A_452] {strides = array<i32>} : memref<2x1024xf32, #tpu.memory_space<vmem>>, vector<1x16xf32>,
      %get3A_454 = vector.shape_cast %get3A_453 : vector<1x16xf32> to vector<16xf32>
      %sub3A_455 = arith.subf %get3A_449, %get3A_454 : vector<16xf32>
      %get3A_456 = arith.constant 1 : i32
      %get3A_457 = arith.index_cast %get3A_456 : i32 to index
      %get3A_458 = arith.constant 528 : index
      %get3A_459 = tpu.vector_load %arg6[%get3A_457, %get3A_458] {strides = array<i32>} : memref<2x1024xf32, #tpu.memory_space<vmem>>, vector<1x16xf32>,
      %get3A_460 = vector.shape_cast %get3A_459 : vector<1x16xf32> to vector<16xf32>
      %get3A_461 = arith.constant 0 : i32
      %get3A_462 = arith.index_cast %get3A_461 : i32 to index
      %get3A_463 = arith.constant 528 : index
      %get3A_464 = tpu.vector_load %arg6[%get3A_462, %get3A_463] {strides = array<i32>} : memref<2x1024xf32, #tpu.memory_space<vmem>>, vector<1x16xf32>,
      %get3A_465 = vector.shape_cast %get3A_464 : vector<1x16xf32> to vector<16xf32>
      %sub3A_466 = arith.subf %get3A_460, %get3A_465 : vector<16xf32>
      %get3A_467 = arith.constant 1 : i32
      %get3A_468 = arith.index_cast %get3A_467 : i32 to index
      %get3A_469 = arith.constant 544 : index
      %get3A_470 = tpu.vector_load %arg6[%get3A_468, %get3A_469] {strides = array<i32>} : memref<2x1024xf32, #tpu.memory_space<vmem>>, vector<1x16xf32>,
      %get3A_471 = vector.shape_cast %get3A_470 : vector<1x16xf32> to vector<16xf32>
      %get3A_472 = arith.constant 0 : i32
      %get3A_473 = arith.index_cast %get3A_472 : i32 to index
      %get3A_474 = arith.constant 544 : index
      %get3A_475 = tpu.vector_load %arg6[%get3A_473, %get3A_474] {strides = array<i32>} : memref<2x1024xf32, #tpu.memory_space<vmem>>, vector<1x16xf32>,
      %get3A_476 = vector.shape_cast %get3A_475 : vector<1x16xf32> to vector<16xf32>
      %sub3A_477 = arith.subf %get3A_471, %get3A_476 : vector<16xf32>
      %get3A_478 = arith.constant 1 : i32
      %get3A_479 = arith.index_cast %get3A_478 : i32 to index
      %get3A_480 = arith.constant 560 : index
      %get3A_481 = tpu.vector_load %arg6[%get3A_479, %get3A_480] {strides = array<i32>} : memref<2x1024xf32, #tpu.memory_space<vmem>>, vector<1x16xf32>,
      %get3A_482 = vector.shape_cast %get3A_481 : vector<1x16xf32> to vector<16xf32>
      %get3A_483 = arith.constant 0 : i32
      %get3A_484 = arith.index_cast %get3A_483 : i32 to index
      %get3A_485 = arith.constant 560 : index
      %get3A_486 = tpu.vector_load %arg6[%get3A_484, %get3A_485] {strides = array<i32>} : memref<2x1024xf32, #tpu.memory_space<vmem>>, vector<1x16xf32>,
      %get3A_487 = vector.shape_cast %get3A_486 : vector<1x16xf32> to vector<16xf32>
      %sub3A_488 = arith.subf %get3A_482, %get3A_487 : vector<16xf32>
      %get3A_489 = arith.constant 1 : i32
      %get3A_490 = arith.index_cast %get3A_489 : i32 to index
      %get3A_491 = arith.constant 576 : index
      %get3A_492 = tpu.vector_load %arg6[%get3A_490, %get3A_491] {strides = array<i32>} : memref<2x1024xf32, #tpu.memory_space<vmem>>, vector<1x16xf32>,
      %get3A_493 = vector.shape_cast %get3A_492 : vector<1x16xf32> to vector<16xf32>
      %get3A_494 = arith.constant 0 : i32
      %get3A_495 = arith.index_cast %get3A_494 : i32 to index
      %get3A_496 = arith.constant 576 : index
      %get3A_497 = tpu.vector_load %arg6[%get3A_495, %get3A_496] {strides = array<i32>} : memref<2x1024xf32, #tpu.memory_space<vmem>>, vector<1x16xf32>,
      %get3A_498 = vector.shape_cast %get3A_497 : vector<1x16xf32> to vector<16xf32>
      %sub3A_499 = arith.subf %get3A_493, %get3A_498 : vector<16xf32>
      %get3A_500 = arith.constant 1 : i32
      %get3A_501 = arith.index_cast %get3A_500 : i32 to index
      %get3A_502 = arith.constant 592 : index
      %get3A_503 = tpu.vector_load %arg6[%get3A_501, %get3A_502] {strides = array<i32>} : memref<2x1024xf32, #tpu.memory_space<vmem>>, vector<1x16xf32>,
      %get3A_504 = vector.shape_cast %get3A_503 : vector<1x16xf32> to vector<16xf32>
      %get3A_505 = arith.constant 0 : i32
      %get3A_506 = arith.index_cast %get3A_505 : i32 to index
      %get3A_507 = arith.constant 592 : index
      %get3A_508 = tpu.vector_load %arg6[%get3A_506, %get3A_507] {strides = array<i32>} : memref<2x1024xf32, #tpu.memory_space<vmem>>, vector<1x16xf32>,
      %get3A_509 = vector.shape_cast %get3A_508 : vector<1x16xf32> to vector<16xf32>
      %sub3A_510 = arith.subf %get3A_504, %get3A_509 : vector<16xf32>
      %get3A_511 = arith.constant 1 : i32
      %get3A_512 = arith.index_cast %get3A_511 : i32 to index
      %get3A_513 = arith.constant 608 : index
      %get3A_514 = tpu.vector_load %arg6[%get3A_512, %get3A_513] {strides = array<i32>} : memref<2x1024xf32, #tpu.memory_space<vmem>>, vector<1x16xf32>,
      %get3A_515 = vector.shape_cast %get3A_514 : vector<1x16xf32> to vector<16xf32>
      %get3A_516 = arith.constant 0 : i32
      %get3A_517 = arith.index_cast %get3A_516 : i32 to index
      %get3A_518 = arith.constant 608 : index
      %get3A_519 = tpu.vector_load %arg6[%get3A_517, %get3A_518] {strides = array<i32>} : memref<2x1024xf32, #tpu.memory_space<vmem>>, vector<1x16xf32>,
      %get3A_520 = vector.shape_cast %get3A_519 : vector<1x16xf32> to vector<16xf32>
      %sub3A_521 = arith.subf %get3A_515, %get3A_520 : vector<16xf32>
      %get3A_522 = arith.constant 1 : i32
      %get3A_523 = arith.index_cast %get3A_522 : i32 to index
      %get3A_524 = arith.constant 624 : index
      %get3A_525 = tpu.vector_load %arg6[%get3A_523, %get3A_524] {strides = array<i32>} : memref<2x1024xf32, #tpu.memory_space<vmem>>, vector<1x16xf32>,
      %get3A_526 = vector.shape_cast %get3A_525 : vector<1x16xf32> to vector<16xf32>
      %get3A_527 = arith.constant 0 : i32
      %get3A_528 = arith.index_cast %get3A_527 : i32 to index
      %get3A_529 = arith.constant 624 : index
      %get3A_530 = tpu.vector_load %arg6[%get3A_528, %get3A_529] {strides = array<i32>} : memref<2x1024xf32, #tpu.memory_space<vmem>>, vector<1x16xf32>,
      %get3A_531 = vector.shape_cast %get3A_530 : vector<1x16xf32> to vector<16xf32>
      %sub3A_532 = arith.subf %get3A_526, %get3A_531 : vector<16xf32>
      %get3A_533 = arith.constant 1 : i32
      %get3A_534 = arith.index_cast %get3A_533 : i32 to index
      %get3A_535 = arith.constant 640 : index
      %get3A_536 = tpu.vector_load %arg6[%get3A_534, %get3A_535] {strides = array<i32>} : memref<2x1024xf32, #tpu.memory_space<vmem>>, vector<1x16xf32>,
      %get3A_537 = vector.shape_cast %get3A_536 : vector<1x16xf32> to vector<16xf32>
      %get3A_538 = arith.constant 0 : i32
      %get3A_539 = arith.index_cast %get3A_538 : i32 to index
      %get3A_540 = arith.constant 640 : index
      %get3A_541 = tpu.vector_load %arg6[%get3A_539, %get3A_540] {strides = array<i32>} : memref<2x1024xf32, #tpu.memory_space<vmem>>, vector<1x16xf32>,
      %get3A_542 = vector.shape_cast %get3A_541 : vector<1x16xf32> to vector<16xf32>
      %sub3A_543 = arith.subf %get3A_537, %get3A_542 : vector<16xf32>
      %get3A_544 = arith.constant 1 : i32
      %get3A_545 = arith.index_cast %get3A_544 : i32 to index
      %get3A_546 = arith.constant 656 : index
      %get3A_547 = tpu.vector_load %arg6[%get3A_545, %get3A_546] {strides = array<i32>} : memref<2x1024xf32, #tpu.memory_space<vmem>>, vector<1x16xf32>,
      %get3A_548 = vector.shape_cast %get3A_547 : vector<1x16xf32> to vector<16xf32>
      %get3A_549 = arith.constant 0 : i32
      %get3A_550 = arith.index_cast %get3A_549 : i32 to index
      %get3A_551 = arith.constant 656 : index
      %get3A_552 = tpu.vector_load %arg6[%get3A_550, %get3A_551] {strides = array<i32>} : memref<2x1024xf32, #tpu.memory_space<vmem>>, vector<1x16xf32>,
      %get3A_553 = vector.shape_cast %get3A_552 : vector<1x16xf32> to vector<16xf32>
      %sub3A_554 = arith.subf %get3A_548, %get3A_553 : vector<16xf32>
      %get3A_555 = arith.constant 1 : i32
      %get3A_556 = arith.index_cast %get3A_555 : i32 to index
      %get3A_557 = arith.constant 672 : index
      %get3A_558 = tpu.vector_load %arg6[%get3A_556, %get3A_557] {strides = array<i32>} : memref<2x1024xf32, #tpu.memory_space<vmem>>, vector<1x16xf32>,
      %get3A_559 = vector.shape_cast %get3A_558 : vector<1x16xf32> to vector<16xf32>
      %get3A_560 = arith.constant 0 : i32
      %get3A_561 = arith.index_cast %get3A_560 : i32 to index
      %get3A_562 = arith.constant 672 : index
      %get3A_563 = tpu.vector_load %arg6[%get3A_561, %get3A_562] {strides = array<i32>} : memref<2x1024xf32, #tpu.memory_space<vmem>>, vector<1x16xf32>,
      %get3A_564 = vector.shape_cast %get3A_563 : vector<1x16xf32> to vector<16xf32>
      %sub3A_565 = arith.subf %get3A_559, %get3A_564 : vector<16xf32>
      %get3A_566 = arith.constant 1 : i32
      %get3A_567 = arith.index_cast %get3A_566 : i32 to index
      %get3A_568 = arith.constant 688 : index
      %get3A_569 = tpu.vector_load %arg6[%get3A_567, %get3A_568] {strides = array<i32>} : memref<2x1024xf32, #tpu.memory_space<vmem>>, vector<1x16xf32>,
      %get3A_570 = vector.shape_cast %get3A_569 : vector<1x16xf32> to vector<16xf32>
      %get3A_571 = arith.constant 0 : i32
      %get3A_572 = arith.index_cast %get3A_571 : i32 to index
      %get3A_573 = arith.constant 688 : index
      %get3A_574 = tpu.vector_load %arg6[%get3A_572, %get3A_573] {strides = array<i32>} : memref<2x1024xf32, #tpu.memory_space<vmem>>, vector<1x16xf32>,
      %get3A_575 = vector.shape_cast %get3A_574 : vector<1x16xf32> to vector<16xf32>
      %sub3A_576 = arith.subf %get3A_570, %get3A_575 : vector<16xf32>
      %get3A_577 = arith.constant 1 : i32
      %get3A_578 = arith.index_cast %get3A_577 : i32 to index
      %get3A_579 = arith.constant 704 : index
      %get3A_580 = tpu.vector_load %arg6[%get3A_578, %get3A_579] {strides = array<i32>} : memref<2x1024xf32, #tpu.memory_space<vmem>>, vector<1x16xf32>,
      %get3A_581 = vector.shape_cast %get3A_580 : vector<1x16xf32> to vector<16xf32>
      %get3A_582 = arith.constant 0 : i32
      %get3A_583 = arith.index_cast %get3A_582 : i32 to index
      %get3A_584 = arith.constant 704 : index
      %get3A_585 = tpu.vector_load %arg6[%get3A_583, %get3A_584] {strides = array<i32>} : memref<2x1024xf32, #tpu.memory_space<vmem>>, vector<1x16xf32>,
      %get3A_586 = vector.shape_cast %get3A_585 : vector<1x16xf32> to vector<16xf32>
      %sub3A_587 = arith.subf %get3A_581, %get3A_586 : vector<16xf32>
      %get3A_588 = arith.constant 1 : i32
      %get3A_589 = arith.index_cast %get3A_588 : i32 to index
      %get3A_590 = arith.constant 720 : index
      %get3A_591 = tpu.vector_load %arg6[%get3A_589, %get3A_590] {strides = array<i32>} : memref<2x1024xf32, #tpu.memory_space<vmem>>, vector<1x16xf32>,
      %get3A_592 = vector.shape_cast %get3A_591 : vector<1x16xf32> to vector<16xf32>
      %get3A_593 = arith.constant 0 : i32
      %get3A_594 = arith.index_cast %get3A_593 : i32 to index
      %get3A_595 = arith.constant 720 : index
      %get3A_596 = tpu.vector_load %arg6[%get3A_594, %get3A_595] {strides = array<i32>} : memref<2x1024xf32, #tpu.memory_space<vmem>>, vector<1x16xf32>,
      %get3A_597 = vector.shape_cast %get3A_596 : vector<1x16xf32> to vector<16xf32>
      %sub3A_598 = arith.subf %get3A_592, %get3A_597 : vector<16xf32>
      %get3A_599 = arith.constant 1 : i32
      %get3A_600 = arith.index_cast %get3A_599 : i32 to index
      %get3A_601 = arith.constant 736 : index
      %get3A_602 = tpu.vector_load %arg6[%get3A_600, %get3A_601] {strides = array<i32>} : memref<2x1024xf32, #tpu.memory_space<vmem>>, vector<1x16xf32>,
      %get3A_603 = vector.shape_cast %get3A_602 : vector<1x16xf32> to vector<16xf32>
      %get3A_604 = arith.constant 0 : i32
      %get3A_605 = arith.index_cast %get3A_604 : i32 to index
      %get3A_606 = arith.constant 736 : index
      %get3A_607 = tpu.vector_load %arg6[%get3A_605, %get3A_606] {strides = array<i32>} : memref<2x1024xf32, #tpu.memory_space<vmem>>, vector<1x16xf32>,
      %get3A_608 = vector.shape_cast %get3A_607 : vector<1x16xf32> to vector<16xf32>
      %sub3A_609 = arith.subf %get3A_603, %get3A_608 : vector<16xf32>
      %get3A_610 = arith.constant 1 : i32
      %get3A_611 = arith.index_cast %get3A_610 : i32 to index
      %get3A_612 = arith.constant 752 : index
      %get3A_613 = tpu.vector_load %arg6[%get3A_611, %get3A_612] {strides = array<i32>} : memref<2x1024xf32, #tpu.memory_space<vmem>>, vector<1x16xf32>,
      %get3A_614 = vector.shape_cast %get3A_613 : vector<1x16xf32> to vector<16xf32>
      %get3A_615 = arith.constant 0 : i32
      %get3A_616 = arith.index_cast %get3A_615 : i32 to index
      %get3A_617 = arith.constant 752 : index
      %get3A_618 = tpu.vector_load %arg6[%get3A_616, %get3A_617] {strides = array<i32>} : memref<2x1024xf32, #tpu.memory_space<vmem>>, vector<1x16xf32>,
      %get3A_619 = vector.shape_cast %get3A_618 : vector<1x16xf32> to vector<16xf32>
      %sub3A_620 = arith.subf %get3A_614, %get3A_619 : vector<16xf32>
      %scan3A_621 = arith.constant 0 : i32
      %scan3A_622 = arith.constant 0 : i32
      %scan3A_623 = arith.constant 8 : i32
      %scan3A_624 = arith.addi %scan3A_622, %scan3A_623 : i32
      %scan3A_625 = arith.constant 1 : i32
      scf.for %scan3A_823 = %scan3A_622 to %scan3A_624 step %scan3A_625  : i32 {
        %broadcast_in_dim3A = vector.broadcast %scan3A_823 : i32 to vector<16x1xi32>
        %gather3A = vector.shape_cast %broadcast_in_dim3A : vector<16x1xi32> to vector<16xi32>
        %gather3A_824 = tpu.dynamic_gather %convert_element_type3A_81[%gather3A] in [0] : vector<16xf32>, vector<16xi32> -> vector<16xf32>
        %get3A_825 = arith.index_cast %scan3A_823 : i32 to index
        %get3A_826 = arith.constant 512 : index
        %get3A_827 = tpu.vector_load %arg8[%get3A_825, %get3A_826] {strides = array<i32>} : memref<8x1024xf32, #tpu.memory_space<vmem>>, vector<1x16xf32>,
        %get3A_828 = vector.shape_cast %get3A_827 : vector<1x16xf32> to vector<16xf32>
        %get3A_829 = arith.index_cast %scan3A_823 : i32 to index
        %get3A_830 = arith.constant 528 : index
        %get3A_831 = tpu.vector_load %arg8[%get3A_829, %get3A_830] {strides = array<i32>} : memref<8x1024xf32, #tpu.memory_space<vmem>>, vector<1x16xf32>,
        %get3A_832 = vector.shape_cast %get3A_831 : vector<1x16xf32> to vector<16xf32>
        %get3A_833 = arith.index_cast %scan3A_823 : i32 to index
        %get3A_834 = arith.constant 544 : index
        %get3A_835 = tpu.vector_load %arg8[%get3A_833, %get3A_834] {strides = array<i32>} : memref<8x1024xf32, #tpu.memory_space<vmem>>, vector<1x16xf32>,
        %get3A_836 = vector.shape_cast %get3A_835 : vector<1x16xf32> to vector<16xf32>
        %get3A_837 = arith.index_cast %scan3A_823 : i32 to index
        %get3A_838 = arith.constant 560 : index
        %get3A_839 = tpu.vector_load %arg8[%get3A_837, %get3A_838] {strides = array<i32>} : memref<8x1024xf32, #tpu.memory_space<vmem>>, vector<1x16xf32>,
        %get3A_840 = vector.shape_cast %get3A_839 : vector<1x16xf32> to vector<16xf32>
        %get3A_841 = arith.index_cast %scan3A_823 : i32 to index
        %get3A_842 = arith.constant 576 : index
        %get3A_843 = tpu.vector_load %arg8[%get3A_841, %get3A_842] {strides = array<i32>} : memref<8x1024xf32, #tpu.memory_space<vmem>>, vector<1x16xf32>,
        %get3A_844 = vector.shape_cast %get3A_843 : vector<1x16xf32> to vector<16xf32>
        %get3A_845 = arith.index_cast %scan3A_823 : i32 to index
        %get3A_846 = arith.constant 592 : index
        %get3A_847 = tpu.vector_load %arg8[%get3A_845, %get3A_846] {strides = array<i32>} : memref<8x1024xf32, #tpu.memory_space<vmem>>, vector<1x16xf32>,
        %get3A_848 = vector.shape_cast %get3A_847 : vector<1x16xf32> to vector<16xf32>
        %get3A_849 = arith.index_cast %scan3A_823 : i32 to index
        %get3A_850 = arith.constant 608 : index
        %get3A_851 = tpu.vector_load %arg8[%get3A_849, %get3A_850] {strides = array<i32>} : memref<8x1024xf32, #tpu.memory_space<vmem>>, vector<1x16xf32>,
        %get3A_852 = vector.shape_cast %get3A_851 : vector<1x16xf32> to vector<16xf32>
        %get3A_853 = arith.index_cast %scan3A_823 : i32 to index
        %get3A_854 = arith.constant 624 : index
        %get3A_855 = tpu.vector_load %arg8[%get3A_853, %get3A_854] {strides = array<i32>} : memref<8x1024xf32, #tpu.memory_space<vmem>>, vector<1x16xf32>,
        %get3A_856 = vector.shape_cast %get3A_855 : vector<1x16xf32> to vector<16xf32>
        %get3A_857 = arith.index_cast %scan3A_823 : i32 to index
        %get3A_858 = arith.constant 640 : index
        %get3A_859 = tpu.vector_load %arg8[%get3A_857, %get3A_858] {strides = array<i32>} : memref<8x1024xf32, #tpu.memory_space<vmem>>, vector<1x16xf32>,
        %get3A_860 = vector.shape_cast %get3A_859 : vector<1x16xf32> to vector<16xf32>
        %get3A_861 = arith.index_cast %scan3A_823 : i32 to index
        %get3A_862 = arith.constant 656 : index
        %get3A_863 = tpu.vector_load %arg8[%get3A_861, %get3A_862] {strides = array<i32>} : memref<8x1024xf32, #tpu.memory_space<vmem>>, vector<1x16xf32>,
        %get3A_864 = vector.shape_cast %get3A_863 : vector<1x16xf32> to vector<16xf32>
        %get3A_865 = arith.index_cast %scan3A_823 : i32 to index
        %get3A_866 = arith.constant 672 : index
        %get3A_867 = tpu.vector_load %arg8[%get3A_865, %get3A_866] {strides = array<i32>} : memref<8x1024xf32, #tpu.memory_space<vmem>>, vector<1x16xf32>,
        %get3A_868 = vector.shape_cast %get3A_867 : vector<1x16xf32> to vector<16xf32>
        %get3A_869 = arith.index_cast %scan3A_823 : i32 to index
        %get3A_870 = arith.constant 688 : index
        %get3A_871 = tpu.vector_load %arg8[%get3A_869, %get3A_870] {strides = array<i32>} : memref<8x1024xf32, #tpu.memory_space<vmem>>, vector<1x16xf32>,
        %get3A_872 = vector.shape_cast %get3A_871 : vector<1x16xf32> to vector<16xf32>
        %get3A_873 = arith.index_cast %scan3A_823 : i32 to index
        %get3A_874 = arith.constant 704 : index
        %get3A_875 = tpu.vector_load %arg8[%get3A_873, %get3A_874] {strides = array<i32>} : memref<8x1024xf32, #tpu.memory_space<vmem>>, vector<1x16xf32>,
        %get3A_876 = vector.shape_cast %get3A_875 : vector<1x16xf32> to vector<16xf32>
        %get3A_877 = arith.index_cast %scan3A_823 : i32 to index
        %get3A_878 = arith.constant 720 : index
        %get3A_879 = tpu.vector_load %arg8[%get3A_877, %get3A_878] {strides = array<i32>} : memref<8x1024xf32, #tpu.memory_space<vmem>>, vector<1x16xf32>,
        %get3A_880 = vector.shape_cast %get3A_879 : vector<1x16xf32> to vector<16xf32>
        %get3A_881 = arith.index_cast %scan3A_823 : i32 to index
        %get3A_882 = arith.constant 736 : index
        %get3A_883 = tpu.vector_load %arg8[%get3A_881, %get3A_882] {strides = array<i32>} : memref<8x1024xf32, #tpu.memory_space<vmem>>, vector<1x16xf32>,
        %get3A_884 = vector.shape_cast %get3A_883 : vector<1x16xf32> to vector<16xf32>
        %get3A_885 = arith.index_cast %scan3A_823 : i32 to index
        %get3A_886 = arith.constant 752 : index
        %get3A_887 = tpu.vector_load %arg8[%get3A_885, %get3A_886] {strides = array<i32>} : memref<8x1024xf32, #tpu.memory_space<vmem>>, vector<1x16xf32>,
        %get3A_888 = vector.shape_cast %get3A_887 : vector<1x16xf32> to vector<16xf32>
        %mul3A_889 = arith.mulf %gather3A_824, %sub3A_455 : vector<16xf32>
        %add3A_890 = arith.addf %get3A_828, %mul3A_889 : vector<16xf32>
        %mul3A_891 = arith.mulf %gather3A_824, %sub3A_466 : vector<16xf32>
        %add3A_892 = arith.addf %get3A_832, %mul3A_891 : vector<16xf32>
        %mul3A_893 = arith.mulf %gather3A_824, %sub3A_477 : vector<16xf32>
        %add3A_894 = arith.addf %get3A_836, %mul3A_893 : vector<16xf32>
        %mul3A_895 = arith.mulf %gather3A_824, %sub3A_488 : vector<16xf32>
        %add3A_896 = arith.addf %get3A_840, %mul3A_895 : vector<16xf32>
        %mul3A_897 = arith.mulf %gather3A_824, %sub3A_499 : vector<16xf32>
        %add3A_898 = arith.addf %get3A_844, %mul3A_897 : vector<16xf32>
        %mul3A_899 = arith.mulf %gather3A_824, %sub3A_510 : vector<16xf32>
        %add3A_900 = arith.addf %get3A_848, %mul3A_899 : vector<16xf32>
        %mul3A_901 = arith.mulf %gather3A_824, %sub3A_521 : vector<16xf32>
        %add3A_902 = arith.addf %get3A_852, %mul3A_901 : vector<16xf32>
        %mul3A_903 = arith.mulf %gather3A_824, %sub3A_532 : vector<16xf32>
        %add3A_904 = arith.addf %get3A_856, %mul3A_903 : vector<16xf32>
        %mul3A_905 = arith.mulf %gather3A_824, %sub3A_543 : vector<16xf32>
        %add3A_906 = arith.addf %get3A_860, %mul3A_905 : vector<16xf32>
        %mul3A_907 = arith.mulf %gather3A_824, %sub3A_554 : vector<16xf32>
        %add3A_908 = arith.addf %get3A_864, %mul3A_907 : vector<16xf32>
        %mul3A_909 = arith.mulf %gather3A_824, %sub3A_565 : vector<16xf32>
        %add3A_910 = arith.addf %get3A_868, %mul3A_909 : vector<16xf32>
        %mul3A_911 = arith.mulf %gather3A_824, %sub3A_576 : vector<16xf32>
        %add3A_912 = arith.addf %get3A_872, %mul3A_911 : vector<16xf32>
        %mul3A_913 = arith.mulf %gather3A_824, %sub3A_587 : vector<16xf32>
        %add3A_914 = arith.addf %get3A_876, %mul3A_913 : vector<16xf32>
        %mul3A_915 = arith.mulf %gather3A_824, %sub3A_598 : vector<16xf32>
        %add3A_916 = arith.addf %get3A_880, %mul3A_915 : vector<16xf32>
        %mul3A_917 = arith.mulf %gather3A_824, %sub3A_609 : vector<16xf32>
        %add3A_918 = arith.addf %get3A_884, %mul3A_917 : vector<16xf32>
        %mul3A_919 = arith.mulf %gather3A_824, %sub3A_620 : vector<16xf32>
        %add3A_920 = arith.addf %get3A_888, %mul3A_919 : vector<16xf32>
        %swap3A = arith.index_cast %select_n3A_75 : i32 to index
        %swap3A_921 = arith.index_cast %scan3A_823 : i32 to index
        %swap3A_922 = arith.constant 512 : index
        %swap3A_923 = tpu.vector_load %arg9[%swap3A, %swap3A_921, %swap3A_922] {strides = array<i32>} : memref<2x8x1024xf32, #tpu.memory_space<vmem>>, vector<1x1x16xf32>,
        %swap3A_924 = vector.shape_cast %swap3A_923 : vector<1x1x16xf32> to vector<16xf32>
        %swap3A_925 = vector.shape_cast %add3A_890 : vector<16xf32> to vector<1x1x16xf32>
        tpu.vector_store %arg9[%swap3A, %swap3A_921, %swap3A_922], %swap3A_925 {strides = array<i32>} : memref<2x8x1024xf32, #tpu.memory_space<vmem>>, vector<1x1x16xf32>,
        %swap3A_926 = arith.index_cast %select_n3A_75 : i32 to index
        %swap3A_927 = arith.index_cast %scan3A_823 : i32 to index
        %swap3A_928 = arith.constant 528 : index
        %swap3A_929 = tpu.vector_load %arg9[%swap3A_926, %swap3A_927, %swap3A_928] {strides = array<i32>} : memref<2x8x1024xf32, #tpu.memory_space<vmem>>, vector<1x1x16xf32>,
        %swap3A_930 = vector.shape_cast %swap3A_929 : vector<1x1x16xf32> to vector<16xf32>
        %swap3A_931 = vector.shape_cast %add3A_892 : vector<16xf32> to vector<1x1x16xf32>
        tpu.vector_store %arg9[%swap3A_926, %swap3A_927, %swap3A_928], %swap3A_931 {strides = array<i32>} : memref<2x8x1024xf32, #tpu.memory_space<vmem>>, vector<1x1x16xf32>,
        %swap3A_932 = arith.index_cast %select_n3A_75 : i32 to index
        %swap3A_933 = arith.index_cast %scan3A_823 : i32 to index
        %swap3A_934 = arith.constant 544 : index
        %swap3A_935 = tpu.vector_load %arg9[%swap3A_932, %swap3A_933, %swap3A_934] {strides = array<i32>} : memref<2x8x1024xf32, #tpu.memory_space<vmem>>, vector<1x1x16xf32>,
        %swap3A_936 = vector.shape_cast %swap3A_935 : vector<1x1x16xf32> to vector<16xf32>
        %swap3A_937 = vector.shape_cast %add3A_894 : vector<16xf32> to vector<1x1x16xf32>
        tpu.vector_store %arg9[%swap3A_932, %swap3A_933, %swap3A_934], %swap3A_937 {strides = array<i32>} : memref<2x8x1024xf32, #tpu.memory_space<vmem>>, vector<1x1x16xf32>,
        %swap3A_938 = arith.index_cast %select_n3A_75 : i32 to index
        %swap3A_939 = arith.index_cast %scan3A_823 : i32 to index
        %swap3A_940 = arith.constant 560 : index
        %swap3A_941 = tpu.vector_load %arg9[%swap3A_938, %swap3A_939, %swap3A_940] {strides = array<i32>} : memref<2x8x1024xf32, #tpu.memory_space<vmem>>, vector<1x1x16xf32>,
        %swap3A_942 = vector.shape_cast %swap3A_941 : vector<1x1x16xf32> to vector<16xf32>
        %swap3A_943 = vector.shape_cast %add3A_896 : vector<16xf32> to vector<1x1x16xf32>
        tpu.vector_store %arg9[%swap3A_938, %swap3A_939, %swap3A_940], %swap3A_943 {strides = array<i32>} : memref<2x8x1024xf32, #tpu.memory_space<vmem>>, vector<1x1x16xf32>,
        %swap3A_944 = arith.index_cast %select_n3A_75 : i32 to index
        %swap3A_945 = arith.index_cast %scan3A_823 : i32 to index
        %swap3A_946 = arith.constant 576 : index
        %swap3A_947 = tpu.vector_load %arg9[%swap3A_944, %swap3A_945, %swap3A_946] {strides = array<i32>} : memref<2x8x1024xf32, #tpu.memory_space<vmem>>, vector<1x1x16xf32>,
        %swap3A_948 = vector.shape_cast %swap3A_947 : vector<1x1x16xf32> to vector<16xf32>
        %swap3A_949 = vector.shape_cast %add3A_898 : vector<16xf32> to vector<1x1x16xf32>
        tpu.vector_store %arg9[%swap3A_944, %swap3A_945, %swap3A_946], %swap3A_949 {strides = array<i32>} : memref<2x8x1024xf32, #tpu.memory_space<vmem>>, vector<1x1x16xf32>,
        %swap3A_950 = arith.index_cast %select_n3A_75 : i32 to index
        %swap3A_951 = arith.index_cast %scan3A_823 : i32 to index
        %swap3A_952 = arith.constant 592 : index
        %swap3A_953 = tpu.vector_load %arg9[%swap3A_950, %swap3A_951, %swap3A_952] {strides = array<i32>} : memref<2x8x1024xf32, #tpu.memory_space<vmem>>, vector<1x1x16xf32>,
        %swap3A_954 = vector.shape_cast %swap3A_953 : vector<1x1x16xf32> to vector<16xf32>
        %swap3A_955 = vector.shape_cast %add3A_900 : vector<16xf32> to vector<1x1x16xf32>
        tpu.vector_store %arg9[%swap3A_950, %swap3A_951, %swap3A_952], %swap3A_955 {strides = array<i32>} : memref<2x8x1024xf32, #tpu.memory_space<vmem>>, vector<1x1x16xf32>,
        %swap3A_956 = arith.index_cast %select_n3A_75 : i32 to index
        %swap3A_957 = arith.index_cast %scan3A_823 : i32 to index
        %swap3A_958 = arith.constant 608 : index
        %swap3A_959 = tpu.vector_load %arg9[%swap3A_956, %swap3A_957, %swap3A_958] {strides = array<i32>} : memref<2x8x1024xf32, #tpu.memory_space<vmem>>, vector<1x1x16xf32>,
        %swap3A_960 = vector.shape_cast %swap3A_959 : vector<1x1x16xf32> to vector<16xf32>
        %swap3A_961 = vector.shape_cast %add3A_902 : vector<16xf32> to vector<1x1x16xf32>
        tpu.vector_store %arg9[%swap3A_956, %swap3A_957, %swap3A_958], %swap3A_961 {strides = array<i32>} : memref<2x8x1024xf32, #tpu.memory_space<vmem>>, vector<1x1x16xf32>,
        %swap3A_962 = arith.index_cast %select_n3A_75 : i32 to index
        %swap3A_963 = arith.index_cast %scan3A_823 : i32 to index
        %swap3A_964 = arith.constant 624 : index
        %swap3A_965 = tpu.vector_load %arg9[%swap3A_962, %swap3A_963, %swap3A_964] {strides = array<i32>} : memref<2x8x1024xf32, #tpu.memory_space<vmem>>, vector<1x1x16xf32>,
        %swap3A_966 = vector.shape_cast %swap3A_965 : vector<1x1x16xf32> to vector<16xf32>
        %swap3A_967 = vector.shape_cast %add3A_904 : vector<16xf32> to vector<1x1x16xf32>
        tpu.vector_store %arg9[%swap3A_962, %swap3A_963, %swap3A_964], %swap3A_967 {strides = array<i32>} : memref<2x8x1024xf32, #tpu.memory_space<vmem>>, vector<1x1x16xf32>,
        %swap3A_968 = arith.index_cast %select_n3A_75 : i32 to index
        %swap3A_969 = arith.index_cast %scan3A_823 : i32 to index
        %swap3A_970 = arith.constant 640 : index
        %swap3A_971 = tpu.vector_load %arg9[%swap3A_968, %swap3A_969, %swap3A_970] {strides = array<i32>} : memref<2x8x1024xf32, #tpu.memory_space<vmem>>, vector<1x1x16xf32>,
        %swap3A_972 = vector.shape_cast %swap3A_971 : vector<1x1x16xf32> to vector<16xf32>
        %swap3A_973 = vector.shape_cast %add3A_906 : vector<16xf32> to vector<1x1x16xf32>
        tpu.vector_store %arg9[%swap3A_968, %swap3A_969, %swap3A_970], %swap3A_973 {strides = array<i32>} : memref<2x8x1024xf32, #tpu.memory_space<vmem>>, vector<1x1x16xf32>,
        %swap3A_974 = arith.index_cast %select_n3A_75 : i32 to index
        %swap3A_975 = arith.index_cast %scan3A_823 : i32 to index
        %swap3A_976 = arith.constant 656 : index
        %swap3A_977 = tpu.vector_load %arg9[%swap3A_974, %swap3A_975, %swap3A_976] {strides = array<i32>} : memref<2x8x1024xf32, #tpu.memory_space<vmem>>, vector<1x1x16xf32>,
        %swap3A_978 = vector.shape_cast %swap3A_977 : vector<1x1x16xf32> to vector<16xf32>
        %swap3A_979 = vector.shape_cast %add3A_908 : vector<16xf32> to vector<1x1x16xf32>
        tpu.vector_store %arg9[%swap3A_974, %swap3A_975, %swap3A_976], %swap3A_979 {strides = array<i32>} : memref<2x8x1024xf32, #tpu.memory_space<vmem>>, vector<1x1x16xf32>,
        %swap3A_980 = arith.index_cast %select_n3A_75 : i32 to index
        %swap3A_981 = arith.index_cast %scan3A_823 : i32 to index
        %swap3A_982 = arith.constant 672 : index
        %swap3A_983 = tpu.vector_load %arg9[%swap3A_980, %swap3A_981, %swap3A_982] {strides = array<i32>} : memref<2x8x1024xf32, #tpu.memory_space<vmem>>, vector<1x1x16xf32>,
        %swap3A_984 = vector.shape_cast %swap3A_983 : vector<1x1x16xf32> to vector<16xf32>
        %swap3A_985 = vector.shape_cast %add3A_910 : vector<16xf32> to vector<1x1x16xf32>
        tpu.vector_store %arg9[%swap3A_980, %swap3A_981, %swap3A_982], %swap3A_985 {strides = array<i32>} : memref<2x8x1024xf32, #tpu.memory_space<vmem>>, vector<1x1x16xf32>,
        %swap3A_986 = arith.index_cast %select_n3A_75 : i32 to index
        %swap3A_987 = arith.index_cast %scan3A_823 : i32 to index
        %swap3A_988 = arith.constant 688 : index
        %swap3A_989 = tpu.vector_load %arg9[%swap3A_986, %swap3A_987, %swap3A_988] {strides = array<i32>} : memref<2x8x1024xf32, #tpu.memory_space<vmem>>, vector<1x1x16xf32>,
        %swap3A_990 = vector.shape_cast %swap3A_989 : vector<1x1x16xf32> to vector<16xf32>
        %swap3A_991 = vector.shape_cast %add3A_912 : vector<16xf32> to vector<1x1x16xf32>
        tpu.vector_store %arg9[%swap3A_986, %swap3A_987, %swap3A_988], %swap3A_991 {strides = array<i32>} : memref<2x8x1024xf32, #tpu.memory_space<vmem>>, vector<1x1x16xf32>,
        %swap3A_992 = arith.index_cast %select_n3A_75 : i32 to index
        %swap3A_993 = arith.index_cast %scan3A_823 : i32 to index
        %swap3A_994 = arith.constant 704 : index
        %swap3A_995 = tpu.vector_load %arg9[%swap3A_992, %swap3A_993, %swap3A_994] {strides = array<i32>} : memref<2x8x1024xf32, #tpu.memory_space<vmem>>, vector<1x1x16xf32>,
        %swap3A_996 = vector.shape_cast %swap3A_995 : vector<1x1x16xf32> to vector<16xf32>
        %swap3A_997 = vector.shape_cast %add3A_914 : vector<16xf32> to vector<1x1x16xf32>
        tpu.vector_store %arg9[%swap3A_992, %swap3A_993, %swap3A_994], %swap3A_997 {strides = array<i32>} : memref<2x8x1024xf32, #tpu.memory_space<vmem>>, vector<1x1x16xf32>,
        %swap3A_998 = arith.index_cast %select_n3A_75 : i32 to index
        %swap3A_999 = arith.index_cast %scan3A_823 : i32 to index
        %swap3A_1000 = arith.constant 720 : index
        %swap3A_1001 = tpu.vector_load %arg9[%swap3A_998, %swap3A_999, %swap3A_1000] {strides = array<i32>} : memref<2x8x1024xf32, #tpu.memory_space<vmem>>, vector<1x1x16xf32>,
        %swap3A_1002 = vector.shape_cast %swap3A_1001 : vector<1x1x16xf32> to vector<16xf32>
        %swap3A_1003 = vector.shape_cast %add3A_916 : vector<16xf32> to vector<1x1x16xf32>
        tpu.vector_store %arg9[%swap3A_998, %swap3A_999, %swap3A_1000], %swap3A_1003 {strides = array<i32>} : memref<2x8x1024xf32, #tpu.memory_space<vmem>>, vector<1x1x16xf32>,
        %swap3A_1004 = arith.index_cast %select_n3A_75 : i32 to index
        %swap3A_1005 = arith.index_cast %scan3A_823 : i32 to index
        %swap3A_1006 = arith.constant 736 : index
        %swap3A_1007 = tpu.vector_load %arg9[%swap3A_1004, %swap3A_1005, %swap3A_1006] {strides = array<i32>} : memref<2x8x1024xf32, #tpu.memory_space<vmem>>, vector<1x1x16xf32>,
        %swap3A_1008 = vector.shape_cast %swap3A_1007 : vector<1x1x16xf32> to vector<16xf32>
        %swap3A_1009 = vector.shape_cast %add3A_918 : vector<16xf32> to vector<1x1x16xf32>
        tpu.vector_store %arg9[%swap3A_1004, %swap3A_1005, %swap3A_1006], %swap3A_1009 {strides = array<i32>} : memref<2x8x1024xf32, #tpu.memory_space<vmem>>, vector<1x1x16xf32>,
        %swap3A_1010 = arith.index_cast %select_n3A_75 : i32 to index
        %swap3A_1011 = arith.index_cast %scan3A_823 : i32 to index
        %swap3A_1012 = arith.constant 752 : index
        %swap3A_1013 = tpu.vector_load %arg9[%swap3A_1010, %swap3A_1011, %swap3A_1012] {strides = array<i32>} : memref<2x8x1024xf32, #tpu.memory_space<vmem>>, vector<1x1x16xf32>,
        %swap3A_1014 = vector.shape_cast %swap3A_1013 : vector<1x1x16xf32> to vector<16xf32>
        %swap3A_1015 = vector.shape_cast %add3A_920 : vector<16xf32> to vector<1x1x16xf32>
        tpu.vector_store %arg9[%swap3A_1010, %swap3A_1011, %swap3A_1012], %swap3A_1015 {strides = array<i32>} : memref<2x8x1024xf32, #tpu.memory_space<vmem>>, vector<1x1x16xf32>,
      }
      %scan3A_626 = arith.constant 8 : i32
      %get3A_627 = arith.constant 1 : i32
      %get3A_628 = arith.index_cast %get3A_627 : i32 to index
      %get3A_629 = arith.constant 768 : index
      %get3A_630 = tpu.vector_load %arg6[%get3A_628, %get3A_629] {strides = array<i32>} : memref<2x1024xf32, #tpu.memory_space<vmem>>, vector<1x16xf32>,
      %get3A_631 = vector.shape_cast %get3A_630 : vector<1x16xf32> to vector<16xf32>
      %get3A_632 = arith.constant 0 : i32
      %get3A_633 = arith.index_cast %get3A_632 : i32 to index
      %get3A_634 = arith.constant 768 : index
      %get3A_635 = tpu.vector_load %arg6[%get3A_633, %get3A_634] {strides = array<i32>} : memref<2x1024xf32, #tpu.memory_space<vmem>>, vector<1x16xf32>,
      %get3A_636 = vector.shape_cast %get3A_635 : vector<1x16xf32> to vector<16xf32>
      %sub3A_637 = arith.subf %get3A_631, %get3A_636 : vector<16xf32>
      %get3A_638 = arith.constant 1 : i32
      %get3A_639 = arith.index_cast %get3A_638 : i32 to index
      %get3A_640 = arith.constant 784 : index
      %get3A_641 = tpu.vector_load %arg6[%get3A_639, %get3A_640] {strides = array<i32>} : memref<2x1024xf32, #tpu.memory_space<vmem>>, vector<1x16xf32>,
      %get3A_642 = vector.shape_cast %get3A_641 : vector<1x16xf32> to vector<16xf32>
      %get3A_643 = arith.constant 0 : i32
      %get3A_644 = arith.index_cast %get3A_643 : i32 to index
      %get3A_645 = arith.constant 784 : index
      %get3A_646 = tpu.vector_load %arg6[%get3A_644, %get3A_645] {strides = array<i32>} : memref<2x1024xf32, #tpu.memory_space<vmem>>, vector<1x16xf32>,
      %get3A_647 = vector.shape_cast %get3A_646 : vector<1x16xf32> to vector<16xf32>
      %sub3A_648 = arith.subf %get3A_642, %get3A_647 : vector<16xf32>
      %get3A_649 = arith.constant 1 : i32
      %get3A_650 = arith.index_cast %get3A_649 : i32 to index
      %get3A_651 = arith.constant 800 : index
      %get3A_652 = tpu.vector_load %arg6[%get3A_650, %get3A_651] {strides = array<i32>} : memref<2x1024xf32, #tpu.memory_space<vmem>>, vector<1x16xf32>,
      %get3A_653 = vector.shape_cast %get3A_652 : vector<1x16xf32> to vector<16xf32>
      %get3A_654 = arith.constant 0 : i32
      %get3A_655 = arith.index_cast %get3A_654 : i32 to index
      %get3A_656 = arith.constant 800 : index
      %get3A_657 = tpu.vector_load %arg6[%get3A_655, %get3A_656] {strides = array<i32>} : memref<2x1024xf32, #tpu.memory_space<vmem>>, vector<1x16xf32>,
      %get3A_658 = vector.shape_cast %get3A_657 : vector<1x16xf32> to vector<16xf32>
      %sub3A_659 = arith.subf %get3A_653, %get3A_658 : vector<16xf32>
      %get3A_660 = arith.constant 1 : i32
      %get3A_661 = arith.index_cast %get3A_660 : i32 to index
      %get3A_662 = arith.constant 816 : index
      %get3A_663 = tpu.vector_load %arg6[%get3A_661, %get3A_662] {strides = array<i32>} : memref<2x1024xf32, #tpu.memory_space<vmem>>, vector<1x16xf32>,
      %get3A_664 = vector.shape_cast %get3A_663 : vector<1x16xf32> to vector<16xf32>
      %get3A_665 = arith.constant 0 : i32
      %get3A_666 = arith.index_cast %get3A_665 : i32 to index
      %get3A_667 = arith.constant 816 : index
      %get3A_668 = tpu.vector_load %arg6[%get3A_666, %get3A_667] {strides = array<i32>} : memref<2x1024xf32, #tpu.memory_space<vmem>>, vector<1x16xf32>,
      %get3A_669 = vector.shape_cast %get3A_668 : vector<1x16xf32> to vector<16xf32>
      %sub3A_670 = arith.subf %get3A_664, %get3A_669 : vector<16xf32>
      %get3A_671 = arith.constant 1 : i32
      %get3A_672 = arith.index_cast %get3A_671 : i32 to index
      %get3A_673 = arith.constant 832 : index
      %get3A_674 = tpu.vector_load %arg6[%get3A_672, %get3A_673] {strides = array<i32>} : memref<2x1024xf32, #tpu.memory_space<vmem>>, vector<1x16xf32>,
      %get3A_675 = vector.shape_cast %get3A_674 : vector<1x16xf32> to vector<16xf32>
      %get3A_676 = arith.constant 0 : i32
      %get3A_677 = arith.index_cast %get3A_676 : i32 to index
      %get3A_678 = arith.constant 832 : index
      %get3A_679 = tpu.vector_load %arg6[%get3A_677, %get3A_678] {strides = array<i32>} : memref<2x1024xf32, #tpu.memory_space<vmem>>, vector<1x16xf32>,
      %get3A_680 = vector.shape_cast %get3A_679 : vector<1x16xf32> to vector<16xf32>
      %sub3A_681 = arith.subf %get3A_675, %get3A_680 : vector<16xf32>
      %get3A_682 = arith.constant 1 : i32
      %get3A_683 = arith.index_cast %get3A_682 : i32 to index
      %get3A_684 = arith.constant 848 : index
      %get3A_685 = tpu.vector_load %arg6[%get3A_683, %get3A_684] {strides = array<i32>} : memref<2x1024xf32, #tpu.memory_space<vmem>>, vector<1x16xf32>,
      %get3A_686 = vector.shape_cast %get3A_685 : vector<1x16xf32> to vector<16xf32>
      %get3A_687 = arith.constant 0 : i32
      %get3A_688 = arith.index_cast %get3A_687 : i32 to index
      %get3A_689 = arith.constant 848 : index
      %get3A_690 = tpu.vector_load %arg6[%get3A_688, %get3A_689] {strides = array<i32>} : memref<2x1024xf32, #tpu.memory_space<vmem>>, vector<1x16xf32>,
      %get3A_691 = vector.shape_cast %get3A_690 : vector<1x16xf32> to vector<16xf32>
      %sub3A_692 = arith.subf %get3A_686, %get3A_691 : vector<16xf32>
      %get3A_693 = arith.constant 1 : i32
      %get3A_694 = arith.index_cast %get3A_693 : i32 to index
      %get3A_695 = arith.constant 864 : index
      %get3A_696 = tpu.vector_load %arg6[%get3A_694, %get3A_695] {strides = array<i32>} : memref<2x1024xf32, #tpu.memory_space<vmem>>, vector<1x16xf32>,
      %get3A_697 = vector.shape_cast %get3A_696 : vector<1x16xf32> to vector<16xf32>
      %get3A_698 = arith.constant 0 : i32
      %get3A_699 = arith.index_cast %get3A_698 : i32 to index
      %get3A_700 = arith.constant 864 : index
      %get3A_701 = tpu.vector_load %arg6[%get3A_699, %get3A_700] {strides = array<i32>} : memref<2x1024xf32, #tpu.memory_space<vmem>>, vector<1x16xf32>,
      %get3A_702 = vector.shape_cast %get3A_701 : vector<1x16xf32> to vector<16xf32>
      %sub3A_703 = arith.subf %get3A_697, %get3A_702 : vector<16xf32>
      %get3A_704 = arith.constant 1 : i32
      %get3A_705 = arith.index_cast %get3A_704 : i32 to index
      %get3A_706 = arith.constant 880 : index
      %get3A_707 = tpu.vector_load %arg6[%get3A_705, %get3A_706] {strides = array<i32>} : memref<2x1024xf32, #tpu.memory_space<vmem>>, vector<1x16xf32>,
      %get3A_708 = vector.shape_cast %get3A_707 : vector<1x16xf32> to vector<16xf32>
      %get3A_709 = arith.constant 0 : i32
      %get3A_710 = arith.index_cast %get3A_709 : i32 to index
      %get3A_711 = arith.constant 880 : index
      %get3A_712 = tpu.vector_load %arg6[%get3A_710, %get3A_711] {strides = array<i32>} : memref<2x1024xf32, #tpu.memory_space<vmem>>, vector<1x16xf32>,
      %get3A_713 = vector.shape_cast %get3A_712 : vector<1x16xf32> to vector<16xf32>
      %sub3A_714 = arith.subf %get3A_708, %get3A_713 : vector<16xf32>
      %get3A_715 = arith.constant 1 : i32
      %get3A_716 = arith.index_cast %get3A_715 : i32 to index
      %get3A_717 = arith.constant 896 : index
      %get3A_718 = tpu.vector_load %arg6[%get3A_716, %get3A_717] {strides = array<i32>} : memref<2x1024xf32, #tpu.memory_space<vmem>>, vector<1x16xf32>,
      %get3A_719 = vector.shape_cast %get3A_718 : vector<1x16xf32> to vector<16xf32>
      %get3A_720 = arith.constant 0 : i32
      %get3A_721 = arith.index_cast %get3A_720 : i32 to index
      %get3A_722 = arith.constant 896 : index
      %get3A_723 = tpu.vector_load %arg6[%get3A_721, %get3A_722] {strides = array<i32>} : memref<2x1024xf32, #tpu.memory_space<vmem>>, vector<1x16xf32>,
      %get3A_724 = vector.shape_cast %get3A_723 : vector<1x16xf32> to vector<16xf32>
      %sub3A_725 = arith.subf %get3A_719, %get3A_724 : vector<16xf32>
      %get3A_726 = arith.constant 1 : i32
      %get3A_727 = arith.index_cast %get3A_726 : i32 to index
      %get3A_728 = arith.constant 912 : index
      %get3A_729 = tpu.vector_load %arg6[%get3A_727, %get3A_728] {strides = array<i32>} : memref<2x1024xf32, #tpu.memory_space<vmem>>, vector<1x16xf32>,
      %get3A_730 = vector.shape_cast %get3A_729 : vector<1x16xf32> to vector<16xf32>
      %get3A_731 = arith.constant 0 : i32
      %get3A_732 = arith.index_cast %get3A_731 : i32 to index
      %get3A_733 = arith.constant 912 : index
      %get3A_734 = tpu.vector_load %arg6[%get3A_732, %get3A_733] {strides = array<i32>} : memref<2x1024xf32, #tpu.memory_space<vmem>>, vector<1x16xf32>,
      %get3A_735 = vector.shape_cast %get3A_734 : vector<1x16xf32> to vector<16xf32>
      %sub3A_736 = arith.subf %get3A_730, %get3A_735 : vector<16xf32>
      %get3A_737 = arith.constant 1 : i32
      %get3A_738 = arith.index_cast %get3A_737 : i32 to index
      %get3A_739 = arith.constant 928 : index
      %get3A_740 = tpu.vector_load %arg6[%get3A_738, %get3A_739] {strides = array<i32>} : memref<2x1024xf32, #tpu.memory_space<vmem>>, vector<1x16xf32>,
      %get3A_741 = vector.shape_cast %get3A_740 : vector<1x16xf32> to vector<16xf32>
      %get3A_742 = arith.constant 0 : i32
      %get3A_743 = arith.index_cast %get3A_742 : i32 to index
      %get3A_744 = arith.constant 928 : index
      %get3A_745 = tpu.vector_load %arg6[%get3A_743, %get3A_744] {strides = array<i32>} : memref<2x1024xf32, #tpu.memory_space<vmem>>, vector<1x16xf32>,
      %get3A_746 = vector.shape_cast %get3A_745 : vector<1x16xf32> to vector<16xf32>
      %sub3A_747 = arith.subf %get3A_741, %get3A_746 : vector<16xf32>
      %get3A_748 = arith.constant 1 : i32
      %get3A_749 = arith.index_cast %get3A_748 : i32 to index
      %get3A_750 = arith.constant 944 : index
      %get3A_751 = tpu.vector_load %arg6[%get3A_749, %get3A_750] {strides = array<i32>} : memref<2x1024xf32, #tpu.memory_space<vmem>>, vector<1x16xf32>,
      %get3A_752 = vector.shape_cast %get3A_751 : vector<1x16xf32> to vector<16xf32>
      %get3A_753 = arith.constant 0 : i32
      %get3A_754 = arith.index_cast %get3A_753 : i32 to index
      %get3A_755 = arith.constant 944 : index
      %get3A_756 = tpu.vector_load %arg6[%get3A_754, %get3A_755] {strides = array<i32>} : memref<2x1024xf32, #tpu.memory_space<vmem>>, vector<1x16xf32>,
      %get3A_757 = vector.shape_cast %get3A_756 : vector<1x16xf32> to vector<16xf32>
      %sub3A_758 = arith.subf %get3A_752, %get3A_757 : vector<16xf32>
      %get3A_759 = arith.constant 1 : i32
      %get3A_760 = arith.index_cast %get3A_759 : i32 to index
      %get3A_761 = arith.constant 960 : index
      %get3A_762 = tpu.vector_load %arg6[%get3A_760, %get3A_761] {strides = array<i32>} : memref<2x1024xf32, #tpu.memory_space<vmem>>, vector<1x16xf32>,
      %get3A_763 = vector.shape_cast %get3A_762 : vector<1x16xf32> to vector<16xf32>
      %get3A_764 = arith.constant 0 : i32
      %get3A_765 = arith.index_cast %get3A_764 : i32 to index
      %get3A_766 = arith.constant 960 : index
      %get3A_767 = tpu.vector_load %arg6[%get3A_765, %get3A_766] {strides = array<i32>} : memref<2x1024xf32, #tpu.memory_space<vmem>>, vector<1x16xf32>,
      %get3A_768 = vector.shape_cast %get3A_767 : vector<1x16xf32> to vector<16xf32>
      %sub3A_769 = arith.subf %get3A_763, %get3A_768 : vector<16xf32>
      %get3A_770 = arith.constant 1 : i32
      %get3A_771 = arith.index_cast %get3A_770 : i32 to index
      %get3A_772 = arith.constant 976 : index
      %get3A_773 = tpu.vector_load %arg6[%get3A_771, %get3A_772] {strides = array<i32>} : memref<2x1024xf32, #tpu.memory_space<vmem>>, vector<1x16xf32>,
      %get3A_774 = vector.shape_cast %get3A_773 : vector<1x16xf32> to vector<16xf32>
      %get3A_775 = arith.constant 0 : i32
      %get3A_776 = arith.index_cast %get3A_775 : i32 to index
      %get3A_777 = arith.constant 976 : index
      %get3A_778 = tpu.vector_load %arg6[%get3A_776, %get3A_777] {strides = array<i32>} : memref<2x1024xf32, #tpu.memory_space<vmem>>, vector<1x16xf32>,
      %get3A_779 = vector.shape_cast %get3A_778 : vector<1x16xf32> to vector<16xf32>
      %sub3A_780 = arith.subf %get3A_774, %get3A_779 : vector<16xf32>
      %get3A_781 = arith.constant 1 : i32
      %get3A_782 = arith.index_cast %get3A_781 : i32 to index
      %get3A_783 = arith.constant 992 : index
      %get3A_784 = tpu.vector_load %arg6[%get3A_782, %get3A_783] {strides = array<i32>} : memref<2x1024xf32, #tpu.memory_space<vmem>>, vector<1x16xf32>,
      %get3A_785 = vector.shape_cast %get3A_784 : vector<1x16xf32> to vector<16xf32>
      %get3A_786 = arith.constant 0 : i32
      %get3A_787 = arith.index_cast %get3A_786 : i32 to index
      %get3A_788 = arith.constant 992 : index
      %get3A_789 = tpu.vector_load %arg6[%get3A_787, %get3A_788] {strides = array<i32>} : memref<2x1024xf32, #tpu.memory_space<vmem>>, vector<1x16xf32>,
      %get3A_790 = vector.shape_cast %get3A_789 : vector<1x16xf32> to vector<16xf32>
      %sub3A_791 = arith.subf %get3A_785, %get3A_790 : vector<16xf32>
      %get3A_792 = arith.constant 1 : i32
      %get3A_793 = arith.index_cast %get3A_792 : i32 to index
      %get3A_794 = arith.constant 1008 : index
      %get3A_795 = tpu.vector_load %arg6[%get3A_793, %get3A_794] {strides = array<i32>} : memref<2x1024xf32, #tpu.memory_space<vmem>>, vector<1x16xf32>,
      %get3A_796 = vector.shape_cast %get3A_795 : vector<1x16xf32> to vector<16xf32>
      %get3A_797 = arith.constant 0 : i32
      %get3A_798 = arith.index_cast %get3A_797 : i32 to index
      %get3A_799 = arith.constant 1008 : index
      %get3A_800 = tpu.vector_load %arg6[%get3A_798, %get3A_799] {strides = array<i32>} : memref<2x1024xf32, #tpu.memory_space<vmem>>, vector<1x16xf32>,
      %get3A_801 = vector.shape_cast %get3A_800 : vector<1x16xf32> to vector<16xf32>
      %sub3A_802 = arith.subf %get3A_796, %get3A_801 : vector<16xf32>
      %scan3A_803 = arith.constant 0 : i32
      %scan3A_804 = arith.constant 0 : i32
      %scan3A_805 = arith.constant 8 : i32
      %scan3A_806 = arith.addi %scan3A_804, %scan3A_805 : i32
      %scan3A_807 = arith.constant 1 : i32
      scf.for %scan3A_823 = %scan3A_804 to %scan3A_806 step %scan3A_807  : i32 {
        %broadcast_in_dim3A = vector.broadcast %scan3A_823 : i32 to vector<16x1xi32>
        %gather3A = vector.shape_cast %broadcast_in_dim3A : vector<16x1xi32> to vector<16xi32>
        %gather3A_824 = tpu.dynamic_gather %convert_element_type3A_81[%gather3A] in [0] : vector<16xf32>, vector<16xi32> -> vector<16xf32>
        %get3A_825 = arith.index_cast %scan3A_823 : i32 to index
        %get3A_826 = arith.constant 768 : index
        %get3A_827 = tpu.vector_load %arg8[%get3A_825, %get3A_826] {strides = array<i32>} : memref<8x1024xf32, #tpu.memory_space<vmem>>, vector<1x16xf32>,
        %get3A_828 = vector.shape_cast %get3A_827 : vector<1x16xf32> to vector<16xf32>
        %get3A_829 = arith.index_cast %scan3A_823 : i32 to index
        %get3A_830 = arith.constant 784 : index
        %get3A_831 = tpu.vector_load %arg8[%get3A_829, %get3A_830] {strides = array<i32>} : memref<8x1024xf32, #tpu.memory_space<vmem>>, vector<1x16xf32>,
        %get3A_832 = vector.shape_cast %get3A_831 : vector<1x16xf32> to vector<16xf32>
        %get3A_833 = arith.index_cast %scan3A_823 : i32 to index
        %get3A_834 = arith.constant 800 : index
        %get3A_835 = tpu.vector_load %arg8[%get3A_833, %get3A_834] {strides = array<i32>} : memref<8x1024xf32, #tpu.memory_space<vmem>>, vector<1x16xf32>,
        %get3A_836 = vector.shape_cast %get3A_835 : vector<1x16xf32> to vector<16xf32>
        %get3A_837 = arith.index_cast %scan3A_823 : i32 to index
        %get3A_838 = arith.constant 816 : index
        %get3A_839 = tpu.vector_load %arg8[%get3A_837, %get3A_838] {strides = array<i32>} : memref<8x1024xf32, #tpu.memory_space<vmem>>, vector<1x16xf32>,
        %get3A_840 = vector.shape_cast %get3A_839 : vector<1x16xf32> to vector<16xf32>
        %get3A_841 = arith.index_cast %scan3A_823 : i32 to index
        %get3A_842 = arith.constant 832 : index
        %get3A_843 = tpu.vector_load %arg8[%get3A_841, %get3A_842] {strides = array<i32>} : memref<8x1024xf32, #tpu.memory_space<vmem>>, vector<1x16xf32>,
        %get3A_844 = vector.shape_cast %get3A_843 : vector<1x16xf32> to vector<16xf32>
        %get3A_845 = arith.index_cast %scan3A_823 : i32 to index
        %get3A_846 = arith.constant 848 : index
        %get3A_847 = tpu.vector_load %arg8[%get3A_845, %get3A_846] {strides = array<i32>} : memref<8x1024xf32, #tpu.memory_space<vmem>>, vector<1x16xf32>,
        %get3A_848 = vector.shape_cast %get3A_847 : vector<1x16xf32> to vector<16xf32>
        %get3A_849 = arith.index_cast %scan3A_823 : i32 to index
        %get3A_850 = arith.constant 864 : index
        %get3A_851 = tpu.vector_load %arg8[%get3A_849, %get3A_850] {strides = array<i32>} : memref<8x1024xf32, #tpu.memory_space<vmem>>, vector<1x16xf32>,
        %get3A_852 = vector.shape_cast %get3A_851 : vector<1x16xf32> to vector<16xf32>
        %get3A_853 = arith.index_cast %scan3A_823 : i32 to index
        %get3A_854 = arith.constant 880 : index
        %get3A_855 = tpu.vector_load %arg8[%get3A_853, %get3A_854] {strides = array<i32>} : memref<8x1024xf32, #tpu.memory_space<vmem>>, vector<1x16xf32>,
        %get3A_856 = vector.shape_cast %get3A_855 : vector<1x16xf32> to vector<16xf32>
        %get3A_857 = arith.index_cast %scan3A_823 : i32 to index
        %get3A_858 = arith.constant 896 : index
        %get3A_859 = tpu.vector_load %arg8[%get3A_857, %get3A_858] {strides = array<i32>} : memref<8x1024xf32, #tpu.memory_space<vmem>>, vector<1x16xf32>,
        %get3A_860 = vector.shape_cast %get3A_859 : vector<1x16xf32> to vector<16xf32>
        %get3A_861 = arith.index_cast %scan3A_823 : i32 to index
        %get3A_862 = arith.constant 912 : index
        %get3A_863 = tpu.vector_load %arg8[%get3A_861, %get3A_862] {strides = array<i32>} : memref<8x1024xf32, #tpu.memory_space<vmem>>, vector<1x16xf32>,
        %get3A_864 = vector.shape_cast %get3A_863 : vector<1x16xf32> to vector<16xf32>
        %get3A_865 = arith.index_cast %scan3A_823 : i32 to index
        %get3A_866 = arith.constant 928 : index
        %get3A_867 = tpu.vector_load %arg8[%get3A_865, %get3A_866] {strides = array<i32>} : memref<8x1024xf32, #tpu.memory_space<vmem>>, vector<1x16xf32>,
        %get3A_868 = vector.shape_cast %get3A_867 : vector<1x16xf32> to vector<16xf32>
        %get3A_869 = arith.index_cast %scan3A_823 : i32 to index
        %get3A_870 = arith.constant 944 : index
        %get3A_871 = tpu.vector_load %arg8[%get3A_869, %get3A_870] {strides = array<i32>} : memref<8x1024xf32, #tpu.memory_space<vmem>>, vector<1x16xf32>,
        %get3A_872 = vector.shape_cast %get3A_871 : vector<1x16xf32> to vector<16xf32>
        %get3A_873 = arith.index_cast %scan3A_823 : i32 to index
        %get3A_874 = arith.constant 960 : index
        %get3A_875 = tpu.vector_load %arg8[%get3A_873, %get3A_874] {strides = array<i32>} : memref<8x1024xf32, #tpu.memory_space<vmem>>, vector<1x16xf32>,
        %get3A_876 = vector.shape_cast %get3A_875 : vector<1x16xf32> to vector<16xf32>
        %get3A_877 = arith.index_cast %scan3A_823 : i32 to index
        %get3A_878 = arith.constant 976 : index
        %get3A_879 = tpu.vector_load %arg8[%get3A_877, %get3A_878] {strides = array<i32>} : memref<8x1024xf32, #tpu.memory_space<vmem>>, vector<1x16xf32>,
        %get3A_880 = vector.shape_cast %get3A_879 : vector<1x16xf32> to vector<16xf32>
        %get3A_881 = arith.index_cast %scan3A_823 : i32 to index
        %get3A_882 = arith.constant 992 : index
        %get3A_883 = tpu.vector_load %arg8[%get3A_881, %get3A_882] {strides = array<i32>} : memref<8x1024xf32, #tpu.memory_space<vmem>>, vector<1x16xf32>,
        %get3A_884 = vector.shape_cast %get3A_883 : vector<1x16xf32> to vector<16xf32>
        %get3A_885 = arith.index_cast %scan3A_823 : i32 to index
        %get3A_886 = arith.constant 1008 : index
        %get3A_887 = tpu.vector_load %arg8[%get3A_885, %get3A_886] {strides = array<i32>} : memref<8x1024xf32, #tpu.memory_space<vmem>>, vector<1x16xf32>,
        %get3A_888 = vector.shape_cast %get3A_887 : vector<1x16xf32> to vector<16xf32>
        %mul3A_889 = arith.mulf %gather3A_824, %sub3A_637 : vector<16xf32>
        %add3A_890 = arith.addf %get3A_828, %mul3A_889 : vector<16xf32>
        %mul3A_891 = arith.mulf %gather3A_824, %sub3A_648 : vector<16xf32>
        %add3A_892 = arith.addf %get3A_832, %mul3A_891 : vector<16xf32>
        %mul3A_893 = arith.mulf %gather3A_824, %sub3A_659 : vector<16xf32>
        %add3A_894 = arith.addf %get3A_836, %mul3A_893 : vector<16xf32>
        %mul3A_895 = arith.mulf %gather3A_824, %sub3A_670 : vector<16xf32>
        %add3A_896 = arith.addf %get3A_840, %mul3A_895 : vector<16xf32>
        %mul3A_897 = arith.mulf %gather3A_824, %sub3A_681 : vector<16xf32>
        %add3A_898 = arith.addf %get3A_844, %mul3A_897 : vector<16xf32>
        %mul3A_899 = arith.mulf %gather3A_824, %sub3A_692 : vector<16xf32>
        %add3A_900 = arith.addf %get3A_848, %mul3A_899 : vector<16xf32>
        %mul3A_901 = arith.mulf %gather3A_824, %sub3A_703 : vector<16xf32>
        %add3A_902 = arith.addf %get3A_852, %mul3A_901 : vector<16xf32>
        %mul3A_903 = arith.mulf %gather3A_824, %sub3A_714 : vector<16xf32>
        %add3A_904 = arith.addf %get3A_856, %mul3A_903 : vector<16xf32>
        %mul3A_905 = arith.mulf %gather3A_824, %sub3A_725 : vector<16xf32>
        %add3A_906 = arith.addf %get3A_860, %mul3A_905 : vector<16xf32>
        %mul3A_907 = arith.mulf %gather3A_824, %sub3A_736 : vector<16xf32>
        %add3A_908 = arith.addf %get3A_864, %mul3A_907 : vector<16xf32>
        %mul3A_909 = arith.mulf %gather3A_824, %sub3A_747 : vector<16xf32>
        %add3A_910 = arith.addf %get3A_868, %mul3A_909 : vector<16xf32>
        %mul3A_911 = arith.mulf %gather3A_824, %sub3A_758 : vector<16xf32>
        %add3A_912 = arith.addf %get3A_872, %mul3A_911 : vector<16xf32>
        %mul3A_913 = arith.mulf %gather3A_824, %sub3A_769 : vector<16xf32>
        %add3A_914 = arith.addf %get3A_876, %mul3A_913 : vector<16xf32>
        %mul3A_915 = arith.mulf %gather3A_824, %sub3A_780 : vector<16xf32>
        %add3A_916 = arith.addf %get3A_880, %mul3A_915 : vector<16xf32>
        %mul3A_917 = arith.mulf %gather3A_824, %sub3A_791 : vector<16xf32>
        %add3A_918 = arith.addf %get3A_884, %mul3A_917 : vector<16xf32>
        %mul3A_919 = arith.mulf %gather3A_824, %sub3A_802 : vector<16xf32>
        %add3A_920 = arith.addf %get3A_888, %mul3A_919 : vector<16xf32>
        %swap3A = arith.index_cast %select_n3A_75 : i32 to index
        %swap3A_921 = arith.index_cast %scan3A_823 : i32 to index
        %swap3A_922 = arith.constant 768 : index
        %swap3A_923 = tpu.vector_load %arg9[%swap3A, %swap3A_921, %swap3A_922] {strides = array<i32>} : memref<2x8x1024xf32, #tpu.memory_space<vmem>>, vector<1x1x16xf32>,
        %swap3A_924 = vector.shape_cast %swap3A_923 : vector<1x1x16xf32> to vector<16xf32>
        %swap3A_925 = vector.shape_cast %add3A_890 : vector<16xf32> to vector<1x1x16xf32>
        tpu.vector_store %arg9[%swap3A, %swap3A_921, %swap3A_922], %swap3A_925 {strides = array<i32>} : memref<2x8x1024xf32, #tpu.memory_space<vmem>>, vector<1x1x16xf32>,
        %swap3A_926 = arith.index_cast %select_n3A_75 : i32 to index
        %swap3A_927 = arith.index_cast %scan3A_823 : i32 to index
        %swap3A_928 = arith.constant 784 : index
        %swap3A_929 = tpu.vector_load %arg9[%swap3A_926, %swap3A_927, %swap3A_928] {strides = array<i32>} : memref<2x8x1024xf32, #tpu.memory_space<vmem>>, vector<1x1x16xf32>,
        %swap3A_930 = vector.shape_cast %swap3A_929 : vector<1x1x16xf32> to vector<16xf32>
        %swap3A_931 = vector.shape_cast %add3A_892 : vector<16xf32> to vector<1x1x16xf32>
        tpu.vector_store %arg9[%swap3A_926, %swap3A_927, %swap3A_928], %swap3A_931 {strides = array<i32>} : memref<2x8x1024xf32, #tpu.memory_space<vmem>>, vector<1x1x16xf32>,
        %swap3A_932 = arith.index_cast %select_n3A_75 : i32 to index
        %swap3A_933 = arith.index_cast %scan3A_823 : i32 to index
        %swap3A_934 = arith.constant 800 : index
        %swap3A_935 = tpu.vector_load %arg9[%swap3A_932, %swap3A_933, %swap3A_934] {strides = array<i32>} : memref<2x8x1024xf32, #tpu.memory_space<vmem>>, vector<1x1x16xf32>,
        %swap3A_936 = vector.shape_cast %swap3A_935 : vector<1x1x16xf32> to vector<16xf32>
        %swap3A_937 = vector.shape_cast %add3A_894 : vector<16xf32> to vector<1x1x16xf32>
        tpu.vector_store %arg9[%swap3A_932, %swap3A_933, %swap3A_934], %swap3A_937 {strides = array<i32>} : memref<2x8x1024xf32, #tpu.memory_space<vmem>>, vector<1x1x16xf32>,
        %swap3A_938 = arith.index_cast %select_n3A_75 : i32 to index
        %swap3A_939 = arith.index_cast %scan3A_823 : i32 to index
        %swap3A_940 = arith.constant 816 : index
        %swap3A_941 = tpu.vector_load %arg9[%swap3A_938, %swap3A_939, %swap3A_940] {strides = array<i32>} : memref<2x8x1024xf32, #tpu.memory_space<vmem>>, vector<1x1x16xf32>,
        %swap3A_942 = vector.shape_cast %swap3A_941 : vector<1x1x16xf32> to vector<16xf32>
        %swap3A_943 = vector.shape_cast %add3A_896 : vector<16xf32> to vector<1x1x16xf32>
        tpu.vector_store %arg9[%swap3A_938, %swap3A_939, %swap3A_940], %swap3A_943 {strides = array<i32>} : memref<2x8x1024xf32, #tpu.memory_space<vmem>>, vector<1x1x16xf32>,
        %swap3A_944 = arith.index_cast %select_n3A_75 : i32 to index
        %swap3A_945 = arith.index_cast %scan3A_823 : i32 to index
        %swap3A_946 = arith.constant 832 : index
        %swap3A_947 = tpu.vector_load %arg9[%swap3A_944, %swap3A_945, %swap3A_946] {strides = array<i32>} : memref<2x8x1024xf32, #tpu.memory_space<vmem>>, vector<1x1x16xf32>,
        %swap3A_948 = vector.shape_cast %swap3A_947 : vector<1x1x16xf32> to vector<16xf32>
        %swap3A_949 = vector.shape_cast %add3A_898 : vector<16xf32> to vector<1x1x16xf32>
        tpu.vector_store %arg9[%swap3A_944, %swap3A_945, %swap3A_946], %swap3A_949 {strides = array<i32>} : memref<2x8x1024xf32, #tpu.memory_space<vmem>>, vector<1x1x16xf32>,
        %swap3A_950 = arith.index_cast %select_n3A_75 : i32 to index
        %swap3A_951 = arith.index_cast %scan3A_823 : i32 to index
        %swap3A_952 = arith.constant 848 : index
        %swap3A_953 = tpu.vector_load %arg9[%swap3A_950, %swap3A_951, %swap3A_952] {strides = array<i32>} : memref<2x8x1024xf32, #tpu.memory_space<vmem>>, vector<1x1x16xf32>,
        %swap3A_954 = vector.shape_cast %swap3A_953 : vector<1x1x16xf32> to vector<16xf32>
        %swap3A_955 = vector.shape_cast %add3A_900 : vector<16xf32> to vector<1x1x16xf32>
        tpu.vector_store %arg9[%swap3A_950, %swap3A_951, %swap3A_952], %swap3A_955 {strides = array<i32>} : memref<2x8x1024xf32, #tpu.memory_space<vmem>>, vector<1x1x16xf32>,
        %swap3A_956 = arith.index_cast %select_n3A_75 : i32 to index
        %swap3A_957 = arith.index_cast %scan3A_823 : i32 to index
        %swap3A_958 = arith.constant 864 : index
        %swap3A_959 = tpu.vector_load %arg9[%swap3A_956, %swap3A_957, %swap3A_958] {strides = array<i32>} : memref<2x8x1024xf32, #tpu.memory_space<vmem>>, vector<1x1x16xf32>,
        %swap3A_960 = vector.shape_cast %swap3A_959 : vector<1x1x16xf32> to vector<16xf32>
        %swap3A_961 = vector.shape_cast %add3A_902 : vector<16xf32> to vector<1x1x16xf32>
        tpu.vector_store %arg9[%swap3A_956, %swap3A_957, %swap3A_958], %swap3A_961 {strides = array<i32>} : memref<2x8x1024xf32, #tpu.memory_space<vmem>>, vector<1x1x16xf32>,
        %swap3A_962 = arith.index_cast %select_n3A_75 : i32 to index
        %swap3A_963 = arith.index_cast %scan3A_823 : i32 to index
        %swap3A_964 = arith.constant 880 : index
        %swap3A_965 = tpu.vector_load %arg9[%swap3A_962, %swap3A_963, %swap3A_964] {strides = array<i32>} : memref<2x8x1024xf32, #tpu.memory_space<vmem>>, vector<1x1x16xf32>,
        %swap3A_966 = vector.shape_cast %swap3A_965 : vector<1x1x16xf32> to vector<16xf32>
        %swap3A_967 = vector.shape_cast %add3A_904 : vector<16xf32> to vector<1x1x16xf32>
        tpu.vector_store %arg9[%swap3A_962, %swap3A_963, %swap3A_964], %swap3A_967 {strides = array<i32>} : memref<2x8x1024xf32, #tpu.memory_space<vmem>>, vector<1x1x16xf32>,
        %swap3A_968 = arith.index_cast %select_n3A_75 : i32 to index
        %swap3A_969 = arith.index_cast %scan3A_823 : i32 to index
        %swap3A_970 = arith.constant 896 : index
        %swap3A_971 = tpu.vector_load %arg9[%swap3A_968, %swap3A_969, %swap3A_970] {strides = array<i32>} : memref<2x8x1024xf32, #tpu.memory_space<vmem>>, vector<1x1x16xf32>,
        %swap3A_972 = vector.shape_cast %swap3A_971 : vector<1x1x16xf32> to vector<16xf32>
        %swap3A_973 = vector.shape_cast %add3A_906 : vector<16xf32> to vector<1x1x16xf32>
        tpu.vector_store %arg9[%swap3A_968, %swap3A_969, %swap3A_970], %swap3A_973 {strides = array<i32>} : memref<2x8x1024xf32, #tpu.memory_space<vmem>>, vector<1x1x16xf32>,
        %swap3A_974 = arith.index_cast %select_n3A_75 : i32 to index
        %swap3A_975 = arith.index_cast %scan3A_823 : i32 to index
        %swap3A_976 = arith.constant 912 : index
        %swap3A_977 = tpu.vector_load %arg9[%swap3A_974, %swap3A_975, %swap3A_976] {strides = array<i32>} : memref<2x8x1024xf32, #tpu.memory_space<vmem>>, vector<1x1x16xf32>,
        %swap3A_978 = vector.shape_cast %swap3A_977 : vector<1x1x16xf32> to vector<16xf32>
        %swap3A_979 = vector.shape_cast %add3A_908 : vector<16xf32> to vector<1x1x16xf32>
        tpu.vector_store %arg9[%swap3A_974, %swap3A_975, %swap3A_976], %swap3A_979 {strides = array<i32>} : memref<2x8x1024xf32, #tpu.memory_space<vmem>>, vector<1x1x16xf32>,
        %swap3A_980 = arith.index_cast %select_n3A_75 : i32 to index
        %swap3A_981 = arith.index_cast %scan3A_823 : i32 to index
        %swap3A_982 = arith.constant 928 : index
        %swap3A_983 = tpu.vector_load %arg9[%swap3A_980, %swap3A_981, %swap3A_982] {strides = array<i32>} : memref<2x8x1024xf32, #tpu.memory_space<vmem>>, vector<1x1x16xf32>,
        %swap3A_984 = vector.shape_cast %swap3A_983 : vector<1x1x16xf32> to vector<16xf32>
        %swap3A_985 = vector.shape_cast %add3A_910 : vector<16xf32> to vector<1x1x16xf32>
        tpu.vector_store %arg9[%swap3A_980, %swap3A_981, %swap3A_982], %swap3A_985 {strides = array<i32>} : memref<2x8x1024xf32, #tpu.memory_space<vmem>>, vector<1x1x16xf32>,
        %swap3A_986 = arith.index_cast %select_n3A_75 : i32 to index
        %swap3A_987 = arith.index_cast %scan3A_823 : i32 to index
        %swap3A_988 = arith.constant 944 : index
        %swap3A_989 = tpu.vector_load %arg9[%swap3A_986, %swap3A_987, %swap3A_988] {strides = array<i32>} : memref<2x8x1024xf32, #tpu.memory_space<vmem>>, vector<1x1x16xf32>,
        %swap3A_990 = vector.shape_cast %swap3A_989 : vector<1x1x16xf32> to vector<16xf32>
        %swap3A_991 = vector.shape_cast %add3A_912 : vector<16xf32> to vector<1x1x16xf32>
        tpu.vector_store %arg9[%swap3A_986, %swap3A_987, %swap3A_988], %swap3A_991 {strides = array<i32>} : memref<2x8x1024xf32, #tpu.memory_space<vmem>>, vector<1x1x16xf32>,
        %swap3A_992 = arith.index_cast %select_n3A_75 : i32 to index
        %swap3A_993 = arith.index_cast %scan3A_823 : i32 to index
        %swap3A_994 = arith.constant 960 : index
        %swap3A_995 = tpu.vector_load %arg9[%swap3A_992, %swap3A_993, %swap3A_994] {strides = array<i32>} : memref<2x8x1024xf32, #tpu.memory_space<vmem>>, vector<1x1x16xf32>,
        %swap3A_996 = vector.shape_cast %swap3A_995 : vector<1x1x16xf32> to vector<16xf32>
        %swap3A_997 = vector.shape_cast %add3A_914 : vector<16xf32> to vector<1x1x16xf32>
        tpu.vector_store %arg9[%swap3A_992, %swap3A_993, %swap3A_994], %swap3A_997 {strides = array<i32>} : memref<2x8x1024xf32, #tpu.memory_space<vmem>>, vector<1x1x16xf32>,
        %swap3A_998 = arith.index_cast %select_n3A_75 : i32 to index
        %swap3A_999 = arith.index_cast %scan3A_823 : i32 to index
        %swap3A_1000 = arith.constant 976 : index
        %swap3A_1001 = tpu.vector_load %arg9[%swap3A_998, %swap3A_999, %swap3A_1000] {strides = array<i32>} : memref<2x8x1024xf32, #tpu.memory_space<vmem>>, vector<1x1x16xf32>,
        %swap3A_1002 = vector.shape_cast %swap3A_1001 : vector<1x1x16xf32> to vector<16xf32>
        %swap3A_1003 = vector.shape_cast %add3A_916 : vector<16xf32> to vector<1x1x16xf32>
        tpu.vector_store %arg9[%swap3A_998, %swap3A_999, %swap3A_1000], %swap3A_1003 {strides = array<i32>} : memref<2x8x1024xf32, #tpu.memory_space<vmem>>, vector<1x1x16xf32>,
        %swap3A_1004 = arith.index_cast %select_n3A_75 : i32 to index
        %swap3A_1005 = arith.index_cast %scan3A_823 : i32 to index
        %swap3A_1006 = arith.constant 992 : index
        %swap3A_1007 = tpu.vector_load %arg9[%swap3A_1004, %swap3A_1005, %swap3A_1006] {strides = array<i32>} : memref<2x8x1024xf32, #tpu.memory_space<vmem>>, vector<1x1x16xf32>,
        %swap3A_1008 = vector.shape_cast %swap3A_1007 : vector<1x1x16xf32> to vector<16xf32>
        %swap3A_1009 = vector.shape_cast %add3A_918 : vector<16xf32> to vector<1x1x16xf32>
        tpu.vector_store %arg9[%swap3A_1004, %swap3A_1005, %swap3A_1006], %swap3A_1009 {strides = array<i32>} : memref<2x8x1024xf32, #tpu.memory_space<vmem>>, vector<1x1x16xf32>,
        %swap3A_1010 = arith.index_cast %select_n3A_75 : i32 to index
        %swap3A_1011 = arith.index_cast %scan3A_823 : i32 to index
        %swap3A_1012 = arith.constant 1008 : index
        %swap3A_1013 = tpu.vector_load %arg9[%swap3A_1010, %swap3A_1011, %swap3A_1012] {strides = array<i32>} : memref<2x8x1024xf32, #tpu.memory_space<vmem>>, vector<1x1x16xf32>,
        %swap3A_1014 = vector.shape_cast %swap3A_1013 : vector<1x1x16xf32> to vector<16xf32>
        %swap3A_1015 = vector.shape_cast %add3A_920 : vector<16xf32> to vector<1x1x16xf32>
        tpu.vector_store %arg9[%swap3A_1010, %swap3A_1011, %swap3A_1012], %swap3A_1015 {strides = array<i32>} : memref<2x8x1024xf32, #tpu.memory_space<vmem>>, vector<1x1x16xf32>,
      }
      %scan3A_808 = arith.constant 8 : i32
      %dma_start3A_809 = arith.constant 0 : i32
      %dma_start3A_810 = arith.constant 0 : i32
      %dma_start3A_811 = tpu.memref_slice %arg9[%select_n3A_75, %dma_start3A_809, %dma_start3A_810] : memref<2x8x1024xf32, #tpu.memory_space<vmem>> -> memref<1x8x1024xf32, #tpu.memory_space<vmem>>
      %dma_start3A_812 = tpu.memref_squeeze %dma_start3A_811 : memref<1x8x1024xf32, #tpu.memory_space<vmem>> -> memref<8x1024xf32, #tpu.memory_space<vmem>>
      %dma_start3A_813 = arith.constant 0 : i32
      %dma_start3A_814 = tpu.memref_slice %arg5[%scan3A_66, %mul3A_2, %dma_start3A_813] : memref<4x2048x1024xf32, #tpu.memory_space<hbm>> -> memref<1x8x1024xf32, #tpu.memory_space<hbm>>
      %dma_start3A_815 = tpu.memref_squeeze %dma_start3A_814 : memref<1x8x1024xf32, #tpu.memory_space<hbm>> -> memref<8x1024xf32, #tpu.memory_space<hbm>>
      %dma_start3A_816 = arith.constant 0 : i32
      %dma_start3A_817 = tpu.memref_slice %arg5[%scan3A_66, %mul3A_2, %dma_start3A_816] : memref<4x2048x1024xf32, #tpu.memory_space<hbm>> -> memref<1x8x1024xf32, #tpu.memory_space<hbm>>
      %dma_start3A_818 = tpu.memref_squeeze %dma_start3A_817 : memref<1x8x1024xf32, #tpu.memory_space<hbm>> -> memref<8x1024xf32, #tpu.memory_space<hbm>>
      %dma_start3A_819 = arith.constant 0 : i32
      %dma_start3A_820 = arith.constant 0 : i32
      %dma_start3A_821 = tpu.memref_slice %arg9[%select_n3A_75, %dma_start3A_819, %dma_start3A_820] : memref<2x8x1024xf32, #tpu.memory_space<vmem>> -> memref<1x8x1024xf32, #tpu.memory_space<vmem>>
      %dma_start3A_822 = tpu.memref_squeeze %dma_start3A_821 : memref<1x8x1024xf32, #tpu.memory_space<vmem>> -> memref<8x1024xf32, #tpu.memory_space<vmem>>
      tpu.enqueue_dma source(%dma_start3A_822 : memref<8x1024xf32, #tpu.memory_space<vmem>>) target(%dma_start3A_818 : memref<8x1024xf32, #tpu.memory_space<hbm>>) target_semaphore(%arg10 : memref<!tpu.dma_semaphore, #tpu.memory_space<semaphore_mem>>)
    }
    %scan3A_33 = arith.constant 4 : i32
    %dma_wait3A_34 = arith.constant 0 : i32
    %dma_wait3A_35 = arith.constant 0 : i32
    %dma_wait3A_36 = arith.constant 0 : i32
    %dma_wait3A_37 = arith.constant 0 : i32
    %dma_wait3A_38 = tpu.memref_slice %arg9[%dma_wait3A_34, %dma_wait3A_36, %dma_wait3A_37] : memref<2x8x1024xf32, #tpu.memory_space<vmem>> -> memref<1x8x1024xf32, #tpu.memory_space<vmem>>
    %dma_wait3A_39 = tpu.memref_squeeze %dma_wait3A_38 : memref<1x8x1024xf32, #tpu.memory_space<vmem>> -> memref<8x1024xf32, #tpu.memory_space<vmem>>
    %dma_wait3A_40 = arith.constant 0 : i32
    %dma_wait3A_41 = tpu.memref_slice %arg5[%dma_wait3A_35, %mul3A_2, %dma_wait3A_40] : memref<4x2048x1024xf32, #tpu.memory_space<hbm>> -> memref<1x8x1024xf32, #tpu.memory_space<hbm>>
    %dma_wait3A_42 = tpu.memref_squeeze %dma_wait3A_41 : memref<1x8x1024xf32, #tpu.memory_space<hbm>> -> memref<8x1024xf32, #tpu.memory_space<hbm>>
    %dma_wait3A_43 = arith.constant 0 : i32
    %dma_wait3A_44 = tpu.memref_slice %arg5[%dma_wait3A_35, %mul3A_2, %dma_wait3A_43] : memref<4x2048x1024xf32, #tpu.memory_space<hbm>> -> memref<1x8x1024xf32, #tpu.memory_space<hbm>>
    %dma_wait3A_45 = tpu.memref_squeeze %dma_wait3A_44 : memref<1x8x1024xf32, #tpu.memory_space<hbm>> -> memref<8x1024xf32, #tpu.memory_space<hbm>>
    %dma_wait3A_46 = arith.constant 0 : i32
    %dma_wait3A_47 = arith.constant 0 : i32
    %dma_wait3A_48 = tpu.memref_slice %arg9[%dma_wait3A_34, %dma_wait3A_46, %dma_wait3A_47] : memref<2x8x1024xf32, #tpu.memory_space<vmem>> -> memref<1x8x1024xf32, #tpu.memory_space<vmem>>
    %dma_wait3A_49 = tpu.memref_squeeze %dma_wait3A_48 : memref<1x8x1024xf32, #tpu.memory_space<vmem>> -> memref<8x1024xf32, #tpu.memory_space<vmem>>
    tpu.wait_dma2 semaphore(%arg10 : memref<!tpu.dma_semaphore, #tpu.memory_space<semaphore_mem>>) src(%dma_wait3A_49 : memref<8x1024xf32, #tpu.memory_space<vmem>>) dst(%dma_wait3A_45 : memref<8x1024xf32, #tpu.memory_space<hbm>>)
    %dma_wait3A_50 = arith.constant 0 : i32
    %dma_wait3A_51 = arith.constant 0 : i32
    %dma_wait3A_52 = arith.constant 0 : i32
    %dma_wait3A_53 = arith.constant 0 : i32
    %dma_wait3A_54 = tpu.memref_slice %arg9[%dma_wait3A_50, %dma_wait3A_52, %dma_wait3A_53] : memref<2x8x1024xf32, #tpu.memory_space<vmem>> -> memref<1x8x1024xf32, #tpu.memory_space<vmem>>
    %dma_wait3A_55 = tpu.memref_squeeze %dma_wait3A_54 : memref<1x8x1024xf32, #tpu.memory_space<vmem>> -> memref<8x1024xf32, #tpu.memory_space<vmem>>
    %dma_wait3A_56 = arith.constant 0 : i32
    %dma_wait3A_57 = tpu.memref_slice %arg5[%dma_wait3A_51, %mul3A_2, %dma_wait3A_56] : memref<4x2048x1024xf32, #tpu.memory_space<hbm>> -> memref<1x8x1024xf32, #tpu.memory_space<hbm>>
    %dma_wait3A_58 = tpu.memref_squeeze %dma_wait3A_57 : memref<1x8x1024xf32, #tpu.memory_space<hbm>> -> memref<8x1024xf32, #tpu.memory_space<hbm>>
    %dma_wait3A_59 = arith.constant 0 : i32
    %dma_wait3A_60 = tpu.memref_slice %arg5[%dma_wait3A_51, %mul3A_2, %dma_wait3A_59] : memref<4x2048x1024xf32, #tpu.memory_space<hbm>> -> memref<1x8x1024xf32, #tpu.memory_space<hbm>>
    %dma_wait3A_61 = tpu.memref_squeeze %dma_wait3A_60 : memref<1x8x1024xf32, #tpu.memory_space<hbm>> -> memref<8x1024xf32, #tpu.memory_space<hbm>>
    %dma_wait3A_62 = arith.constant 0 : i32
    %dma_wait3A_63 = arith.constant 0 : i32
    %dma_wait3A_64 = tpu.memref_slice %arg9[%dma_wait3A_50, %dma_wait3A_62, %dma_wait3A_63] : memref<2x8x1024xf32, #tpu.memory_space<vmem>> -> memref<1x8x1024xf32, #tpu.memory_space<vmem>>
    %dma_wait3A_65 = tpu.memref_squeeze %dma_wait3A_64 : memref<1x8x1024xf32, #tpu.memory_space<vmem>> -> memref<8x1024xf32, #tpu.memory_space<vmem>>
    tpu.wait_dma2 semaphore(%arg10 : memref<!tpu.dma_semaphore, #tpu.memory_space<semaphore_mem>>) src(%dma_wait3A_65 : memref<8x1024xf32, #tpu.memory_space<vmem>>) dst(%dma_wait3A_61 : memref<8x1024xf32, #tpu.memory_space<hbm>>)
    return
  }
}

module attributes {stable_mosaic.version = 14 : i64} {
  func.func @_tc_body(%arg0: i32, %arg1: memref<4x256xi32, #tpu.memory_space<vmem>>, %arg2: memref<2x1024xf32, #tpu.memory_space<vmem>>, %arg3: memref<256x1024xf32, #tpu.memory_space<vmem>>, %arg4: memref<4x2048x1024xf32, #tpu.memory_space<any>>, %arg5: memref<4x256x1024xf32, #tpu.memory_space<vmem>>) attributes {dimension_semantics = [#tpu.dimension_semantics<arbitrary>], iteration_bounds = array<i64: 7>, scalar_prefetch = 0 : i64, scratch_operands = 0 : i64, tpu.core_type = #tpu.core_type<tc>, window_params = [{transform_indices = @transform_0, window_bounds = array<i64: 4, 256>}, {pipeline_mode = #tpu.pipeline_mode<synchronous>, transform_indices = @transform_1, window_bounds = array<i64: 2, 1024>}, {transform_indices = @transform_2, window_bounds = array<i64: 256, 1024>}, {}, {transform_indices = @transform_4, window_bounds = array<i64: 4, 256, 1024>}]} {
    %get3A = arith.constant 0 : index
    %get3A_0 = arith.constant 0 : index
    %get3A_1 = vector.load %arg2[%get3A, %get3A_0] : memref<2x1024xf32, #tpu.memory_space<vmem>>, vector<1x1024xf32>
    %get3A_2 = vector.shape_cast %get3A_1 : vector<1x1024xf32> to vector<1024xf32>
    %get3A_3 = arith.constant 1 : index
    %get3A_4 = arith.constant 0 : index
    %get3A_5 = vector.load %arg2[%get3A_3, %get3A_4] : memref<2x1024xf32, #tpu.memory_space<vmem>>, vector<1x1024xf32>
    %get3A_6 = vector.shape_cast %get3A_5 : vector<1x1024xf32> to vector<1024xf32>
    %sub3A = arith.subf %get3A_6, %get3A_2 : vector<1024xf32>
    %get3A_7 = arith.constant 0 : index
    %get3A_8 = arith.constant 0 : index
    %get3A_9 = vector.load %arg3[%get3A_7, %get3A_8] : memref<256x1024xf32, #tpu.memory_space<vmem>>, vector<256x1024xf32>
    %broadcast_in_dim3A = vector.shape_cast %get3A_2 : vector<1024xf32> to vector<1x1024xf32>
    %add3A = vector.broadcast %broadcast_in_dim3A : vector<1x1024xf32> to vector<256x1024xf32>
    %add3A_10 = arith.addf %get3A_9, %add3A : vector<256x1024xf32>
    %get3A_11 = arith.constant 0 : index
    %get3A_12 = arith.constant 0 : index
    %get3A_13 = vector.load %arg1[%get3A_11, %get3A_12] : memref<4x256xi32, #tpu.memory_space<vmem>>, vector<4x256xi32>
    %convert_element_type3A = arith.sitofp %get3A_13 : vector<4x256xi32> to vector<4x256xf32>
    %broadcast_in_dim3A_14 = vector.shape_cast %convert_element_type3A : vector<4x256xf32> to vector<4x256x1xf32>
    %broadcast_in_dim3A_15 = vector.shape_cast %add3A_10 : vector<256x1024xf32> to vector<1x256x1024xf32>
    %broadcast_in_dim3A_16 = vector.shape_cast %sub3A : vector<1024xf32> to vector<1x1x1024xf32>
    %mul3A = vector.broadcast %broadcast_in_dim3A_14 : vector<4x256x1xf32> to vector<4x256x1024xf32>
    %mul3A_17 = vector.broadcast %broadcast_in_dim3A_16 : vector<1x1x1024xf32> to vector<4x256x1024xf32>
    %mul3A_18 = arith.mulf %mul3A, %mul3A_17 : vector<4x256x1024xf32>
    %add3A_19 = vector.broadcast %broadcast_in_dim3A_15 : vector<1x256x1024xf32> to vector<4x256x1024xf32>
    %add3A_20 = arith.addf %add3A_19, %mul3A_18 : vector<4x256x1024xf32>
    %swap3A = arith.constant 0 : index
    %swap3A_21 = arith.constant 0 : index
    %swap3A_22 = arith.constant 0 : index
    %swap3A_23 = vector.load %arg5[%swap3A, %swap3A_21, %swap3A_22] : memref<4x256x1024xf32, #tpu.memory_space<vmem>>, vector<4x256x1024xf32>
    tpu.vector_store %arg5[%swap3A, %swap3A_21, %swap3A_22], %add3A_20 {strides = array<i32>} : memref<4x256x1024xf32, #tpu.memory_space<vmem>>, vector<4x256x1024xf32>,
    return
  }
  func.func @transform_0(%arg0: i32) -> (i32, i32) {
    %add3A = arith.constant 1 : i32
    %add3A_0 = arith.addi %arg0, %add3A : i32
    %c0_i32 = arith.constant 0 : i32
    %c0_i32_1 = arith.constant 0 : i32
    return %c0_i32, %add3A_0 : i32, i32
  }
  func.func @transform_1(%arg0: i32) -> (i32, i32) {
    %c0_i32 = arith.constant 0 : i32
    %c0_i32_0 = arith.constant 0 : i32
    %c0_i32_1 = arith.constant 0 : i32
    return %c0_i32, %c0_i32_0 : i32, i32
  }
  func.func @transform_2(%arg0: i32) -> (i32, i32) {
    %add3A = arith.constant 1 : i32
    %add3A_0 = arith.addi %arg0, %add3A : i32
    %c0_i32 = arith.constant 0 : i32
    %c0_i32_1 = arith.constant 0 : i32
    return %add3A_0, %c0_i32 : i32, i32
  }
  func.func @transform_4(%arg0: i32) -> (i32, i32, i32) {
    %add3A = arith.constant 1 : i32
    %add3A_0 = arith.addi %arg0, %add3A : i32
    %c0_i32 = arith.constant 0 : i32
    %c0_i32_1 = arith.constant 0 : i32
    %c0_i32_2 = arith.constant 0 : i32
    return %c0_i32, %add3A_0, %c0_i32_1 : i32, i32, i32
  }
}

</mosaic_0001>

<sc_bundles>
// kernel: kernel.4.cloned.1.call-start
scs
__scs_entry_jumppad:
0x0: {  	(pc) =	sbr.rel $0x88, $3  }
0x1: {  	(tag) =	ssettag $0x0;
	lr =	simm.s32 $0x1  }
0x2: {  	[smem:$0x3F9F] =	sst lr;
	_ =	strace $0xD0000000  }
0x3: {  	_ = 	snop  }
0x4: {  	_ = 	snop  }
0x5: {  	_ = 	snop  }
0x6: {  	_ = 	snop  }
0x7: {  	_ = 	snop  }
__scs_overlays_trampoline_lowered:
0x8: {  	[smem:$0x3FAE] =	sst s0  }
0x9: {  	[smem:$0x3FAF] =	sst s1  }
0xa: {  	[smem:$0x3FB0] =	sst s2  }
0xb: {  	[smem:$0x3FB1] =	sst s3  }
0xc: {  	[smem:$0x3FB2] =	sst s4  }
0xd: {  	[smem:$0x3FB3] =	sst s5  }
0xe: {  	[smem:$0x3FB4] =	sst s6  }
0xf: {  	[smem:$0x3FB5] =	sst s7  }
0x10: {  	[smem:$0x3FB6] =	sst s8  }
0x11: {  	[smem:$0x3FB7] =	sst s9;
	s0 =	simm.s32 @!p0 $0x0  }
0x12: {  	s1 =	sld [smem:$0x3F9D];
	s0 =	simm.s32 @p0 $0x1  }
0x13: {  	[smem:$0x3FB8] =	sst s0;
	s0 =	simm.s32 @!p1 $0x0  }
0x14: {  	s2 =	sld [smem:$0x3F9C];
	s0 =	simm.s32 @p1 $0x1  }
0x15: {  	[smem:$0x3FB9] =	sst s0;
	s0 =	simm.s32 @!p2 $0x0  }
0x16: {  	s3 =	sld [smem:$0x3FDB];
	s0 =	simm.s32 @p2 $0x1  }
0x17: {  	s4 =	simm.s32 $0x1BF5;
	[smem:$0x3FBB] =	sst s0  }
0x18: {  	s0 =	sld [smem:$0x3F9E];
	_ =	swait.ge [sflag:s4], $0x0  }
0x19: {  	s7 =	sld [smem:$0x3F9F]  }
0x1a: {  	s8 =	sadd.s32 $0xFFFFE003, lr  }
0x1b: {  	s9 =	sadd.s32 $0xFFFFFEF7, lr;
	s5 =	simm.s32 $0xFFFFFFFF;
	p2 =	slt.u32 s8, $0xFFFFF086  }
0x1c: {  	p1 =	slt.u32 s9, $0xF7A;
	s5 =	simm.s32 @!p2 $0x0  }
0x1d: {  	s5 =	simm.s32 @p1 $0x1;
	p0 =	seq.s32 s7, s2  }
0x1e: {  	s7 =	smul.u32 @!p0 $0xF7A, s2;
	p2 =	seq.s32 @!p0 s5, $0x0  }
0x1f: {  	s9 =	smul.u32 $0xF7A, s1;
	s8 =	simm.s32 @!p0 $0x1BF5;
	p2 =	por !p2, p0  }
0x20: {  	[sflag:s8] =	ssyncset.s32 @!p0 $0xFFFFF086;
	s6 =	sadd.s32 @!p0 s3, s7;
	s7 =	simm.s32 @!p0 $0x108  }
0x21: {  	s3 =	sadd.s32 s3, s9;
	s6 =	sadd.s32 @!p0 $0x88, s6;
	s7 =	simm.s32 @p2 $0x1082  }
0x22: {  	[simem:s7], [sflag:s8] =	dma.local @!p0 [hbm:s6], $0xF7A  }
0x23: {  	s9 =	sor.u32 $0xD0000000, s2;
	s6 =	simm.s32 $0x108;
	_ =	swait.ge @!p0 [sflag:s8], $0x0  }
0x24: {  	s3 =	sadd.s32 $0x88, s3;
	s6 =	simm.s32 @!p1 $0x1082;
	[sflag:s4] =	ssyncset.s32 $0xFFFFF086  }
0x25: {  	[simem:s6], [sflag:s4] =	dma.local [hbm:s3], $0xF7A  }
0x26: {  	[smem:$0x3F9F] =	sst s1;
	(tag) =	ssettag s2;
	_ =	strace s9  }
0x27: {  	s1 =	sld [smem:$0x3FAF]  }
0x28: {  	s2 =	sld [smem:$0x3FB0]  }
0x29: {  	s4 =	sld [smem:$0x3FB2]  }
0x2a: {  	p0 =	seq.s32 s5, $0x0;
	s5 =	sld [smem:$0x3FB3]  }
0x2b: {  	s6 =	sld [smem:$0x3FB4]  }
0x2c: {  	s7 =	sld [smem:$0x3FB5]  }
0x2d: {  	s3 =	simm.s32 $0x108;
	s8 =	sld [smem:$0x3FB6]  }
0x2e: {  	s3 =	simm.s32 @!p0 $0x1082;
	s9 =	sld [smem:$0x3FB7]  }
0x2f: {  	lr =	sadd.s32 s0, s3;
	s0 =	sld [smem:$0x3FAE]  }
0x30: {  	s3 =	sld [smem:$0x3FB1]  }
0x31: {  	[smem:$0x3FBA] =	sst s10  }
0x32: {  	s10 =	sld [smem:$0x3FB8];
	_ =	sdelay $0x3  }
0x33: {  	p0 =	seq.s32 s10, $0x1;
	s10 =	sld [smem:$0x3FBA];
	_ =	sdelay $0x3  }
0x34: {  	[smem:$0x3FBA] =	sst s10  }
0x35: {  	s10 =	sld [smem:$0x3FB9];
	_ =	sdelay $0x3  }
0x36: {  	p1 =	seq.s32 s10, $0x1;
	s10 =	sld [smem:$0x3FBA];
	_ =	sdelay $0x3  }
0x37: {  	[smem:$0x3FBA] =	sst s10  }
0x38: {  	s10 =	sld [smem:$0x3FBB]  }
0x39: {  	_ = 	snop;
	(pc) =	sbr.ind lr, $3  }
0x3a: {  	_ = 	snop  }
0x3b: {  	_ = 	snop  }
0x3c: {  	p2 =	seq.s32 s10, $0x1;
	s10 =	sld [smem:$0x3FBA]  }
0x3d: {  	_ =	shalt  }
0x3e: {  	_ =	shalt  }
0x3f: {  	_ =	shalt  }
0x40: {  	_ =	shalt  }
0x41: {  	_ =	shalt  }
0x42: {  	_ =	shalt  }
0x43: {  	_ =	shalt  }
0x44: {  	_ =	shalt  }
0x45: {  	_ =	shalt  }
0x46: {  	_ =	shalt  }
0x47: {  	_ =	shalt  }
0x48: {  	_ =	shalt  }
0x49: {  	_ =	shalt  }
0x4a: {  	_ =	shalt  }
0x4b: {  	_ =	shalt  }
0x4c: {  	_ =	shalt  }
0x4d: {  	_ =	shalt  }
0x4e: {  	_ =	shalt  }
0x4f: {  	_ =	shalt  }
0x50: {  	_ =	shalt  }
0x51: {  	_ =	shalt  }
0x52: {  	_ =	shalt  }
0x53: {  	_ =	shalt  }
0x54: {  	_ =	shalt  }
0x55: {  	_ =	shalt  }
0x56: {  	_ =	shalt  }
0x57: {  	_ =	shalt  }
0x58: {  	_ =	shalt  }
0x59: {  	_ =	shalt  }
0x5a: {  	_ =	shalt  }
0x5b: {  	_ =	shalt  }
0x5c: {  	_ =	shalt  }
0x5d: {  	_ =	shalt  }
0x5e: {  	_ =	shalt  }
0x5f: {  	_ =	shalt  }
0x60: {  	_ =	shalt  }
0x61: {  	_ =	shalt  }
0x62: {  	_ =	shalt  }
0x63: {  	_ =	shalt  }
0x64: {  	_ =	shalt  }
0x65: {  	_ =	shalt  }
0x66: {  	_ =	shalt  }
0x67: {  	_ =	shalt  }
0x68: {  	_ =	shalt  }
0x69: {  	_ =	shalt  }
0x6a: {  	_ =	shalt  }
0x6b: {  	_ =	shalt  }
0x6c: {  	_ =	shalt  }
0x6d: {  	_ =	shalt  }
0x6e: {  	_ =	shalt  }
0x6f: {  	_ =	shalt  }
0x70: {  	_ =	shalt  }
0x71: {  	_ =	shalt  }
0x72: {  	_ =	shalt  }
0x73: {  	_ =	shalt  }
0x74: {  	_ =	shalt  }
0x75: {  	_ =	shalt  }
0x76: {  	_ =	shalt  }
0x77: {  	_ =	shalt  }
0x78: {  	_ =	shalt  }
0x79: {  	_ =	shalt  }
0x7a: {  	_ =	shalt  }
0x7b: {  	_ =	shalt  }
0x7c: {  	_ =	shalt  }
0x7d: {  	_ =	shalt  }
0x7e: {  	_ =	shalt  }
0x7f: {  	_ =	shalt  }
0x80: {  	_ =	shalt  }
0x81: {  	_ =	shalt  }
0x82: {  	_ =	shalt  }
0x83: {  	_ =	shalt  }
0x84: {  	_ =	shalt  }
0x85: {  	_ =	shalt  }
0x86: {  	_ =	shalt  }
0x87: {  	_ =	shalt  }
.Lfunc_end0:
.L_simem_size_0:
called_computation_lowered:
.L_overlay_start_0:
0x88: {  	s2 =	sld [smem:$0x3FD9]  }
0x89: {  	s3 =	sld [smem:$0x3FFE];
	_ =	sdelay $0x1  }
0x8a: {  	s1 =	srdreg.scid  }
0x8b: {  	s0 =	sand.u32 $0x1, s1  }
0x8c: {  	s17 =	sshll.u32 s0, $0xA;
	s2 =	sadd.s32 s3, s2  }
0x8d: {  	s2 =	sadd.s32 s2, s17  }
0x8e: {  	[smem:$0x3FC6] =	sst s2  }
0x8f: {  	_ = 	snop  }
0x90: {  	s2 =	sld [smem:$0x3FC9]  }
0x91: {  	s18 =	sld [smem:$0x3FC8]  }
0x92: {  	s4 =	sld [smem:$0x3FD0];
	(tm) =	ssettm $0x1  }
0x93: {  	s5 =	sld [smem:$0x3FFB];
	_ =	sdelay $0x3  }
0x94: {  	_ =	strace s5  }
0x95: {  	s5 =	sld [smem:$0x3FFC];
	_ =	sdelay $0x3  }
0x96: {  	_ =	strace s5  }
0x97: {  	s5 =	sld [smem:$0x3FFD];
	_ =	sdelay $0x3  }
0x98: {  	_ =	strace s5  }
0x99: {  	_ =	strace $0x8FFFFFFF  }
0x9a: {  	s19 =	sld [smem:$0x3FDB];
	_ =	sdelay $0x1  }
0x9b: {  	s6 =	simm.s32 $_scs_section_size  }
0x9c: {  	s7 =	simm.s32 $_size__tile_overlayer_lowered;
	s8 =	simm.s32 $_tile_overlayer_lowered  }
0x9d: {  	s22 =	simm.s32 $0x1BFF;
	s21 =	sshll.u32 s8, $0x1;
	s5 =	sadd.s32 s6, s19  }
0x9e: {  	s9 =	simm.s32 $0x0;
	s20 =	sshll.u32 s7, $0x1;
	s7 =	sadd.s32 s21, s5  }
0x9f: {  	[timem:s9], [sflag:s22] =	dma.local [hbm:s7], s20  }
0xa0: {  	_ =	swait.ge [sflag:s22], s20  }
0xa1: {  	s6 =	ssub.s32 $0x0, s20;
	[sflag:s22] =	ssyncset.done $0x0  }
0xa2: {  	[sflag:s22] =	ssyncadd.s32 s6;
	_ =	sdelay $0x1  }
0xa3: {  	s23 =	simm.s32 $0x1B8B  }
0xa4: {  	_ =	swait.ge [sflag:s23], $0x1  }
0xa5: {  	[sflag:s23] =	ssyncset.done $0x0  }
0xa6: {  	s25 =	simm.s32 $0x1B8E;
	s24 =	sld [smem:$0x3FFE];
	[sflag:s23] =	ssyncadd.s32 $0xFFFFFFFF  }
0xa7: {  	s26 =	simm.s32 $execute0_lowered;
	[smem:$0x3FD2] =	sst s25  }
0xa8: {  	s7 =	sshll.u32 s26, $0x1;
	_ =	strace $0x80000046;
	[dreg:$0x1] =	wrdreg $0xFFFFFFFF  }
0xa9: {  	s28 =	simm.s32 $_size_execute0_lowered;
	s5 =	sadd.s32 s5, s7;
	[dreg:$0x0] =	wrdreg $0x0  }
0xaa: {  	s7 =	sshll.u32 s28, $0x1;
	[dreg:$0x2] =	wrdreg s5  }
0xab: {  	[dreg:$0x3] =	wrdreg s7  }
0xac: {  	[dreg:$0x4] =	wrdreg $0xC0  }
0xad: {  	_ =	task [dreg:s9], $0x5FFFF  }
0xae: {  	[dreg:$0x1] =	wrdreg $0xFFFFFFFF  }
0xaf: {  	[dreg:$0x0] =	wrdreg $0x60  }
0xb0: {  	[dreg:$0x2] =	wrdreg s2  }
0xb1: {  	[dreg:$0x3] =	wrdreg s18  }
0xb2: {  	[dreg:$0x4] =	wrdreg s24  }
0xb3: {  	[dreg:$0x5] =	wrdreg s4  }
0xb4: {  	[dreg:$0x6] =	wrdreg $0x9  }
0xb5: {  	_ =	task.clear_ibuf [dreg:s9], $0x7FFFF;
	_ =	strace $0x90000046  }
0xb6: {  	s29 =	simm.s32 $0x9;
	_ =	strace $0x80000048  }
0xb7: {  	_ =	swait.ge [sflag:s29], $0x1  }
0xb8: {  	[sflag:s29] =	ssyncadd.s32 $0xFFFFFFFF  }
0xb9: {  	_ =	strace $0x90000048  }
0xba: {  	_ =	sfence  }
0xbb: {  	s30 =	sld [smem:$0x0];
	_ =	sdelay $0x2  }
0xbc: {  	s31 =	sshll.u32 s1, $0xD;
	s1 =	sshrl.u32 s1, $0x2  }
0xbd: {  	s3 =	sand.u32 $0x4000, s31;
	s1 =	sadd.s32 s1, s30  }
0xbe: {  	s0 =	sor.u32 s3, s0;
	s1 =	sshll.u32 s1, $0x11  }
0xbf: {  	s0 =	sor.u32 s1, s0  }
0xc0: {  	s0 =	sadd.s32 $0x8F2B, s0  }
0xc1: {  	[sflag:s0] =	ssyncadd.remote.s32 $0x1  }
0xc2: {  	_ =	sfence.sel $0xFFFF  }
0xc3: {  	[dreg:$0x0] =	wrdreg $0xFFFFFFFF;
	(pc) =	sbr.abs _section_cstart, $3  }
0xc4: {  	[dreg:$0x1] =	wrdreg $0xFFFFFFFF  }
0xc5: {  	_ =	task.clear_ibuf [dreg:s9], $0x2FFFF;
	_ =	strace $0x9FFFFFFF  }
0xc6: {  	(tm) =	ssettm $0x7FFFFFFF  }
0xc7: {  	_ =	shalt  }
tec
execute0_lowered:
.L_overlay_start_1:
0x0: {  	(tag) =	ssettag $0x1  }
0x1: {  	s4 =	rddreg [dreg:$0x0]  }
0x2: {  	s1 =	rddreg [dreg:$0x1]  }
0x3: {  	s5 =	rddreg [dreg:$0x2]  }
0x4: {  	s6 =	rddreg [dreg:$0x3]  }
0x5: {  	s0 =	rddreg [dreg:$0x4];
	s7 =	srdreg.scid  }
0x6: {  	s3 =	simm.s32 $0x0;
	s2 =	stileid.u32;
	s12 =	simm.s32 $0x880  }
0x7: {  	s13 =	simm.s32 $0x900;
	s14 =	simm.s32 $0x980;
	s15 =	simm.s32 $0xA00  }
0x8: {  	s16 =	simm.s32 $0x2;
	s17 =	simm.s32 $0x1;
	s18 =	simm.s32 $0x0  }
0x9: {  	s7 =	sand.u32 $0x1, s7;
	[smem:$0x7FF] =	sst s3;
	s8 =	sshll.u32 s2, $0x4  }
0xa: {  	s31 =	sshll.u32 s2, $0x6;
	s9 =	sshll.u32 s7, $0x3;
	_ =	strace $0x80000047  }
0xb: {  	s7 =	ssub.s32 $0x2, s7;
	s8 =	sor.u32 s9, s8;
	s9 =	sand.u32 $0x200, s31  }
0xc: {  	s11 =	sshrl.u32 s7, $0x1;
	s10 =	sand.u32 $0x78, s8;
	s8 =	sshll.u32 s8, $0x7  }
0xd: {  	s7 =	ssub.s32 s7, s11;
	s11 =	simm.s32 $0x800;
	s9 =	sor.u32 s9, s10  }
0xe: {  	s5 =	sadd.s32 s8, s5;
	s6 =	sadd.s32 s6, s8;
	s9 =	sshrl.u32 s9, $0x3  }
0xf: {  	s7 =	smax.u32 s7, $0x1;
	s5 =	sadd.s32 $0x1000, s5;
	s4 =	sadd.s32 s4, s9  }
0x10: {  	s8 =	sadd.s32 $0x10, s4;
	s9 =	sadd.s32 $0x20, s4;
	s10 =	sadd.s32 $0x30, s4  }
.LBB2_1:
0x11: {  	[tilespmem:s3], [sflag:$0x2] =	stream.linear.gather [hbm4b:s1+s3], $0x800, $0x38;
	[tilespmem:$0x6A00] =	vst v63  }
0x12: {  	_ = 	snop  }
0x13: {  	[tilespmem:s11], [sflag:$0x2] =	stream.linear.gather [hbm4b:s4+s3], $0x8, $0x38;
	[tilespmem:$0x6A00] =	vst v63  }
0x14: {  	_ = 	snop  }
0x15: {  	[tilespmem:s12], [sflag:$0x2] =	stream.linear.gather [hbm4b:s8+s3], $0x8, $0x38;
	[tilespmem:$0x6A00] =	vst v63  }
0x16: {  	_ = 	snop  }
0x17: {  	[tilespmem:s13], [sflag:$0x2] =	stream.linear.gather [hbm4b:s9+s3], $0x8, $0x38;
	[tilespmem:$0x6A00] =	vst v63  }
0x18: {  	_ = 	snop  }
0x19: {  	[tilespmem:s14], [sflag:$0x2] =	stream.linear.gather [hbm4b:s10+s3], $0x8, $0x38;
	[tilespmem:$0x6A00] =	vst v63  }
0x1a: {  	_ = 	snop  }
0x1b: {  	[tilespmem:s15], [sflag:$0x2] =	stream.linear.gather [hbm4b:s5+s3], $0x2000, $0x38;
	[tilespmem:$0x6A00] =	vst v63  }
0x1c: {  	_ =	swait.ge [sflag:s16], $0x800  }
0x1d: {  	[sflag:s16] =	ssyncset.done $0x0  }
0x1e: {  	[sflag:s16] =	ssyncadd.s32 $0xFFFFF800  }
0x1f: {  	_ =	swait.ge [sflag:s16], $0x20  }
0x20: {  	[sflag:s16] =	ssyncset.done $0x0  }
0x21: {  	[sflag:s16] =	ssyncadd.s32 $0xFFFFFFE0  }
0x22: {  	_ =	swait.ge [sflag:s16], $0x2000  }
0x23: {  	[sflag:s16] =	ssyncset.done $0x0  }
0x24: {  	p0 =	por $0x0, $0x0;
	s19 =	simm.s32 $0x0;
	[sflag:s16] =	ssyncadd.s32 $0xFFFFE000  }
.LBB2_2:
0x25: {  	p1 =	slt.u32 s19, $0x2  }
0x26: {  	s20 =	simm.s32 @!p1 $0x1  }
0x27: {  	_ =	swait.ge @!p1 [sflag:s20], $0x2000  }
0x28: {  	s21 =	sshll.u32 s19, $0x7;
	[sflag:s20] =	ssyncset.done @!p1 $0x0  }
0x29: {  	s28 =	sand.u32 $0x3FFFFF80, s21;
	[sflag:s20] =	ssyncadd.s32 @!p1 $0xFFFFE000  }
0x2a: {  	v0 =	vld [tilespmem:s28+$0x800]  }
0x2b: {  	v2 =	vld [tilespmem:$0x80]  }
0x2c: {  	v3 =	vld [tilespmem:$0x0]  }
0x2d: {  	v4 =	vld [tilespmem:$0x90]  }
0x2e: {  	v5 =	vld [tilespmem:$0x10]  }
0x2f: {  	v6 =	vld [tilespmem:$0xA0]  }
0x30: {  	v7 =	vld [tilespmem:$0x20]  }
0x31: {  	v8 =	vld [tilespmem:$0xB0]  }
0x32: {  	v9 =	vld [tilespmem:$0x30]  }
0x33: {  	v10 =	vld [tilespmem:$0xC0]  }
0x34: {  	v11 =	vld [tilespmem:$0x40]  }
0x35: {  	v12 =	vld [tilespmem:$0xD0]  }
0x36: {  	v13 =	vld [tilespmem:$0x50]  }
0x37: {  	v15 =	vld [tilespmem:$0xE0]  }
0x38: {  	v17 =	vld [tilespmem:$0x60]  }
0x39: {  	v18 =	vld [tilespmem:$0xF0]  }
0x3a: {  	v19 =	vld [tilespmem:$0x70]  }
0x3b: {  	v20 =	vld [tilespmem:$0x180]  }
0x3c: {  	v21 =	vld [tilespmem:$0x100]  }
0x3d: {  	v22 =	vld [tilespmem:$0x190]  }
0x3e: {  	v23 =	vld [tilespmem:$0x110]  }
0x3f: {  	v24 =	vld [tilespmem:$0x1A0]  }
0x40: {  	v25 =	vld [tilespmem:$0x120]  }
0x41: {  	v26 =	vld [tilespmem:$0x1B0]  }
0x42: {  	v27 =	vld [tilespmem:$0x130]  }
0x43: {  	v28 =	vld [tilespmem:$0x1C0]  }
0x44: {  	v29 =	vld [tilespmem:$0x140]  }
0x45: {  	v30 =	vld [tilespmem:$0x1D0]  }
0x46: {  	v31 =	vld [tilespmem:$0x150]  }
0x47: {  	v32 =	vld [tilespmem:$0x1E0]  }
0x48: {  	v33 =	vld [tilespmem:$0x160]  }
0x49: {  	v1 =	vld [tilespmem:$0x1F0]  }
0x4a: {  	s29 =	simm.s32 $0xE00;
	v14 =	vld [tilespmem:$0x170]  }
0x4b: {  	v16 =	vld [tilespmem:s29+$0xFFFFFC00]  }
0x4c: {  	v34 =	vld [tilespmem:s29+$0xFFFFFC10]  }
0x4d: {  	v35 =	vld [tilespmem:s29+$0xFFFFFC20]  }
0x4e: {  	v36 =	vld [tilespmem:s29+$0xFFFFFC30]  }
0x4f: {  	v37 =	vld [tilespmem:s29+$0xFFFFFC40]  }
0x50: {  	v38 =	vld [tilespmem:s29+$0xFFFFFC50]  }
0x51: {  	v39 =	vld [tilespmem:s29+$0xFFFFFC60]  }
0x52: {  	s30 =	simm.s32 $0x0;
	v40 =	vld [tilespmem:s29+$0xFFFFFC70];
	v0 =	vcvt.s32.f32 v0  }
0x53: {  	v42 =	vmov s30;
	v41 =	vld [tilespmem:s29+$0x70]  }
0x54: {  	v43 =	vld [tilespmem:s29+$0x0];
	v1 =	vsub.f32 v1, v14;
	v42 =	vperm.xlane v0, v42  }
0x55: {  	v44 =	vld [tilespmem:s29+$0x10];
	v2 =	vsub.f32 v2, v3  }
0x56: {  	s20 =	simm.s32 $0x1;
	v45 =	vld [tilespmem:s29+$0x20];
	v3 =	vsub.f32 v4, v5;
	v5 =	vmul.f32 v42, v1  }
0x57: {  	v46 =	vld [tilespmem:s29+$0x30];
	s20 =	simm.s32 @!p0 $0x0;
	v4 =	vsub.f32 v6, v7;
	v6 =	vmul.f32 v42, v2  }
0x58: {  	v47 =	vld [tilespmem:s29+$0x40];
	s20 =	sshll.u32 s20, $0xD;
	v8 =	vsub.f32 v8, v9;
	v7 =	vmul.f32 v42, v3;
	v5 =	vadd.f32 v41, v5  }
0x59: {  	v63 =	vld [tilespmem:s29+$0x50];
	s24 =	sadd.s32 $0x2E00, s20;
	v14 =	vsub.f32 v10, v11;
	v9 =	vmul.f32 v42, v4;
	v6 =	vadd.f32 v6, v16  }
0x5a: {  	v48 =	vld [tilespmem:s29+$0x60];
	v10 =	vmul.f32 v42, v8;
	v16 =	vsub.f32 v12, v13;
	v7 =	vadd.f32 v34, v7;
	[tilespmem:s24+$0x70] =	vst v5  }
0x5b: {  	v11 =	vmul.f32 v42, v14;
	v9 =	vadd.f32 v35, v9;
	v5 =	vsub.f32 v15, v17;
	[tilespmem:s24+$0xFFFFFC00] =	vst v6  }
0x5c: {  	v10 =	vadd.f32 v36, v10;
	v6 =	vsub.f32 v18, v19;
	[tilespmem:s24+$0xFFFFFC10] =	vst v7;
	v12 =	vmul.f32 v42, v16  }
0x5d: {  	v11 =	vadd.f32 v37, v11;
	v7 =	vsub.f32 v20, v21;
	[tilespmem:s24+$0xFFFFFC20] =	vst v9;
	v13 =	vmul.f32 v42, v5  }
0x5e: {  	v9 =	vsub.f32 v22, v23;
	[tilespmem:s24+$0xFFFFFC30] =	vst v10;
	v12 =	vadd.f32 v38, v12;
	v15 =	vmul.f32 v42, v6  }
0x5f: {  	v10 =	vsub.f32 v24, v25;
	[tilespmem:s24+$0xFFFFFC40] =	vst v11;
	v17 =	vmul.f32 v42, v7;
	v13 =	vadd.f32 v39, v13  }
0x60: {  	v11 =	vsub.f32 v26, v27;
	v18 =	vmul.f32 v42, v9;
	v15 =	vadd.f32 v40, v15;
	[tilespmem:s24+$0xFFFFFC50] =	vst v12  }
0x61: {  	v19 =	vmul.f32 v42, v10;
	v12 =	vsub.f32 v28, v29;
	v17 =	vadd.f32 v43, v17;
	[tilespmem:s24+$0xFFFFFC60] =	vst v13  }
0x62: {  	v20 =	vmul.f32 v42, v11;
	v18 =	vadd.f32 v44, v18;
	v13 =	vsub.f32 v30, v31;
	[tilespmem:s24+$0xFFFFFC70] =	vst v15  }
0x63: {  	v19 =	vadd.f32 v45, v19;
	v15 =	vsub.f32 v32, v33;
	v21 =	vmul.f32 v42, v12;
	[tilespmem:s24+$0x0] =	vst v17  }
0x64: {  	v17 =	vadd.f32 v46, v20;
	[tilespmem:s24+$0x10] =	vst v18;
	v20 =	vmul.f32 v42, v13  }
0x65: {  	[tilespmem:s24+$0x20] =	vst v19;
	v18 =	vadd.f32 v47, v21;
	v21 =	vmul.f32 v42, v15  }
0x66: {  	[tilespmem:s24+$0x30] =	vst v17;
	v19 =	vadd.f32 v63, v20  }
0x67: {  	v17 =	vadd.f32 v48, v21;
	[tilespmem:s24+$0x40] =	vst v18  }
0x68: {  	[tilespmem:s24+$0x50] =	vst v19  }
0x69: {  	s25 =	simm.s32 $0xE80;
	[tilespmem:s24+$0x60] =	vst v17  }
0x6a: {  	v18 =	vld [tilespmem:s25+$0xFFFFFC00]  }
0x6b: {  	s31 =	simm.s32 $0x1;
	v19 =	vld [tilespmem:s25+$0xFFFFFC10]  }
0x6c: {  	v17 =	vmov s31;
	v21 =	vld [tilespmem:s25+$0xFFFFFC20]  }
0x6d: {  	v17 =	vperm.xlane v0, v17;
	v28 =	vld [tilespmem:s25+$0xFFFFFC30]  }
0x6e: {  	v24 =	vld [tilespmem:s25+$0xFFFFFC40]  }
0x6f: {  	v22 =	vld [tilespmem:s25+$0xFFFFFC50];
	v20 =	vmul.f32 v17, v2;
	v25 =	vmul.f32 v17, v3  }
0x70: {  	s23 =	sshll.u32 s19, $0xD;
	v23 =	vld [tilespmem:s25+$0xFFFFFC60];
	v26 =	vmul.f32 v17, v4;
	v29 =	vmul.f32 v17, v8  }
0x71: {  	s26 =	sand.u32 $0x2000, s23;
	s21 =	sor.u32 $0x4670, s20;
	s22 =	sadd.s32 $0x3E70, s20;
	v27 =	vmul.f32 v17, v14;
	v18 =	vadd.f32 v20, v18;
	v20 =	vadd.f32 v19, v25;
	v25 =	vld [tilespmem:s25+$0xFFFFFC70]  }
0x72: {  	s23 =	sadd.s32 $0x3670, s20;
	s20 =	sadd.s32 $0x2A00, s26;
	s26 =	simm.s32 $0x2;
	v19 =	vadd.f32 v21, v26;
	v26 =	vld [tilespmem:s25+$0x70];
	v21 =	vadd.f32 v28, v29;
	v28 =	vmul.f32 v17, v16  }
.LBB2_3:
0x73: {  	p1 =	sne.s32 s26, $0x7;
	v29 =	vld [tilespmem:s25+$0x0];
	v24 =	vadd.f32 v24, v27;
	v27 =	vmul.f32 v17, v5  }
0x74: {  	v30 =	vld [tilespmem:s25+$0x10];
	v22 =	vadd.f32 v22, v28;
	v28 =	vmul.f32 v17, v6  }
0x75: {  	v31 =	vld [tilespmem:s25+$0x20];
	v23 =	vadd.f32 v23, v27;
	v27 =	vmul.f32 v17, v1  }
0x76: {  	v32 =	vld [tilespmem:s25+$0x30];
	v25 =	vadd.f32 v25, v28;
	v28 =	vmul.f32 v17, v7  }
0x77: {  	v34 =	vmul.f32 v17, v9;
	v33 =	vld [tilespmem:s25+$0x40];
	v26 =	vadd.f32 v26, v27  }
0x78: {  	s24 =	sadd.s32 $0x80, s24;
	v27 =	vld [tilespmem:s25+$0x50];
	v28 =	vadd.f32 v29, v28;
	v29 =	vmul.f32 v17, v10  }
0x79: {  	v35 =	vld [tilespmem:s25+$0x60];
	v30 =	vadd.f32 v30, v34;
	v34 =	vmul.f32 v17, v11;
	[tilespmem:s24+$0x70] =	vst v26  }
0x7a: {  	v26 =	vadd.f32 v31, v29;
	v29 =	vmul.f32 v17, v12;
	[tilespmem:s24+$0xFFFFFC00] =	vst v18  }
0x7b: {  	v31 =	vmul.f32 v17, v13;
	v18 =	vadd.f32 v32, v34;
	[tilespmem:s24+$0xFFFFFC10] =	vst v20  }
0x7c: {  	v17 =	vmul.f32 v17, v15;
	v20 =	vadd.f32 v33, v29;
	[tilespmem:s24+$0xFFFFFC20] =	vst v19  }
0x7d: {  	v19 =	vadd.f32 v27, v31;
	[tilespmem:s24+$0xFFFFFC30] =	vst v21  }
0x7e: {  	v17 =	vadd.f32 v35, v17;
	[tilespmem:s24+$0xFFFFFC40] =	vst v24  }
0x7f: {  	[tilespmem:s24+$0xFFFFFC50] =	vst v22  }
0x80: {  	[tilespmem:s24+$0xFFFFFC60] =	vst v23  }
0x81: {  	[tilespmem:s24+$0xFFFFFC70] =	vst v25  }
0x82: {  	[tilespmem:s24+$0x0] =	vst v28  }
0x83: {  	[tilespmem:s24+$0x10] =	vst v30  }
0x84: {  	[tilespmem:s24+$0x20] =	vst v26  }
0x85: {  	[tilespmem:s24+$0x30] =	vst v18  }
0x86: {  	[tilespmem:s24+$0x40] =	vst v20  }
0x87: {  	[tilespmem:s24+$0x50] =	vst v19  }
0x88: {  	s25 =	sadd.s32 $0x80, s25;
	[tilespmem:s24+$0x60] =	vst v17  }
0x89: {  	v17 =	vmov s26;
	v18 =	vld [tilespmem:s25+$0xFFFFFC00]  }
0x8a: {  	v17 =	vperm.xlane v0, v17;
	v19 =	vld [tilespmem:s25+$0xFFFFFC10]  }
0x8b: {  	v21 =	vld [tilespmem:s25+$0xFFFFFC20]  }
0x8c: {  	v20 =	vmul.f32 v17, v2;
	v28 =	vld [tilespmem:s25+$0xFFFFFC30]  }
.Ltmp0:
0x8d: {  	v25 =	vmul.f32 v17, v3;
	v24 =	vld [tilespmem:s25+$0xFFFFFC40];
	(pc) =	sbr.rel @p1 .LBB2_3-.Ltmp0, $4  }
0x8e: {  	v26 =	vmul.f32 v17, v4;
	v22 =	vld [tilespmem:s25+$0xFFFFFC50];
	v18 =	vadd.f32 v20, v18  }
0x8f: {  	v29 =	vmul.f32 v17, v8;
	v23 =	vld [tilespmem:s25+$0xFFFFFC60];
	v20 =	vadd.f32 v19, v25  }
0x90: {  	v27 =	vmul.f32 v17, v14;
	v25 =	vld [tilespmem:s25+$0xFFFFFC70];
	v19 =	vadd.f32 v21, v26  }
0x91: {  	s26 =	sadd.s32 $0x1, s26;
	v26 =	vld [tilespmem:s25+$0x70];
	v21 =	vadd.f32 v28, v29;
	v28 =	vmul.f32 v17, v16  }
0x92: {  	v2 =	vld [tilespmem:s25+$0x0]  }
0x93: {  	v3 =	vld [tilespmem:s25+$0x10]  }
0x94: {  	v4 =	vld [tilespmem:s25+$0x20]  }
0x95: {  	v8 =	vld [tilespmem:s25+$0x30]  }
0x96: {  	v1 =	vmul.f32 v17, v1;
	v14 =	vld [tilespmem:s25+$0x40]  }
0x97: {  	v16 =	vld [tilespmem:s25+$0x50];
	s24 =	sadd.s32 $0x80, s24  }
0x98: {  	v5 =	vmul.f32 v17, v5;
	v1 =	vadd.f32 v26, v1;
	v26 =	vld [tilespmem:s25+$0x60];
	[tilespmem:s24+$0xFFFFFC00] =	vst v18  }
0x99: {  	[tilespmem:s24+$0xFFFFFC10] =	vst v20  }
0x9a: {  	v5 =	vadd.f32 v23, v5;
	[tilespmem:s24+$0xFFFFFC20] =	vst v19  }
0x9b: {  	[tilespmem:s24+$0xFFFFFC30] =	vst v21  }
0x9c: {  	v7 =	vmul.f32 v17, v7;
	v18 =	vadd.f32 v22, v28;
	[tilespmem:s24+$0xFFFFFC60] =	vst v5  }
0x9d: {  	v6 =	vmul.f32 v17, v6;
	[tilespmem:s24+$0x70] =	vst v1;
	v1 =	vadd.f32 v24, v27  }
0x9e: {  	v5 =	vmul.f32 v17, v11;
	v2 =	vadd.f32 v2, v7;
	[tilespmem:s24+$0xFFFFFC50] =	vst v18  }
0x9f: {  	v7 =	vmul.f32 v17, v10;
	[tilespmem:s24+$0xFFFFFC40] =	vst v1;
	v1 =	vadd.f32 v25, v6;
	v6 =	vmul.f32 v17, v9  }
0xa0: {  	[tilespmem:s24+$0x0] =	vst v2;
	v2 =	vadd.f32 v8, v5  }
0xa1: {  	v3 =	vadd.f32 v3, v6;
	[tilespmem:s24+$0xFFFFFC70] =	vst v1;
	v1 =	vadd.f32 v4, v7;
	v4 =	vmul.f32 v17, v12  }
0xa2: {  	v5 =	vmul.f32 v17, v13;
	[tilespmem:s24+$0x30] =	vst v2  }
0xa3: {  	[tilespmem:s24+$0x10] =	vst v3;
	v3 =	vadd.f32 v14, v4;
	v4 =	vmul.f32 v17, v15  }
0xa4: {  	[tilespmem:s24+$0x20] =	vst v1;
	v1 =	vadd.f32 v16, v5  }
0xa5: {  	v2 =	vadd.f32 v26, v4;
	[tilespmem:s24+$0x40] =	vst v3  }
0xa6: {  	[tilespmem:s24+$0x50] =	vst v1  }
0xa7: {  	[tilespmem:s24+$0x60] =	vst v2  }
0xa8: {  	v2 =	vld [tilespmem:$0x280]  }
0xa9: {  	v3 =	vld [tilespmem:$0x200]  }
0xaa: {  	v4 =	vld [tilespmem:$0x290]  }
0xab: {  	v5 =	vld [tilespmem:$0x210]  }
0xac: {  	v6 =	vld [tilespmem:$0x2A0]  }
0xad: {  	v7 =	vld [tilespmem:$0x220]  }
0xae: {  	v8 =	vld [tilespmem:$0x2B0]  }
0xaf: {  	v9 =	vld [tilespmem:$0x230]  }
0xb0: {  	v10 =	vld [tilespmem:$0x2C0]  }
0xb1: {  	v11 =	vld [tilespmem:$0x240]  }
0xb2: {  	v12 =	vld [tilespmem:$0x2D0]  }
0xb3: {  	v13 =	vld [tilespmem:$0x250]  }
0xb4: {  	v15 =	vld [tilespmem:$0x2E0]  }
0xb5: {  	v17 =	vld [tilespmem:$0x260]  }
0xb6: {  	v18 =	vld [tilespmem:$0x2F0]  }
0xb7: {  	v19 =	vld [tilespmem:$0x270]  }
0xb8: {  	v20 =	vld [tilespmem:$0x380]  }
0xb9: {  	v21 =	vld [tilespmem:$0x300]  }
0xba: {  	v22 =	vld [tilespmem:$0x390]  }
0xbb: {  	v23 =	vld [tilespmem:$0x310]  }
0xbc: {  	v24 =	vld [tilespmem:$0x3A0]  }
0xbd: {  	v25 =	vld [tilespmem:$0x320]  }
0xbe: {  	v26 =	vld [tilespmem:$0x3B0]  }
0xbf: {  	v27 =	vld [tilespmem:$0x330]  }
0xc0: {  	v28 =	vld [tilespmem:$0x3C0]  }
0xc1: {  	v29 =	vld [tilespmem:$0x340]  }
0xc2: {  	v30 =	vld [tilespmem:$0x3D0]  }
0xc3: {  	v31 =	vld [tilespmem:$0x350]  }
0xc4: {  	v32 =	vld [tilespmem:$0x3E0]  }
0xc5: {  	v33 =	vld [tilespmem:$0x360]  }
0xc6: {  	v1 =	vld [tilespmem:$0x3F0]  }
0xc7: {  	s29 =	simm.s32 $0x1670;
	v14 =	vld [tilespmem:$0x370]  }
0xc8: {  	v16 =	vld [tilespmem:s29+$0xFFFFFB90]  }
0xc9: {  	v34 =	vld [tilespmem:s29+$0xFFFFFBA0]  }
0xca: {  	v35 =	vld [tilespmem:s29+$0xFFFFFBB0]  }
0xcb: {  	v36 =	vld [tilespmem:s29+$0xFFFFFBC0]  }
0xcc: {  	v37 =	vld [tilespmem:s29+$0xFFFFFBD0]  }
0xcd: {  	v38 =	vld [tilespmem:s29+$0xFFFFFBE0]  }
0xce: {  	v39 =	vld [tilespmem:s29+$0xFFFFFBF0]  }
0xcf: {  	s30 =	simm.s32 $0x0;
	v40 =	vld [tilespmem:s29+$0xFFFFFC00]  }
0xd0: {  	v42 =	vmov s30;
	v41 =	vld [tilespmem:s29+$0x0]  }
0xd1: {  	v42 =	vperm.xlane v0, v42;
	v43 =	vld [tilespmem:s29+$0xFFFFFF90];
	v1 =	vsub.f32 v1, v14  }
0xd2: {  	v44 =	vld [tilespmem:s29+$0xFFFFFFA0];
	v2 =	vsub.f32 v2, v3  }
0xd3: {  	v45 =	vld [tilespmem:s29+$0xFFFFFFB0];
	v3 =	vsub.f32 v4, v5;
	v4 =	vmul.f32 v42, v1  }
0xd4: {  	v46 =	vld [tilespmem:s29+$0xFFFFFFC0];
	v5 =	vsub.f32 v6, v7;
	v6 =	vmul.f32 v42, v2  }
0xd5: {  	v47 =	vld [tilespmem:s29+$0xFFFFFFD0];
	v9 =	vsub.f32 v8, v9;
	v7 =	vmul.f32 v42, v3;
	v4 =	vadd.f32 v41, v4  }
0xd6: {  	v63 =	vld [tilespmem:s29+$0xFFFFFFE0];
	v14 =	vsub.f32 v10, v11;
	v8 =	vmul.f32 v42, v5;
	v6 =	vadd.f32 v6, v16  }
0xd7: {  	v48 =	vld [tilespmem:s29+$0xFFFFFFF0];
	v10 =	vmul.f32 v42, v9;
	v16 =	vsub.f32 v12, v13;
	v7 =	vadd.f32 v34, v7;
	[tilespmem:s23+$0x0] =	vst v4  }
0xd8: {  	v11 =	vmul.f32 v42, v14;
	v8 =	vadd.f32 v35, v8;
	v4 =	vsub.f32 v15, v17;
	[tilespmem:s23+$0xFFFFFB90] =	vst v6  }
0xd9: {  	v10 =	vadd.f32 v36, v10;
	v6 =	vsub.f32 v18, v19;
	[tilespmem:s23+$0xFFFFFBA0] =	vst v7;
	v12 =	vmul.f32 v42, v16  }
0xda: {  	v11 =	vadd.f32 v37, v11;
	v7 =	vsub.f32 v20, v21;
	[tilespmem:s23+$0xFFFFFBB0] =	vst v8;
	v13 =	vmul.f32 v42, v4  }
0xdb: {  	v8 =	vsub.f32 v22, v23;
	[tilespmem:s23+$0xFFFFFBC0] =	vst v10;
	v12 =	vadd.f32 v38, v12;
	v15 =	vmul.f32 v42, v6  }
0xdc: {  	v10 =	vsub.f32 v24, v25;
	[tilespmem:s23+$0xFFFFFBD0] =	vst v11;
	v17 =	vmul.f32 v42, v7;
	v13 =	vadd.f32 v39, v13  }
0xdd: {  	v11 =	vsub.f32 v26, v27;
	v18 =	vmul.f32 v42, v8;
	v15 =	vadd.f32 v40, v15;
	[tilespmem:s23+$0xFFFFFBE0] =	vst v12  }
0xde: {  	v19 =	vmul.f32 v42, v10;
	v12 =	vsub.f32 v28, v29;
	v17 =	vadd.f32 v43, v17;
	[tilespmem:s23+$0xFFFFFBF0] =	vst v13  }
0xdf: {  	v20 =	vmul.f32 v42, v11;
	v18 =	vadd.f32 v44, v18;
	v13 =	vsub.f32 v30, v31;
	[tilespmem:s23+$0xFFFFFC00] =	vst v15  }
0xe0: {  	v19 =	vadd.f32 v45, v19;
	v15 =	vsub.f32 v32, v33;
	v21 =	vmul.f32 v42, v12;
	[tilespmem:s23+$0xFFFFFF90] =	vst v17  }
0xe1: {  	v17 =	vadd.f32 v46, v20;
	[tilespmem:s23+$0xFFFFFFA0] =	vst v18;
	v20 =	vmul.f32 v42, v13  }
0xe2: {  	[tilespmem:s23+$0xFFFFFFB0] =	vst v19;
	v18 =	vadd.f32 v47, v21;
	v21 =	vmul.f32 v42, v15  }
0xe3: {  	[tilespmem:s23+$0xFFFFFFC0] =	vst v17;
	v19 =	vadd.f32 v63, v20  }
0xe4: {  	v17 =	vadd.f32 v48, v21;
	[tilespmem:s23+$0xFFFFFFD0] =	vst v18  }
0xe5: {  	[tilespmem:s23+$0xFFFFFFE0] =	vst v19  }
0xe6: {  	s24 =	simm.s32 $0x16F0;
	[tilespmem:s23+$0xFFFFFFF0] =	vst v17  }
0xe7: {  	v18 =	vld [tilespmem:s24+$0xFFFFFB90]  }
0xe8: {  	s31 =	simm.s32 $0x1;
	v19 =	vld [tilespmem:s24+$0xFFFFFBA0]  }
0xe9: {  	v17 =	vmov s31;
	v21 =	vld [tilespmem:s24+$0xFFFFFBB0]  }
0xea: {  	v17 =	vperm.xlane v0, v17;
	v28 =	vld [tilespmem:s24+$0xFFFFFBC0]  }
0xeb: {  	v25 =	vld [tilespmem:s24+$0xFFFFFBD0]  }
0xec: {  	v22 =	vld [tilespmem:s24+$0xFFFFFBE0];
	v20 =	vmul.f32 v17, v2;
	v24 =	vmul.f32 v17, v3  }
0xed: {  	v23 =	vld [tilespmem:s24+$0xFFFFFBF0];
	v26 =	vmul.f32 v17, v5;
	v29 =	vmul.f32 v17, v9  }
0xee: {  	v27 =	vmul.f32 v17, v14;
	v18 =	vadd.f32 v20, v18;
	v20 =	vadd.f32 v19, v24;
	v24 =	vld [tilespmem:s24+$0xFFFFFC00]  }
0xef: {  	s25 =	simm.s32 $0x2;
	v19 =	vadd.f32 v21, v26;
	v26 =	vld [tilespmem:s24+$0x0];
	v21 =	vadd.f32 v28, v29;
	v28 =	vmul.f32 v17, v16  }
.LBB2_5:
0xf0: {  	p1 =	sne.s32 s25, $0x7;
	v29 =	vld [tilespmem:s24+$0xFFFFFF90];
	v25 =	vadd.f32 v25, v27;
	v27 =	vmul.f32 v17, v4  }
0xf1: {  	v30 =	vld [tilespmem:s24+$0xFFFFFFA0];
	v22 =	vadd.f32 v22, v28;
	v28 =	vmul.f32 v17, v6  }
0xf2: {  	v31 =	vld [tilespmem:s24+$0xFFFFFFB0];
	v23 =	vadd.f32 v23, v27;
	v27 =	vmul.f32 v17, v1  }
0xf3: {  	v32 =	vld [tilespmem:s24+$0xFFFFFFC0];
	v24 =	vadd.f32 v24, v28;
	v28 =	vmul.f32 v17, v7  }
0xf4: {  	v34 =	vmul.f32 v17, v8;
	v33 =	vld [tilespmem:s24+$0xFFFFFFD0];
	v26 =	vadd.f32 v26, v27  }
0xf5: {  	s23 =	sadd.s32 $0x80, s23;
	v27 =	vld [tilespmem:s24+$0xFFFFFFE0];
	v28 =	vadd.f32 v29, v28;
	v29 =	vmul.f32 v17, v10  }
0xf6: {  	v35 =	vld [tilespmem:s24+$0xFFFFFFF0];
	v30 =	vadd.f32 v30, v34;
	v34 =	vmul.f32 v17, v11;
	[tilespmem:s23+$0x0] =	vst v26  }
0xf7: {  	v26 =	vadd.f32 v31, v29;
	v29 =	vmul.f32 v17, v12;
	[tilespmem:s23+$0xFFFFFB90] =	vst v18  }
0xf8: {  	v31 =	vmul.f32 v17, v13;
	v18 =	vadd.f32 v32, v34;
	[tilespmem:s23+$0xFFFFFBA0] =	vst v20  }
0xf9: {  	v17 =	vmul.f32 v17, v15;
	v20 =	vadd.f32 v33, v29;
	[tilespmem:s23+$0xFFFFFBB0] =	vst v19  }
0xfa: {  	v19 =	vadd.f32 v27, v31;
	[tilespmem:s23+$0xFFFFFBC0] =	vst v21  }
0xfb: {  	v17 =	vadd.f32 v35, v17;
	[tilespmem:s23+$0xFFFFFBD0] =	vst v25  }
0xfc: {  	[tilespmem:s23+$0xFFFFFBE0] =	vst v22  }
0xfd: {  	[tilespmem:s23+$0xFFFFFBF0] =	vst v23  }
0xfe: {  	[tilespmem:s23+$0xFFFFFC00] =	vst v24  }
0xff: {  	[tilespmem:s23+$0xFFFFFF90] =	vst v28  }
0x100: {  	[tilespmem:s23+$0xFFFFFFA0] =	vst v30  }
0x101: {  	[tilespmem:s23+$0xFFFFFFB0] =	vst v26  }
0x102: {  	[tilespmem:s23+$0xFFFFFFC0] =	vst v18  }
0x103: {  	[tilespmem:s23+$0xFFFFFFD0] =	vst v20  }
0x104: {  	[tilespmem:s23+$0xFFFFFFE0] =	vst v19  }
0x105: {  	s24 =	sadd.s32 $0x80, s24;
	[tilespmem:s23+$0xFFFFFFF0] =	vst v17  }
0x106: {  	v17 =	vmov s25;
	v18 =	vld [tilespmem:s24+$0xFFFFFB90]  }
0x107: {  	v17 =	vperm.xlane v0, v17;
	v19 =	vld [tilespmem:s24+$0xFFFFFBA0]  }
0x108: {  	v21 =	vld [tilespmem:s24+$0xFFFFFBB0]  }
0x109: {  	v20 =	vmul.f32 v17, v2;
	v28 =	vld [tilespmem:s24+$0xFFFFFBC0]  }
.Ltmp1:
0x10a: {  	v24 =	vmul.f32 v17, v3;
	v25 =	vld [tilespmem:s24+$0xFFFFFBD0];
	(pc) =	sbr.rel @p1 .LBB2_5-.Ltmp1, $4  }
0x10b: {  	v26 =	vmul.f32 v17, v5;
	v22 =	vld [tilespmem:s24+$0xFFFFFBE0];
	v18 =	vadd.f32 v20, v18  }
0x10c: {  	v29 =	vmul.f32 v17, v9;
	v23 =	vld [tilespmem:s24+$0xFFFFFBF0];
	v20 =	vadd.f32 v19, v24  }
0x10d: {  	v27 =	vmul.f32 v17, v14;
	v24 =	vld [tilespmem:s24+$0xFFFFFC00];
	v19 =	vadd.f32 v21, v26  }
0x10e: {  	s25 =	sadd.s32 $0x1, s25;
	v26 =	vld [tilespmem:s24+$0x0];
	v21 =	vadd.f32 v28, v29;
	v28 =	vmul.f32 v17, v16  }
0x10f: {  	v2 =	vld [tilespmem:s24+$0xFFFFFF90]  }
0x110: {  	v3 =	vld [tilespmem:s24+$0xFFFFFFA0]  }
0x111: {  	v5 =	vld [tilespmem:s24+$0xFFFFFFB0]  }
0x112: {  	v9 =	vld [tilespmem:s24+$0xFFFFFFC0]  }
0x113: {  	v1 =	vmul.f32 v17, v1;
	v14 =	vld [tilespmem:s24+$0xFFFFFFD0]  }
0x114: {  	v16 =	vld [tilespmem:s24+$0xFFFFFFE0];
	s23 =	sadd.s32 $0x80, s23  }
0x115: {  	v4 =	vmul.f32 v17, v4;
	v1 =	vadd.f32 v26, v1;
	v26 =	vld [tilespmem:s24+$0xFFFFFFF0];
	[tilespmem:s23+$0xFFFFFB90] =	vst v18  }
0x116: {  	[tilespmem:s23+$0xFFFFFBA0] =	vst v20  }
0x117: {  	v4 =	vadd.f32 v23, v4;
	[tilespmem:s23+$0xFFFFFBB0] =	vst v19  }
0x118: {  	[tilespmem:s23+$0xFFFFFBC0] =	vst v21  }
0x119: {  	v7 =	vmul.f32 v17, v7;
	v18 =	vadd.f32 v22, v28;
	[tilespmem:s23+$0xFFFFFBF0] =	vst v4  }
0x11a: {  	v6 =	vmul.f32 v17, v6;
	[tilespmem:s23+$0x0] =	vst v1;
	v1 =	vadd.f32 v25, v27  }
0x11b: {  	v4 =	vmul.f32 v17, v11;
	v2 =	vadd.f32 v2, v7;
	[tilespmem:s23+$0xFFFFFBE0] =	vst v18  }
0x11c: {  	v7 =	vmul.f32 v17, v10;
	[tilespmem:s23+$0xFFFFFBD0] =	vst v1;
	v1 =	vadd.f32 v24, v6;
	v6 =	vmul.f32 v17, v8  }
0x11d: {  	[tilespmem:s23+$0xFFFFFF90] =	vst v2;
	v2 =	vadd.f32 v9, v4  }
0x11e: {  	v3 =	vadd.f32 v3, v6;
	[tilespmem:s23+$0xFFFFFC00] =	vst v1;
	v1 =	vadd.f32 v5, v7;
	v5 =	vmul.f32 v17, v12  }
0x11f: {  	v4 =	vmul.f32 v17, v13;
	[tilespmem:s23+$0xFFFFFFC0] =	vst v2  }
0x120: {  	[tilespmem:s23+$0xFFFFFFA0] =	vst v3;
	v3 =	vadd.f32 v14, v5;
	v5 =	vmul.f32 v17, v15  }
0x121: {  	[tilespmem:s23+$0xFFFFFFB0] =	vst v1;
	v1 =	vadd.f32 v16, v4  }
0x122: {  	v2 =	vadd.f32 v26, v5;
	[tilespmem:s23+$0xFFFFFFD0] =	vst v3  }
0x123: {  	[tilespmem:s23+$0xFFFFFFE0] =	vst v1  }
0x124: {  	[tilespmem:s23+$0xFFFFFFF0] =	vst v2  }
0x125: {  	v2 =	vld [tilespmem:$0x480]  }
0x126: {  	v3 =	vld [tilespmem:$0x400]  }
0x127: {  	v4 =	vld [tilespmem:$0x490]  }
0x128: {  	v5 =	vld [tilespmem:$0x410]  }
0x129: {  	v6 =	vld [tilespmem:$0x4A0]  }
0x12a: {  	v7 =	vld [tilespmem:$0x420]  }
0x12b: {  	v8 =	vld [tilespmem:$0x4B0]  }
0x12c: {  	v9 =	vld [tilespmem:$0x430]  }
0x12d: {  	v10 =	vld [tilespmem:$0x4C0]  }
0x12e: {  	v11 =	vld [tilespmem:$0x440]  }
0x12f: {  	v12 =	vld [tilespmem:$0x4D0]  }
0x130: {  	v13 =	vld [tilespmem:$0x450]  }
0x131: {  	v15 =	vld [tilespmem:$0x4E0]  }
0x132: {  	v17 =	vld [tilespmem:$0x460]  }
0x133: {  	v18 =	vld [tilespmem:$0x4F0]  }
0x134: {  	v19 =	vld [tilespmem:$0x470]  }
0x135: {  	v20 =	vld [tilespmem:$0x580]  }
0x136: {  	v21 =	vld [tilespmem:$0x500]  }
0x137: {  	v22 =	vld [tilespmem:$0x590]  }
0x138: {  	v23 =	vld [tilespmem:$0x510]  }
0x139: {  	v24 =	vld [tilespmem:$0x5A0]  }
0x13a: {  	v25 =	vld [tilespmem:$0x520]  }
0x13b: {  	v26 =	vld [tilespmem:$0x5B0]  }
0x13c: {  	v27 =	vld [tilespmem:$0x530]  }
0x13d: {  	v28 =	vld [tilespmem:$0x5C0]  }
0x13e: {  	v29 =	vld [tilespmem:$0x540]  }
0x13f: {  	v30 =	vld [tilespmem:$0x5D0]  }
0x140: {  	v31 =	vld [tilespmem:$0x550]  }
0x141: {  	v32 =	vld [tilespmem:$0x5E0]  }
0x142: {  	v33 =	vld [tilespmem:$0x560]  }
0x143: {  	v1 =	vld [tilespmem:$0x5F0]  }
0x144: {  	s29 =	simm.s32 $0x1E70;
	v14 =	vld [tilespmem:$0x570]  }
0x145: {  	v16 =	vld [tilespmem:s29+$0xFFFFFB90]  }
0x146: {  	v34 =	vld [tilespmem:s29+$0xFFFFFBA0]  }
0x147: {  	v35 =	vld [tilespmem:s29+$0xFFFFFBB0]  }
0x148: {  	v36 =	vld [tilespmem:s29+$0xFFFFFBC0]  }
0x149: {  	v37 =	vld [tilespmem:s29+$0xFFFFFBD0]  }
0x14a: {  	v38 =	vld [tilespmem:s29+$0xFFFFFBE0]  }
0x14b: {  	v39 =	vld [tilespmem:s29+$0xFFFFFBF0]  }
0x14c: {  	s30 =	simm.s32 $0x0;
	v40 =	vld [tilespmem:s29+$0xFFFFFC00]  }
0x14d: {  	v42 =	vmov s30;
	v41 =	vld [tilespmem:s29+$0x0]  }
0x14e: {  	v42 =	vperm.xlane v0, v42;
	v43 =	vld [tilespmem:s29+$0xFFFFFF90];
	v1 =	vsub.f32 v1, v14  }
0x14f: {  	v44 =	vld [tilespmem:s29+$0xFFFFFFA0];
	v2 =	vsub.f32 v2, v3  }
0x150: {  	v45 =	vld [tilespmem:s29+$0xFFFFFFB0];
	v3 =	vsub.f32 v4, v5;
	v4 =	vmul.f32 v42, v1  }
0x151: {  	v46 =	vld [tilespmem:s29+$0xFFFFFFC0];
	v5 =	vsub.f32 v6, v7;
	v6 =	vmul.f32 v42, v2  }
0x152: {  	v47 =	vld [tilespmem:s29+$0xFFFFFFD0];
	v9 =	vsub.f32 v8, v9;
	v7 =	vmul.f32 v42, v3;
	v4 =	vadd.f32 v41, v4  }
0x153: {  	v63 =	vld [tilespmem:s29+$0xFFFFFFE0];
	v14 =	vsub.f32 v10, v11;
	v8 =	vmul.f32 v42, v5;
	v6 =	vadd.f32 v6, v16  }
0x154: {  	v48 =	vld [tilespmem:s29+$0xFFFFFFF0];
	v10 =	vmul.f32 v42, v9;
	v16 =	vsub.f32 v12, v13;
	v7 =	vadd.f32 v34, v7;
	[tilespmem:s22+$0x0] =	vst v4  }
0x155: {  	v11 =	vmul.f32 v42, v14;
	v8 =	vadd.f32 v35, v8;
	v4 =	vsub.f32 v15, v17;
	[tilespmem:s22+$0xFFFFFB90] =	vst v6  }
0x156: {  	v10 =	vadd.f32 v36, v10;
	v6 =	vsub.f32 v18, v19;
	[tilespmem:s22+$0xFFFFFBA0] =	vst v7;
	v12 =	vmul.f32 v42, v16  }
0x157: {  	v11 =	vadd.f32 v37, v11;
	v7 =	vsub.f32 v20, v21;
	[tilespmem:s22+$0xFFFFFBB0] =	vst v8;
	v13 =	vmul.f32 v42, v4  }
0x158: {  	v8 =	vsub.f32 v22, v23;
	[tilespmem:s22+$0xFFFFFBC0] =	vst v10;
	v12 =	vadd.f32 v38, v12;
	v15 =	vmul.f32 v42, v6  }
0x159: {  	v10 =	vsub.f32 v24, v25;
	[tilespmem:s22+$0xFFFFFBD0] =	vst v11;
	v17 =	vmul.f32 v42, v7;
	v13 =	vadd.f32 v39, v13  }
0x15a: {  	v11 =	vsub.f32 v26, v27;
	v18 =	vmul.f32 v42, v8;
	v15 =	vadd.f32 v40, v15;
	[tilespmem:s22+$0xFFFFFBE0] =	vst v12  }
0x15b: {  	v19 =	vmul.f32 v42, v10;
	v12 =	vsub.f32 v28, v29;
	v17 =	vadd.f32 v43, v17;
	[tilespmem:s22+$0xFFFFFBF0] =	vst v13  }
0x15c: {  	v20 =	vmul.f32 v42, v11;
	v18 =	vadd.f32 v44, v18;
	v13 =	vsub.f32 v30, v31;
	[tilespmem:s22+$0xFFFFFC00] =	vst v15  }
0x15d: {  	v19 =	vadd.f32 v45, v19;
	v15 =	vsub.f32 v32, v33;
	v21 =	vmul.f32 v42, v12;
	[tilespmem:s22+$0xFFFFFF90] =	vst v17  }
0x15e: {  	v17 =	vadd.f32 v46, v20;
	[tilespmem:s22+$0xFFFFFFA0] =	vst v18;
	v20 =	vmul.f32 v42, v13  }
0x15f: {  	[tilespmem:s22+$0xFFFFFFB0] =	vst v19;
	v18 =	vadd.f32 v47, v21;
	v21 =	vmul.f32 v42, v15  }
0x160: {  	[tilespmem:s22+$0xFFFFFFC0] =	vst v17;
	v19 =	vadd.f32 v63, v20  }
0x161: {  	v17 =	vadd.f32 v48, v21;
	[tilespmem:s22+$0xFFFFFFD0] =	vst v18  }
0x162: {  	[tilespmem:s22+$0xFFFFFFE0] =	vst v19  }
0x163: {  	s23 =	simm.s32 $0x1EF0;
	[tilespmem:s22+$0xFFFFFFF0] =	vst v17  }
0x164: {  	v18 =	vld [tilespmem:s23+$0xFFFFFB90]  }
0x165: {  	s31 =	simm.s32 $0x1;
	v19 =	vld [tilespmem:s23+$0xFFFFFBA0]  }
0x166: {  	v17 =	vmov s31;
	v21 =	vld [tilespmem:s23+$0xFFFFFBB0]  }
0x167: {  	v17 =	vperm.xlane v0, v17;
	v28 =	vld [tilespmem:s23+$0xFFFFFBC0]  }
0x168: {  	v25 =	vld [tilespmem:s23+$0xFFFFFBD0]  }
0x169: {  	v22 =	vld [tilespmem:s23+$0xFFFFFBE0];
	v20 =	vmul.f32 v17, v2;
	v24 =	vmul.f32 v17, v3  }
0x16a: {  	v23 =	vld [tilespmem:s23+$0xFFFFFBF0];
	v26 =	vmul.f32 v17, v5;
	v29 =	vmul.f32 v17, v9  }
0x16b: {  	v27 =	vmul.f32 v17, v14;
	v18 =	vadd.f32 v20, v18;
	v20 =	vadd.f32 v19, v24;
	v24 =	vld [tilespmem:s23+$0xFFFFFC00]  }
0x16c: {  	s24 =	simm.s32 $0x2;
	v19 =	vadd.f32 v21, v26;
	v26 =	vld [tilespmem:s23+$0x0];
	v21 =	vadd.f32 v28, v29;
	v28 =	vmul.f32 v17, v16  }
.LBB2_7:
0x16d: {  	p1 =	sne.s32 s24, $0x7;
	v29 =	vld [tilespmem:s23+$0xFFFFFF90];
	v25 =	vadd.f32 v25, v27;
	v27 =	vmul.f32 v17, v4  }
0x16e: {  	v30 =	vld [tilespmem:s23+$0xFFFFFFA0];
	v22 =	vadd.f32 v22, v28;
	v28 =	vmul.f32 v17, v6  }
0x16f: {  	v31 =	vld [tilespmem:s23+$0xFFFFFFB0];
	v23 =	vadd.f32 v23, v27;
	v27 =	vmul.f32 v17, v1  }
0x170: {  	v32 =	vld [tilespmem:s23+$0xFFFFFFC0];
	v24 =	vadd.f32 v24, v28;
	v28 =	vmul.f32 v17, v7  }
0x171: {  	v34 =	vmul.f32 v17, v8;
	v33 =	vld [tilespmem:s23+$0xFFFFFFD0];
	v26 =	vadd.f32 v26, v27  }
0x172: {  	s22 =	sadd.s32 $0x80, s22;
	v27 =	vld [tilespmem:s23+$0xFFFFFFE0];
	v28 =	vadd.f32 v29, v28;
	v29 =	vmul.f32 v17, v10  }
0x173: {  	v35 =	vld [tilespmem:s23+$0xFFFFFFF0];
	v30 =	vadd.f32 v30, v34;
	v34 =	vmul.f32 v17, v11;
	[tilespmem:s22+$0x0] =	vst v26  }
0x174: {  	v26 =	vadd.f32 v31, v29;
	v29 =	vmul.f32 v17, v12;
	[tilespmem:s22+$0xFFFFFB90] =	vst v18  }
0x175: {  	v31 =	vmul.f32 v17, v13;
	v18 =	vadd.f32 v32, v34;
	[tilespmem:s22+$0xFFFFFBA0] =	vst v20  }
0x176: {  	v17 =	vmul.f32 v17, v15;
	v20 =	vadd.f32 v33, v29;
	[tilespmem:s22+$0xFFFFFBB0] =	vst v19  }
0x177: {  	v19 =	vadd.f32 v27, v31;
	[tilespmem:s22+$0xFFFFFBC0] =	vst v21  }
0x178: {  	v17 =	vadd.f32 v35, v17;
	[tilespmem:s22+$0xFFFFFBD0] =	vst v25  }
0x179: {  	[tilespmem:s22+$0xFFFFFBE0] =	vst v22  }
0x17a: {  	[tilespmem:s22+$0xFFFFFBF0] =	vst v23  }
0x17b: {  	[tilespmem:s22+$0xFFFFFC00] =	vst v24  }
0x17c: {  	[tilespmem:s22+$0xFFFFFF90] =	vst v28  }
0x17d: {  	[tilespmem:s22+$0xFFFFFFA0] =	vst v30  }
0x17e: {  	[tilespmem:s22+$0xFFFFFFB0] =	vst v26  }
0x17f: {  	[tilespmem:s22+$0xFFFFFFC0] =	vst v18  }
0x180: {  	[tilespmem:s22+$0xFFFFFFD0] =	vst v20  }
0x181: {  	[tilespmem:s22+$0xFFFFFFE0] =	vst v19  }
0x182: {  	s23 =	sadd.s32 $0x80, s23;
	[tilespmem:s22+$0xFFFFFFF0] =	vst v17  }
0x183: {  	v17 =	vmov s24;
	v18 =	vld [tilespmem:s23+$0xFFFFFB90]  }
0x184: {  	v17 =	vperm.xlane v0, v17;
	v19 =	vld [tilespmem:s23+$0xFFFFFBA0]  }
0x185: {  	v21 =	vld [tilespmem:s23+$0xFFFFFBB0]  }
0x186: {  	v20 =	vmul.f32 v17, v2;
	v28 =	vld [tilespmem:s23+$0xFFFFFBC0]  }
.Ltmp2:
0x187: {  	v24 =	vmul.f32 v17, v3;
	v25 =	vld [tilespmem:s23+$0xFFFFFBD0];
	(pc) =	sbr.rel @p1 .LBB2_7-.Ltmp2, $4  }
0x188: {  	v26 =	vmul.f32 v17, v5;
	v22 =	vld [tilespmem:s23+$0xFFFFFBE0];
	v18 =	vadd.f32 v20, v18  }
0x189: {  	v29 =	vmul.f32 v17, v9;
	v23 =	vld [tilespmem:s23+$0xFFFFFBF0];
	v20 =	vadd.f32 v19, v24  }
0x18a: {  	v27 =	vmul.f32 v17, v14;
	v24 =	vld [tilespmem:s23+$0xFFFFFC00];
	v19 =	vadd.f32 v21, v26  }
0x18b: {  	s24 =	sadd.s32 $0x1, s24;
	v26 =	vld [tilespmem:s23+$0x0];
	v21 =	vadd.f32 v28, v29;
	v28 =	vmul.f32 v17, v16  }
0x18c: {  	v2 =	vld [tilespmem:s23+$0xFFFFFF90]  }
0x18d: {  	v3 =	vld [tilespmem:s23+$0xFFFFFFA0]  }
0x18e: {  	v5 =	vld [tilespmem:s23+$0xFFFFFFB0]  }
0x18f: {  	v9 =	vld [tilespmem:s23+$0xFFFFFFC0]  }
0x190: {  	v1 =	vmul.f32 v17, v1;
	v14 =	vld [tilespmem:s23+$0xFFFFFFD0]  }
0x191: {  	v16 =	vld [tilespmem:s23+$0xFFFFFFE0];
	s22 =	sadd.s32 $0x80, s22  }
0x192: {  	v4 =	vmul.f32 v17, v4;
	v1 =	vadd.f32 v26, v1;
	v26 =	vld [tilespmem:s23+$0xFFFFFFF0];
	[tilespmem:s22+$0xFFFFFB90] =	vst v18  }
0x193: {  	[tilespmem:s22+$0xFFFFFBA0] =	vst v20  }
0x194: {  	v4 =	vadd.f32 v23, v4;
	[tilespmem:s22+$0xFFFFFBB0] =	vst v19  }
0x195: {  	[tilespmem:s22+$0xFFFFFBC0] =	vst v21  }
0x196: {  	v7 =	vmul.f32 v17, v7;
	v18 =	vadd.f32 v22, v28;
	[tilespmem:s22+$0xFFFFFBF0] =	vst v4  }
0x197: {  	v6 =	vmul.f32 v17, v6;
	[tilespmem:s22+$0x0] =	vst v1;
	v1 =	vadd.f32 v25, v27  }
0x198: {  	v4 =	vmul.f32 v17, v11;
	v2 =	vadd.f32 v2, v7;
	[tilespmem:s22+$0xFFFFFBE0] =	vst v18  }
0x199: {  	v7 =	vmul.f32 v17, v10;
	[tilespmem:s22+$0xFFFFFBD0] =	vst v1;
	v1 =	vadd.f32 v24, v6;
	v6 =	vmul.f32 v17, v8  }
0x19a: {  	[tilespmem:s22+$0xFFFFFF90] =	vst v2;
	v2 =	vadd.f32 v9, v4  }
0x19b: {  	v3 =	vadd.f32 v3, v6;
	[tilespmem:s22+$0xFFFFFC00] =	vst v1;
	v1 =	vadd.f32 v5, v7;
	v5 =	vmul.f32 v17, v12  }
0x19c: {  	v4 =	vmul.f32 v17, v13;
	[tilespmem:s22+$0xFFFFFFC0] =	vst v2  }
0x19d: {  	[tilespmem:s22+$0xFFFFFFA0] =	vst v3;
	v3 =	vadd.f32 v14, v5;
	v5 =	vmul.f32 v17, v15  }
0x19e: {  	[tilespmem:s22+$0xFFFFFFB0] =	vst v1;
	v1 =	vadd.f32 v16, v4  }
0x19f: {  	v2 =	vadd.f32 v26, v5;
	[tilespmem:s22+$0xFFFFFFD0] =	vst v3  }
0x1a0: {  	[tilespmem:s22+$0xFFFFFFE0] =	vst v1  }
0x1a1: {  	[tilespmem:s22+$0xFFFFFFF0] =	vst v2  }
0x1a2: {  	v2 =	vld [tilespmem:$0x680]  }
0x1a3: {  	v3 =	vld [tilespmem:$0x600]  }
0x1a4: {  	v4 =	vld [tilespmem:$0x690]  }
0x1a5: {  	v5 =	vld [tilespmem:$0x610]  }
0x1a6: {  	v6 =	vld [tilespmem:$0x6A0]  }
0x1a7: {  	v7 =	vld [tilespmem:$0x620]  }
0x1a8: {  	v8 =	vld [tilespmem:$0x6B0]  }
0x1a9: {  	v9 =	vld [tilespmem:$0x630]  }
0x1aa: {  	v10 =	vld [tilespmem:$0x6C0]  }
0x1ab: {  	v11 =	vld [tilespmem:$0x640]  }
0x1ac: {  	v12 =	vld [tilespmem:$0x6D0]  }
0x1ad: {  	v13 =	vld [tilespmem:$0x650]  }
0x1ae: {  	v15 =	vld [tilespmem:$0x6E0]  }
0x1af: {  	v17 =	vld [tilespmem:$0x660]  }
0x1b0: {  	v18 =	vld [tilespmem:$0x6F0]  }
0x1b1: {  	v19 =	vld [tilespmem:$0x670]  }
0x1b2: {  	v20 =	vld [tilespmem:$0x780]  }
0x1b3: {  	v21 =	vld [tilespmem:$0x700]  }
0x1b4: {  	v22 =	vld [tilespmem:$0x790]  }
0x1b5: {  	v23 =	vld [tilespmem:$0x710]  }
0x1b6: {  	v24 =	vld [tilespmem:$0x7A0]  }
0x1b7: {  	v25 =	vld [tilespmem:$0x720]  }
0x1b8: {  	v26 =	vld [tilespmem:$0x7B0]  }
0x1b9: {  	v27 =	vld [tilespmem:$0x730]  }
0x1ba: {  	v28 =	vld [tilespmem:$0x7C0]  }
0x1bb: {  	v29 =	vld [tilespmem:$0x740]  }
0x1bc: {  	v30 =	vld [tilespmem:$0x7D0]  }
0x1bd: {  	v31 =	vld [tilespmem:$0x750]  }
0x1be: {  	v32 =	vld [tilespmem:$0x7E0]  }
0x1bf: {  	v33 =	vld [tilespmem:$0x760]  }
0x1c0: {  	v1 =	vld [tilespmem:$0x7F0]  }
0x1c1: {  	s29 =	simm.s32 $0x2670;
	v14 =	vld [tilespmem:$0x770]  }
0x1c2: {  	v16 =	vld [tilespmem:s29+$0xFFFFFB90]  }
0x1c3: {  	v34 =	vld [tilespmem:s29+$0xFFFFFBA0]  }
0x1c4: {  	v35 =	vld [tilespmem:s29+$0xFFFFFBB0]  }
0x1c5: {  	v36 =	vld [tilespmem:s29+$0xFFFFFBC0]  }
0x1c6: {  	v37 =	vld [tilespmem:s29+$0xFFFFFBD0]  }
0x1c7: {  	v38 =	vld [tilespmem:s29+$0xFFFFFBE0]  }
0x1c8: {  	v39 =	vld [tilespmem:s29+$0xFFFFFBF0]  }
0x1c9: {  	s30 =	simm.s32 $0x0;
	v40 =	vld [tilespmem:s29+$0xFFFFFC00]  }
0x1ca: {  	v42 =	vmov s30;
	v41 =	vld [tilespmem:s29+$0x0]  }
0x1cb: {  	v42 =	vperm.xlane v0, v42;
	v43 =	vld [tilespmem:s29+$0xFFFFFF90];
	v1 =	vsub.f32 v1, v14  }
0x1cc: {  	v44 =	vld [tilespmem:s29+$0xFFFFFFA0];
	v2 =	vsub.f32 v2, v3  }
0x1cd: {  	v45 =	vld [tilespmem:s29+$0xFFFFFFB0];
	v3 =	vsub.f32 v4, v5;
	v4 =	vmul.f32 v42, v1  }
0x1ce: {  	v46 =	vld [tilespmem:s29+$0xFFFFFFC0];
	v5 =	vsub.f32 v6, v7;
	v6 =	vmul.f32 v42, v2  }
0x1cf: {  	v47 =	vld [tilespmem:s29+$0xFFFFFFD0];
	v9 =	vsub.f32 v8, v9;
	v7 =	vmul.f32 v42, v3;
	v4 =	vadd.f32 v41, v4  }
0x1d0: {  	v63 =	vld [tilespmem:s29+$0xFFFFFFE0];
	v14 =	vsub.f32 v10, v11;
	v8 =	vmul.f32 v42, v5;
	v6 =	vadd.f32 v6, v16  }
0x1d1: {  	v48 =	vld [tilespmem:s29+$0xFFFFFFF0];
	v10 =	vmul.f32 v42, v9;
	v16 =	vsub.f32 v12, v13;
	v7 =	vadd.f32 v34, v7;
	[tilespmem:s21+$0x0] =	vst v4  }
0x1d2: {  	v11 =	vmul.f32 v42, v14;
	v8 =	vadd.f32 v35, v8;
	v4 =	vsub.f32 v15, v17;
	[tilespmem:s21+$0xFFFFFB90] =	vst v6  }
0x1d3: {  	v10 =	vadd.f32 v36, v10;
	v6 =	vsub.f32 v18, v19;
	[tilespmem:s21+$0xFFFFFBA0] =	vst v7;
	v12 =	vmul.f32 v42, v16  }
0x1d4: {  	v11 =	vadd.f32 v37, v11;
	v7 =	vsub.f32 v20, v21;
	[tilespmem:s21+$0xFFFFFBB0] =	vst v8;
	v13 =	vmul.f32 v42, v4  }
0x1d5: {  	v8 =	vsub.f32 v22, v23;
	[tilespmem:s21+$0xFFFFFBC0] =	vst v10;
	v12 =	vadd.f32 v38, v12;
	v15 =	vmul.f32 v42, v6  }
0x1d6: {  	v10 =	vsub.f32 v24, v25;
	[tilespmem:s21+$0xFFFFFBD0] =	vst v11;
	v17 =	vmul.f32 v42, v7;
	v13 =	vadd.f32 v39, v13  }
0x1d7: {  	v11 =	vsub.f32 v26, v27;
	v18 =	vmul.f32 v42, v8;
	v15 =	vadd.f32 v40, v15;
	[tilespmem:s21+$0xFFFFFBE0] =	vst v12  }
0x1d8: {  	v19 =	vmul.f32 v42, v10;
	v12 =	vsub.f32 v28, v29;
	v17 =	vadd.f32 v43, v17;
	[tilespmem:s21+$0xFFFFFBF0] =	vst v13  }
0x1d9: {  	v20 =	vmul.f32 v42, v11;
	v18 =	vadd.f32 v44, v18;
	v13 =	vsub.f32 v30, v31;
	[tilespmem:s21+$0xFFFFFC00] =	vst v15  }
0x1da: {  	v19 =	vadd.f32 v45, v19;
	v15 =	vsub.f32 v32, v33;
	v21 =	vmul.f32 v42, v12;
	[tilespmem:s21+$0xFFFFFF90] =	vst v17  }
0x1db: {  	v17 =	vadd.f32 v46, v20;
	[tilespmem:s21+$0xFFFFFFA0] =	vst v18;
	v20 =	vmul.f32 v42, v13  }
0x1dc: {  	[tilespmem:s21+$0xFFFFFFB0] =	vst v19;
	v18 =	vadd.f32 v47, v21;
	v21 =	vmul.f32 v42, v15  }
0x1dd: {  	[tilespmem:s21+$0xFFFFFFC0] =	vst v17;
	v19 =	vadd.f32 v63, v20  }
0x1de: {  	v17 =	vadd.f32 v48, v21;
	[tilespmem:s21+$0xFFFFFFD0] =	vst v18  }
0x1df: {  	[tilespmem:s21+$0xFFFFFFE0] =	vst v19  }
0x1e0: {  	s22 =	simm.s32 $0x26F0;
	[tilespmem:s21+$0xFFFFFFF0] =	vst v17  }
0x1e1: {  	s31 =	simm.s32 $0x1;
	v18 =	vld [tilespmem:s22+$0xFFFFFB90]  }
0x1e2: {  	v17 =	vmov s31;
	v19 =	vld [tilespmem:s22+$0xFFFFFBA0]  }
0x1e3: {  	v17 =	vperm.xlane v0, v17;
	v20 =	vld [tilespmem:s22+$0xFFFFFBB0]  }
0x1e4: {  	v21 =	vld [tilespmem:s22+$0xFFFFFBC0]  }
0x1e5: {  	v25 =	vld [tilespmem:s22+$0xFFFFFBD0];
	v23 =	vmul.f32 v17, v2  }
0x1e6: {  	v22 =	vld [tilespmem:s22+$0xFFFFFBE0];
	v24 =	vmul.f32 v17, v3  }
0x1e7: {  	v26 =	vmul.f32 v17, v5;
	v28 =	vmul.f32 v17, v9;
	v18 =	vadd.f32 v23, v18;
	v23 =	vld [tilespmem:s22+$0xFFFFFBF0]  }
0x1e8: {  	v27 =	vmul.f32 v17, v14;
	v19 =	vadd.f32 v19, v24;
	v24 =	vld [tilespmem:s22+$0xFFFFFC00]  }
0x1e9: {  	s23 =	simm.s32 $0x2;
	v20 =	vadd.f32 v20, v26;
	v26 =	vld [tilespmem:s22+$0x0];
	v21 =	vadd.f32 v21, v28;
	v28 =	vmul.f32 v17, v16  }
.LBB2_9:
0x1ea: {  	p1 =	sne.s32 s23, $0x7;
	v29 =	vld [tilespmem:s22+$0xFFFFFF90];
	v25 =	vadd.f32 v25, v27;
	v27 =	vmul.f32 v17, v4  }
0x1eb: {  	v30 =	vld [tilespmem:s22+$0xFFFFFFA0];
	v22 =	vadd.f32 v22, v28;
	v28 =	vmul.f32 v17, v6  }
0x1ec: {  	v31 =	vld [tilespmem:s22+$0xFFFFFFB0];
	v23 =	vadd.f32 v23, v27;
	v27 =	vmul.f32 v17, v1  }
0x1ed: {  	v32 =	vld [tilespmem:s22+$0xFFFFFFC0];
	v24 =	vadd.f32 v24, v28;
	v28 =	vmul.f32 v17, v7  }
0x1ee: {  	v34 =	vmul.f32 v17, v8;
	v33 =	vld [tilespmem:s22+$0xFFFFFFD0];
	v26 =	vadd.f32 v26, v27  }
0x1ef: {  	s21 =	sadd.s32 $0x80, s21;
	v27 =	vld [tilespmem:s22+$0xFFFFFFE0];
	v28 =	vadd.f32 v29, v28;
	v29 =	vmul.f32 v17, v10  }
0x1f0: {  	v35 =	vld [tilespmem:s22+$0xFFFFFFF0];
	v30 =	vadd.f32 v30, v34;
	v34 =	vmul.f32 v17, v11;
	[tilespmem:s21+$0x0] =	vst v26  }
0x1f1: {  	v26 =	vadd.f32 v31, v29;
	v29 =	vmul.f32 v17, v12;
	[tilespmem:s21+$0xFFFFFB90] =	vst v18  }
0x1f2: {  	v31 =	vmul.f32 v17, v13;
	v18 =	vadd.f32 v32, v34;
	[tilespmem:s21+$0xFFFFFBA0] =	vst v19  }
0x1f3: {  	v17 =	vmul.f32 v17, v15;
	v19 =	vadd.f32 v33, v29;
	[tilespmem:s21+$0xFFFFFBB0] =	vst v20  }
0x1f4: {  	v20 =	vadd.f32 v27, v31;
	[tilespmem:s21+$0xFFFFFBC0] =	vst v21  }
0x1f5: {  	v17 =	vadd.f32 v35, v17;
	[tilespmem:s21+$0xFFFFFBD0] =	vst v25  }
0x1f6: {  	[tilespmem:s21+$0xFFFFFBE0] =	vst v22  }
0x1f7: {  	[tilespmem:s21+$0xFFFFFBF0] =	vst v23  }
0x1f8: {  	[tilespmem:s21+$0xFFFFFC00] =	vst v24  }
0x1f9: {  	[tilespmem:s21+$0xFFFFFF90] =	vst v28  }
0x1fa: {  	[tilespmem:s21+$0xFFFFFFA0] =	vst v30  }
0x1fb: {  	[tilespmem:s21+$0xFFFFFFB0] =	vst v26  }
0x1fc: {  	[tilespmem:s21+$0xFFFFFFC0] =	vst v18  }
0x1fd: {  	[tilespmem:s21+$0xFFFFFFD0] =	vst v19  }
0x1fe: {  	[tilespmem:s21+$0xFFFFFFE0] =	vst v20  }
0x1ff: {  	s22 =	sadd.s32 $0x80, s22;
	[tilespmem:s21+$0xFFFFFFF0] =	vst v17  }
0x200: {  	v17 =	vmov s23;
	v18 =	vld [tilespmem:s22+$0xFFFFFB90]  }
0x201: {  	v17 =	vperm.xlane v0, v17;
	v19 =	vld [tilespmem:s22+$0xFFFFFBA0]  }
0x202: {  	v20 =	vld [tilespmem:s22+$0xFFFFFBB0]  }
0x203: {  	v23 =	vmul.f32 v17, v2;
	v21 =	vld [tilespmem:s22+$0xFFFFFBC0]  }
.Ltmp3:
0x204: {  	v24 =	vmul.f32 v17, v3;
	v25 =	vld [tilespmem:s22+$0xFFFFFBD0];
	(pc) =	sbr.rel @p1 .LBB2_9-.Ltmp3, $4  }
0x205: {  	v26 =	vmul.f32 v17, v5;
	v22 =	vld [tilespmem:s22+$0xFFFFFBE0];
	v18 =	vadd.f32 v23, v18  }
0x206: {  	v28 =	vmul.f32 v17, v9;
	v23 =	vld [tilespmem:s22+$0xFFFFFBF0];
	v19 =	vadd.f32 v19, v24  }
0x207: {  	v27 =	vmul.f32 v17, v14;
	v24 =	vld [tilespmem:s22+$0xFFFFFC00];
	v20 =	vadd.f32 v20, v26  }
0x208: {  	s23 =	sadd.s32 $0x1, s23;
	v26 =	vld [tilespmem:s22+$0x0];
	v21 =	vadd.f32 v21, v28;
	v28 =	vmul.f32 v17, v16  }
0x209: {  	v0 =	vld [tilespmem:s22+$0xFFFFFF90]  }
0x20a: {  	v2 =	vld [tilespmem:s22+$0xFFFFFFA0]  }
0x20b: {  	v3 =	vld [tilespmem:s22+$0xFFFFFFB0]  }
0x20c: {  	v5 =	vld [tilespmem:s22+$0xFFFFFFC0]  }
0x20d: {  	v9 =	vld [tilespmem:s22+$0xFFFFFFD0]  }
0x20e: {  	v14 =	vld [tilespmem:s22+$0xFFFFFFE0];
	s21 =	sadd.s32 $0x80, s21  }
0x20f: {  	v16 =	vld [tilespmem:s22+$0xFFFFFFF0];
	[tilespmem:s21+$0xFFFFFB90] =	vst v18  }
0x210: {  	[tilespmem:s21+$0xFFFFFBA0] =	vst v19  }
0x211: {  	v50 =	vadd.f32 v25, v27;
	v4 =	vmul.f32 v17, v4;
	[tilespmem:s21+$0xFFFFFBB0] =	vst v20  }
0x212: {  	v6 =	vmul.f32 v17, v6;
	v51 =	vadd.f32 v22, v28;
	[tilespmem:s21+$0xFFFFFBC0] =	vst v21  }
0x213: {  	v1 =	vmul.f32 v17, v1;
	v4 =	vadd.f32 v23, v4;
	[tilespmem:s21+$0xFFFFFBD0] =	vst v50  }
0x214: {  	v7 =	vmul.f32 v17, v7;
	v52 =	vadd.f32 v24, v6;
	[tilespmem:s21+$0xFFFFFBE0] =	vst v51  }
0x215: {  	v53 =	vmul.f32 v17, v8;
	v1 =	vadd.f32 v26, v1;
	[tilespmem:s21+$0xFFFFFBF0] =	vst v4  }
0x216: {  	v54 =	vmul.f32 v17, v10;
	v0 =	vadd.f32 v0, v7;
	[tilespmem:s21+$0xFFFFFC00] =	vst v52  }
0x217: {  	v55 =	vmul.f32 v17, v11;
	v2 =	vadd.f32 v2, v53;
	[tilespmem:s21+$0x0] =	vst v1  }
0x218: {  	v57 =	vmul.f32 v17, v12;
	v56 =	vadd.f32 v3, v54;
	[tilespmem:s21+$0xFFFFFF90] =	vst v0  }
0x219: {  	v59 =	vmul.f32 v17, v13;
	s30 =	sshll.u32 s19, $0x12;
	s19 =	sadd.s32 $0x1, s19;
	v58 =	vadd.f32 v5, v55;
	[tilespmem:s21+$0xFFFFFFA0] =	vst v2  }
0x21a: {  	v61 =	vmul.f32 v17, v15;
	p1 =	sne.s32 s19, $0x4;
	v60 =	vadd.f32 v9, v57;
	[tilespmem:s21+$0xFFFFFFB0] =	vst v56  }
.Ltmp4:
0x21b: {  	v62 =	vadd.f32 v14, v59;
	[tilespmem:s21+$0xFFFFFFC0] =	vst v58;
	(pc) =	sbr.rel @p1 .LBB2_2-.Ltmp4, $4  }
0x21c: {  	v63 =	vadd.f32 v16, v61;
	[tilespmem:s21+$0xFFFFFFD0] =	vst v60  }
0x21d: {  	[tilespmem:s21+$0xFFFFFFE0] =	vst v62  }
0x21e: {  	p0 =	por !p0, !p0;
	s31 =	sadd.s32 s30, s6;
	[tilespmem:s21+$0xFFFFFFF0] =	vst v63  }
0x21f: {  	[hbm4b:s31+s3] =	stream.linear.scatter [tilespmem:s20], [sflag:$0x1], $0x2000, $0x38;
	[tilespmem:$0x6A00] =	vst v63  }
0x220: {  	s18 =	sadd.s32 $0x1, s18  }
0x221: {  	_ =	swait.ge [sflag:s17], $0x2000;
	p0 =	sne.s32 s18, s7  }
.Ltmp5:
0x222: {  	[sflag:s17] =	ssyncset.done $0x0;
	(pc) =	sbr.rel @p0 .LBB2_1-.Ltmp5, $4  }
0x223: {  	[sflag:s17] =	ssyncadd.s32 $0xFFFFE000  }
0x224: {  	_ =	swait.ge [sflag:s17], $0x2000  }
0x225: {  	[sflag:s17] =	ssyncset.done $0x0  }
0x226: {  	[sflag:s17] =	ssyncadd.s32 $0xFFFFE000  }
0x227: {  	_ =	sfence.sel $0x180000  }
0x228: {  	[bflag:$0x0] =	sbarrier.arrive $0xFFFF  }
0x229: {  	p0 =	sne.s32 s2, $0x0;
	_ =	strace $0x90000047  }
0x22a: {  	s0 =	sadd.s32 @!p0 $0x100000, s0;
	[bflag:$0x2] =	sbarrier.arrive $0xFFFF  }
0x22b: {  	[sflag:s0] =	ssyncadd.tile.s32 @!p0 $0x1;
	_ =	shalt  }
.Lfunc_end2:
_tile_overlayer_lowered:
.L_overlay_start_2:
0x22c: {  	(tag) =	ssettag $0x2  }
0x22d: {  	s0 =	rddreg [dreg:$0x0];
	s2 =	stileid.u32  }
0x22e: {  	s1 =	rddreg [dreg:$0x1];
	p0 =	sne.s32 s2, $0x0  }
0x22f: {  	s3 =	rddreg [dreg:$0x2];
	[bflag:$0x3] =	sbarrier.arrive $0xFFFF;
	s2 =	simm.s32 @!p0 $0x1C03  }
0x230: {  	[timem:s3], [sflag:s2] =	dma.local @!p0 [hbm:s0], s1  }
0x231: {  	s0 =	simm.s32 @!p0 $0x3  }
0x232: {  	_ =	swait.ge @!p0 [sflag:s0], s1  }
0x233: {  	s1 =	ssub.s32 @!p0 $0x0, s1;
	[sflag:s0] =	ssyncset.done @!p0 $0x0  }
0x234: {  	[sflag:s0] =	ssyncadd.s32 @!p0 s1  }
0x235: {  	[bflag:$0x3] =	sbarrier.arrive $0xFFFF  }
0x236: {  	_ =	shalt  }

</sc_bundles>
